<compile_context>
chip_gen: v7x
topology: tpu7x:2x2x1
jax: 0.10.2.dev20260603
libtpu: 0.0.44.dev20260713+nightly
codegen_flags: <defaults>
</compile_context>

<pallas_src>
import functools

import jax
import jax.numpy as jnp
from jax import lax
from jax.experimental import pallas as pl
from jax.experimental.pallas import tpu as pltpu
from jax.experimental.pallas import tpu_sc as plsc

_N_TASKS = 1000000
_EMBED = 16
_HIST = 200
_SEQ = 190
_OUT_COLS = _EMBED + 1
_CH = 8
_N_CHUNKS = _HIST // _CH
_NW = 16


def _chunk_ids_marks(base, st0_v, st1_v, null_b, lane):
    in_hist = (base + lane) < _SEQ
    ids = jnp.where(in_hist, st0_v[pl.ds(base, 16)].astype(jnp.int32), _N_TASKS)
    marks = jnp.where(in_hist, st1_v[pl.ds(base, 16)], null_b)
    return ids, marks


def _fire_gathers(k, ids, col_v, tableT_hbm, sem, lane):
    copies = []
    for i in range(_CH):
        row_id = jnp.sum(jnp.where(lane == i, ids, 0))
        tile_base = pl.multiple_of(lax.shift_right_logical(row_id, 7) * 128, 128)
        copies.append(
            pltpu.make_async_copy(
                tableT_hbm.at[:, pl.ds(tile_base, 128)], col_v.at[k * _CH + i], sem
            )
        )
        copies[-1].start()
    return copies


def _assemble_chunk(k, ids, marks, col_v, out_v, lane):
    offs = jnp.bitwise_and(ids, 127)
    for i in range(_CH):
        off_b = jnp.sum(jnp.where(lane == i, offs, 0)) + jnp.zeros((16,), jnp.int32)
        out_v[pl.ds((k * _CH + i) * _OUT_COLS, _EMBED)] = plsc.load_gather(
            col_v, [jnp.full((16,), k * _CH + i, jnp.int32), lane, off_b]
        )
    mcol = k * _CH * _OUT_COLS + jnp.minimum(
        lane * _OUT_COLS + _EMBED, _CH * _OUT_COLS - 1
    )
    plsc.store_scatter(out_v, [mcol], marks, mask=lane < _CH)


def _run_chunks(bases, st0_v, st1_v, null_v, col_v, out_v, tableT_hbm, out_hbm, sems):
    lane = lax.iota(jnp.int32, 16)
    null_b = jnp.sum(jnp.where(lane == 0, null_v[pl.ds(0, 16)], 0.0)) + jnp.zeros(
        (16,), jnp.float32
    )
    ids_marks = [_chunk_ids_marks(b, st0_v, st1_v, null_b, lane) for b in bases]
    chunk_copies = [
        _fire_gathers(k, ids, col_v, tableT_hbm, sems[k], lane)
        for k, (ids, _) in enumerate(ids_marks)
    ]
    outs = []
    for k, (ids, marks) in enumerate(ids_marks):
        for c in chunk_copies[k]:
            c.wait()
        _assemble_chunk(k, ids, marks, col_v, out_v, lane)
        w = pltpu.make_async_copy(
            out_v.at[pl.ds(k * _CH * _OUT_COLS, _CH * _OUT_COLS)],
            out_hbm.at[pl.ds(bases[k] * _OUT_COLS, _CH * _OUT_COLS)],
            sems[k],
        )
        w.start()
        outs.append(w)
    for w in outs:
        w.wait()


def _body(st0_hbm, st1_hbm, tableT_hbm, null_hbm, out_hbm, st0_v, st1_v, null_v, col_v, out_v, sem, sem2, sem_in):
    wid = lax.axis_index("s")

    c0 = pltpu.make_async_copy(st0_hbm, st0_v.at[pl.ds(0, _SEQ)], sem_in)
    c1 = pltpu.make_async_copy(st1_hbm, st1_v.at[pl.ds(0, _SEQ)], sem_in)
    c2 = pltpu.make_async_copy(null_hbm.at[0], null_v.at[pl.ds(0, 1)], sem_in)
    c0.start()
    c1.start()
    c2.start()
    c0.wait()
    c1.wait()
    c2.wait()

    args = (st0_v, st1_v, null_v, col_v, out_v, tableT_hbm, out_hbm, (sem, sem2))

    @pl.when(wid < _N_CHUNKS - _NW)
    def _():
        _run_chunks([wid * _CH, (wid + _NW) * _CH], *args)

    @pl.when(wid >= _N_CHUNKS - _NW)
    def _():
        _run_chunks([wid * _CH], *args)


@functools.partial(
    pl.kernel,
    out_type=jax.ShapeDtypeStruct((_HIST * _OUT_COLS,), jnp.float32),
    mesh=plsc.VectorSubcoreMesh(
        core_axis_name="c", subcore_axis_name="s", num_cores=1
    ),
    scratch_types=[
        pltpu.VMEM((_HIST + 8,), jnp.float32),
        pltpu.VMEM((_HIST + 8,), jnp.float32),
        pltpu.VMEM((16,), jnp.float32),
        pltpu.VMEM((2 * _CH, _EMBED, 128), jnp.float32),
        pltpu.VMEM((2 * _CH * _OUT_COLS,), jnp.float32),
        pltpu.SemaphoreType.DMA,
        pltpu.SemaphoreType.DMA,
        pltpu.SemaphoreType.DMA,
    ],
    compiler_params=pltpu.CompilerParams(
        needs_layout_passes=False, use_tc_tiling_on_sc=True
    ),
)
def _embed_gather(st0_hbm, st1_hbm, tableT_hbm, null_hbm, out_hbm, st0_v, st1_v, null_v, col_v, out_v, sem, sem2, sem_in):
    _body(st0_hbm, st1_hbm, tableT_hbm, null_hbm, out_hbm, st0_v, st1_v, null_v, col_v, out_v, sem, sem2, sem_in)


def kernel(st, task_table, null_mark_table):
    out = _embed_gather(st[0], st[1], task_table.T, null_mark_table)
    return out.reshape(1, _HIST, _OUT_COLS)

# --- scband reference (transcript-rebuilt; emitter-appended) ---
"""Pipeline reference for scband-embedded-tasks-46316927320085 (READ-ONLY COPY).

The authoritative reference and input builder live on the scoring server;
editing this copy changes nothing except your own understanding.
"""

import jax, jax.numpy as jnp
import numpy as np

N_TASKS = 1000000
EMBED_DIM = 16
REQUIRED_HISTORY = 200
SEQ_LEN = 190


def setup_inputs(seed: int = 0) -> dict:
    key = jax.random.key(seed)
    k1, k2, k3 = jax.random.split(key, 3)
    # st row 0: task ids (stored as float, like the TF module), row 1: float marks
    st = jax.random.randint(k1, (2, SEQ_LEN), 0, N_TASKS).astype(jnp.float32)
    # learned params sized per init_kwargs
    task_table = jax.random.normal(k2, (N_TASKS + 1, EMBED_DIM), dtype=jnp.float32) * 0.05
    null_mark_table = jax.random.normal(k3, (1, 1), dtype=jnp.float32) * 0.05
    return {"st": st, "task_table": task_table, "null_mark_table": null_mark_table}


def reference(st, task_table, null_mark_table):
    # Pad history with (null_task_id, null_mark_emb(0)) columns until length == REQUIRED_HISTORY
    inp = st
    for _ in range(REQUIRED_HISTORY - st.shape[1]):
        n = jnp.array([float(N_TASKS)], dtype=jnp.float32)  # null task id
        e = null_mark_table[0]  # embedding of index 0, shape [1]
        pad_col = jnp.stack([n, e], axis=0)  # [2, 1]
        inp = jnp.concatenate([inp, pad_col], axis=1)
    # Embedding lookup on row 0 (ids stored as float -> cast to int)
    ids = jnp.asarray(jax.lax.stop_gradient(inp[0]), jnp.int32)
    emb_tasks = jnp.take(task_table, ids, axis=0)  # [REQUIRED_HISTORY, EMBED_DIM]
    res = jnp.expand_dims(
        jnp.concatenate([emb_tasks, jnp.reshape(inp[1], (-1, 1))], axis=1), 0
    )  # [1, REQUIRED_HISTORY, EMBED_DIM + 1]
    return res

if __name__ == "__main__":
    import jax
    _d = setup_inputs()
    print(jax.jit(kernel)(*tuple(_d.values())))

</pallas_src>

<mosaic_0001>
#map = affine_map<(d0, d1) -> (0)>
#map1 = affine_map<(d0, d1) -> (0, 0)>
module attributes {stable_mosaic.version = 14 : i64} {
  func.func @_embed_gather(%arg0: i32, %arg1: i32, %arg2: memref<190xf32, #tpu.memory_space<hbm>>, %arg3: memref<190xf32, #tpu.memory_space<hbm>>, %arg4: memref<16x1000001xf32, #tpu.memory_space<hbm>>, %arg5: memref<1x1xf32, #tpu.memory_space<hbm>>, %arg6: memref<3400xf32, #tpu.memory_space<hbm>>, %arg7: memref<208xf32, #tpu.memory_space<vmem>>, %arg8: memref<208xf32, #tpu.memory_space<vmem>>, %arg9: memref<16xf32, #tpu.memory_space<vmem>>, %arg10: memref<16x16x128xf32, #tpu.memory_space<vmem>>, %arg11: memref<272xf32, #tpu.memory_space<vmem>>, %arg12: memref<!tpu.dma_semaphore, #tpu.memory_space<semaphore_mem>>, %arg13: memref<!tpu.dma_semaphore, #tpu.memory_space<semaphore_mem>>, %arg14: memref<!tpu.dma_semaphore, #tpu.memory_space<semaphore_mem>>) attributes {dimension_semantics = [#tpu.dimension_semantics<core_parallel>, #tpu.dimension_semantics<subcore_parallel>], iteration_bounds = array<i64: 1, 16>, scalar_prefetch = 0 : i64, scratch_operands = 8 : i64, tpu.core_type = #tpu.core_type<sc_vector_subcore>, window_params = [{transform_indices = #map}, {transform_indices = #map}, {transform_indices = #map1}, {transform_indices = #map1}, {transform_indices = #map}]} {
    %dma_start3A = arith.constant 0 : i32
    %dma_start3A_0 = tpu.memref_slice %arg7[%dma_start3A] : memref<208xf32, #tpu.memory_space<vmem>> -> memref<190xf32, #tpu.memory_space<vmem>>
    %dma_start3A_1 = arith.constant 0 : i32
    %dma_start3A_2 = tpu.memref_slice %arg7[%dma_start3A_1] : memref<208xf32, #tpu.memory_space<vmem>> -> memref<190xf32, #tpu.memory_space<vmem>>
    tpu.enqueue_dma source(%arg2 : memref<190xf32, #tpu.memory_space<hbm>>) target(%dma_start3A_2 : memref<190xf32, #tpu.memory_space<vmem>>) target_semaphore(%arg14 : memref<!tpu.dma_semaphore, #tpu.memory_space<semaphore_mem>>)
    %dma_start3A_3 = arith.constant 0 : i32
    %dma_start3A_4 = tpu.memref_slice %arg8[%dma_start3A_3] : memref<208xf32, #tpu.memory_space<vmem>> -> memref<190xf32, #tpu.memory_space<vmem>>
    %dma_start3A_5 = arith.constant 0 : i32
    %dma_start3A_6 = tpu.memref_slice %arg8[%dma_start3A_5] : memref<208xf32, #tpu.memory_space<vmem>> -> memref<190xf32, #tpu.memory_space<vmem>>
    tpu.enqueue_dma source(%arg3 : memref<190xf32, #tpu.memory_space<hbm>>) target(%dma_start3A_6 : memref<190xf32, #tpu.memory_space<vmem>>) target_semaphore(%arg14 : memref<!tpu.dma_semaphore, #tpu.memory_space<semaphore_mem>>)
    %dma_start3A_7 = arith.constant 0 : i32
    %dma_start3A_8 = arith.constant 0 : i32
    %dma_start3A_9 = tpu.memref_slice %arg9[%dma_start3A_8] : memref<16xf32, #tpu.memory_space<vmem>> -> memref<1xf32, #tpu.memory_space<vmem>>
    %dma_start3A_10 = arith.constant 0 : i32
    %dma_start3A_11 = tpu.memref_slice %arg5[%dma_start3A_7, %dma_start3A_10] : memref<1x1xf32, #tpu.memory_space<hbm>> -> memref<1x1xf32, #tpu.memory_space<hbm>>
    %dma_start3A_12 = tpu.memref_squeeze %dma_start3A_11 : memref<1x1xf32, #tpu.memory_space<hbm>> -> memref<1xf32, #tpu.memory_space<hbm>>
    %dma_start3A_13 = arith.constant 0 : i32
    %dma_start3A_14 = tpu.memref_slice %arg9[%dma_start3A_13] : memref<16xf32, #tpu.memory_space<vmem>> -> memref<1xf32, #tpu.memory_space<vmem>>
    %dma_start3A_15 = arith.constant 0 : i32
    %dma_start3A_16 = tpu.memref_slice %arg5[%dma_start3A_7, %dma_start3A_15] : memref<1x1xf32, #tpu.memory_space<hbm>> -> memref<1x1xf32, #tpu.memory_space<hbm>>
    %dma_start3A_17 = tpu.memref_squeeze %dma_start3A_16 : memref<1x1xf32, #tpu.memory_space<hbm>> -> memref<1xf32, #tpu.memory_space<hbm>>
    tpu.enqueue_dma source(%dma_start3A_17 : memref<1xf32, #tpu.memory_space<hbm>>) target(%dma_start3A_14 : memref<1xf32, #tpu.memory_space<vmem>>) target_semaphore(%arg14 : memref<!tpu.dma_semaphore, #tpu.memory_space<semaphore_mem>>)
    %dma_wait3A = arith.constant 0 : i32
    %dma_wait3A_18 = tpu.memref_slice %arg7[%dma_wait3A] : memref<208xf32, #tpu.memory_space<vmem>> -> memref<190xf32, #tpu.memory_space<vmem>>
    %dma_wait3A_19 = arith.constant 0 : i32
    %dma_wait3A_20 = tpu.memref_slice %arg7[%dma_wait3A_19] : memref<208xf32, #tpu.memory_space<vmem>> -> memref<190xf32, #tpu.memory_space<vmem>>
    tpu.wait_dma2 semaphore(%arg14 : memref<!tpu.dma_semaphore, #tpu.memory_space<semaphore_mem>>) src(%arg2 : memref<190xf32, #tpu.memory_space<hbm>>) dst(%dma_wait3A_20 : memref<190xf32, #tpu.memory_space<vmem>>)
    %dma_wait3A_21 = arith.constant 0 : i32
    %dma_wait3A_22 = tpu.memref_slice %arg8[%dma_wait3A_21] : memref<208xf32, #tpu.memory_space<vmem>> -> memref<190xf32, #tpu.memory_space<vmem>>
    %dma_wait3A_23 = arith.constant 0 : i32
    %dma_wait3A_24 = tpu.memref_slice %arg8[%dma_wait3A_23] : memref<208xf32, #tpu.memory_space<vmem>> -> memref<190xf32, #tpu.memory_space<vmem>>
    tpu.wait_dma2 semaphore(%arg14 : memref<!tpu.dma_semaphore, #tpu.memory_space<semaphore_mem>>) src(%arg3 : memref<190xf32, #tpu.memory_space<hbm>>) dst(%dma_wait3A_24 : memref<190xf32, #tpu.memory_space<vmem>>)
    %dma_wait3A_25 = arith.constant 0 : i32
    %dma_wait3A_26 = arith.constant 0 : i32
    %dma_wait3A_27 = tpu.memref_slice %arg9[%dma_wait3A_26] : memref<16xf32, #tpu.memory_space<vmem>> -> memref<1xf32, #tpu.memory_space<vmem>>
    %dma_wait3A_28 = arith.constant 0 : i32
    %dma_wait3A_29 = tpu.memref_slice %arg5[%dma_wait3A_25, %dma_wait3A_28] : memref<1x1xf32, #tpu.memory_space<hbm>> -> memref<1x1xf32, #tpu.memory_space<hbm>>
    %dma_wait3A_30 = tpu.memref_squeeze %dma_wait3A_29 : memref<1x1xf32, #tpu.memory_space<hbm>> -> memref<1xf32, #tpu.memory_space<hbm>>
    %dma_wait3A_31 = arith.constant 0 : i32
    %dma_wait3A_32 = tpu.memref_slice %arg9[%dma_wait3A_31] : memref<16xf32, #tpu.memory_space<vmem>> -> memref<1xf32, #tpu.memory_space<vmem>>
    %dma_wait3A_33 = arith.constant 0 : i32
    %dma_wait3A_34 = tpu.memref_slice %arg5[%dma_wait3A_25, %dma_wait3A_33] : memref<1x1xf32, #tpu.memory_space<hbm>> -> memref<1x1xf32, #tpu.memory_space<hbm>>
    %dma_wait3A_35 = tpu.memref_squeeze %dma_wait3A_34 : memref<1x1xf32, #tpu.memory_space<hbm>> -> memref<1xf32, #tpu.memory_space<hbm>>
    tpu.wait_dma2 semaphore(%arg14 : memref<!tpu.dma_semaphore, #tpu.memory_space<semaphore_mem>>) src(%dma_wait3A_35 : memref<1xf32, #tpu.memory_space<hbm>>) dst(%dma_wait3A_32 : memref<1xf32, #tpu.memory_space<vmem>>)
    %lt3A = arith.constant 9 : i32
    %lt3A_36 = arith.cmpi slt, %arg1, %lt3A : i32
    %convert_element_type3A = arith.extui %lt3A_36 : i1 to i32
    %cond3A = arith.constant 0 : i32
    %cond3A_37 = arith.cmpi ne, %convert_element_type3A, %cond3A : i32
    scf.if %cond3A_37 {
      %mul3A = arith.constant 8 : i32
      %mul3A_42 = arith.muli %arg1, %mul3A : i32
      %add3A = arith.constant 16 : i32
      %add3A_43 = arith.addi %arg1, %add3A : i32
      %mul3A_44 = arith.constant 8 : i32
      %mul3A_45 = arith.muli %add3A_43, %mul3A_44 : i32
      %iota3A = tpu.iota {dimensions = array<i32: 0>} : vector<16xi32>
      %eq3A = arith.constant 0 : i32
      %eq3A_46 = vector.broadcast %eq3A : i32 to vector<16xi32>
      %eq3A_47 = arith.cmpi eq, %iota3A, %eq3A_46 : vector<16xi32>
      %get3A = arith.constant 0 : index
      %get3A_48 = tpu.vector_load %arg9[%get3A] {strides = array<i32>} : memref<16xf32, #tpu.memory_space<vmem>>, vector<16xf32>,
      %jit3A = arith.constant 0.000000e+00 : f32
      %broadcast_in_dim3A = vector.broadcast %jit3A : f32 to vector<16xf32>
      %select_n3A = arith.select %eq3A_47, %get3A_48, %broadcast_in_dim3A : vector<16xi1>, vector<16xf32>
      %reduce_sum3A = arith.constant true
      %reduce_sum3A_49 = vector.broadcast %reduce_sum3A : i1 to vector<16xi1>
      %reduce_sum3A_50 = tpu.scan <sum>, %select_n3A masked %reduce_sum3A_49 : vector<16xf32>, vector<16xi1> -> vector<16xf32>
      %reduce_sum3A_51 = vector.extract %reduce_sum3A_50[15] : f32 from vector<16xf32>
      %broadcast_in_dim3A_52 = arith.constant 0.000000e+00 : f32
      %broadcast_in_dim3A_53 = vector.broadcast %broadcast_in_dim3A_52 : f32 to vector<16xf32>
      %add3A_54 = vector.broadcast %reduce_sum3A_51 : f32 to vector<16xf32>
      %add3A_55 = arith.addf %add3A_54, %broadcast_in_dim3A_53 : vector<16xf32>
      %add3A_56 = vector.broadcast %mul3A_42 : i32 to vector<16xi32>
      %add3A_57 = arith.addi %add3A_56, %iota3A : vector<16xi32>
      %lt3A_58 = arith.constant 190 : i32
      %lt3A_59 = vector.broadcast %lt3A_58 : i32 to vector<16xi32>
      %lt3A_60 = arith.cmpi slt, %add3A_57, %lt3A_59 : vector<16xi32>
      %get3A_61 = arith.index_cast %mul3A_42 : i32 to index
      %get3A_62 = tpu.vector_load %arg7[%get3A_61] {strides = array<i32>} : memref<208xf32, #tpu.memory_space<vmem>>, vector<16xf32>,
      %convert_element_type3A_63 = arith.fptosi %get3A_62 : vector<16xf32> to vector<16xi32>
      %jit3A_64 = arith.constant 1000000 : i32
      %broadcast_in_dim3A_65 = vector.broadcast %jit3A_64 : i32 to vector<16xi32>
      %select_n3A_66 = arith.select %lt3A_60, %convert_element_type3A_63, %broadcast_in_dim3A_65 : vector<16xi1>, vector<16xi32>
      %get3A_67 = arith.index_cast %mul3A_42 : i32 to index
      %get3A_68 = tpu.vector_load %arg8[%get3A_67] {strides = array<i32>} : memref<208xf32, #tpu.memory_space<vmem>>, vector<16xf32>,
      %select_n3A_69 = arith.select %lt3A_60, %get3A_68, %add3A_55 : vector<16xi1>, vector<16xf32>
      %add3A_70 = vector.broadcast %mul3A_45 : i32 to vector<16xi32>
      %add3A_71 = arith.addi %add3A_70, %iota3A : vector<16xi32>
      %lt3A_72 = arith.constant 190 : i32
      %lt3A_73 = vector.broadcast %lt3A_72 : i32 to vector<16xi32>
      %lt3A_74 = arith.cmpi slt, %add3A_71, %lt3A_73 : vector<16xi32>
      %get3A_75 = arith.index_cast %mul3A_45 : i32 to index
      %get3A_76 = tpu.vector_load %arg7[%get3A_75] {strides = array<i32>} : memref<208xf32, #tpu.memory_space<vmem>>, vector<16xf32>,
      %convert_element_type3A_77 = arith.fptosi %get3A_76 : vector<16xf32> to vector<16xi32>
      %jit3A_78 = arith.constant 1000000 : i32
      %broadcast_in_dim3A_79 = vector.broadcast %jit3A_78 : i32 to vector<16xi32>
      %select_n3A_80 = arith.select %lt3A_74, %convert_element_type3A_77, %broadcast_in_dim3A_79 : vector<16xi1>, vector<16xi32>
      %get3A_81 = arith.index_cast %mul3A_45 : i32 to index
      %get3A_82 = tpu.vector_load %arg8[%get3A_81] {strides = array<i32>} : memref<208xf32, #tpu.memory_space<vmem>>, vector<16xf32>,
      %select_n3A_83 = arith.select %lt3A_74, %get3A_82, %add3A_55 : vector<16xi1>, vector<16xf32>
      %eq3A_84 = arith.constant 0 : i32
      %eq3A_85 = vector.broadcast %eq3A_84 : i32 to vector<16xi32>
      %eq3A_86 = arith.cmpi eq, %iota3A, %eq3A_85 : vector<16xi32>
      %jit3A_87 = arith.constant 0 : i32
      %broadcast_in_dim3A_88 = vector.broadcast %jit3A_87 : i32 to vector<16xi32>
      %select_n3A_89 = arith.select %eq3A_86, %select_n3A_66, %broadcast_in_dim3A_88 : vector<16xi1>, vector<16xi32>
      %reduce_sum3A_90 = arith.constant true
      %reduce_sum3A_91 = vector.broadcast %reduce_sum3A_90 : i1 to vector<16xi1>
      %reduce_sum3A_92 = tpu.scan <sum>, %select_n3A_89 masked %reduce_sum3A_91 : vector<16xi32>, vector<16xi1> -> vector<16xi32>
      %reduce_sum3A_93 = vector.extract %reduce_sum3A_92[15] : i32 from vector<16xi32>
      %shift_right_logical3A = arith.constant 7 : i32
      %shift_right_logical3A_94 = arith.shrui %reduce_sum3A_93, %shift_right_logical3A : i32
      %mul3A_95 = arith.constant 128 : i32
      %mul3A_96 = arith.muli %shift_right_logical3A_94, %mul3A_95 : i32
      %multiple_of3A = tpu.assume_multiple %mul3A_96, 128 : i32
      %dma_start3A_97 = arith.constant 0 : i32
      %dma_start3A_98 = arith.constant 0 : i32
      %dma_start3A_99 = arith.constant 0 : i32
      %dma_start3A_100 = tpu.memref_slice %arg10[%dma_start3A_97, %dma_start3A_98, %dma_start3A_99] : memref<16x16x128xf32, #tpu.memory_space<vmem>> -> memref<1x16x128xf32, #tpu.memory_space<vmem>>
      %dma_start3A_101 = tpu.memref_squeeze %dma_start3A_100 : memref<1x16x128xf32, #tpu.memory_space<vmem>> -> memref<16x128xf32, #tpu.memory_space<vmem>>
      %dma_start3A_102 = arith.constant 0 : i32
      %dma_start3A_103 = tpu.memref_slice %arg4[%dma_start3A_102, %multiple_of3A] : memref<16x1000001xf32, #tpu.memory_space<hbm>> -> memref<16x128xf32, #tpu.memory_space<hbm>>
      %dma_start3A_104 = arith.constant 0 : i32
      %dma_start3A_105 = arith.constant 0 : i32
      %dma_start3A_106 = tpu.memref_slice %arg10[%dma_start3A_97, %dma_start3A_104, %dma_start3A_105] : memref<16x16x128xf32, #tpu.memory_space<vmem>> -> memref<1x16x128xf32, #tpu.memory_space<vmem>>
      %dma_start3A_107 = tpu.memref_squeeze %dma_start3A_106 : memref<1x16x128xf32, #tpu.memory_space<vmem>> -> memref<16x128xf32, #tpu.memory_space<vmem>>
      %dma_start3A_108 = arith.constant 0 : i32
      %dma_start3A_109 = tpu.memref_slice %arg4[%dma_start3A_108, %multiple_of3A] : memref<16x1000001xf32, #tpu.memory_space<hbm>> -> memref<16x128xf32, #tpu.memory_space<hbm>>
      tpu.enqueue_dma source(%dma_start3A_109 : memref<16x128xf32, #tpu.memory_space<hbm>>) target(%dma_start3A_107 : memref<16x128xf32, #tpu.memory_space<vmem>>) target_semaphore(%arg12 : memref<!tpu.dma_semaphore, #tpu.memory_space<semaphore_mem>>)
      %eq3A_110 = arith.constant 1 : i32
      %eq3A_111 = vector.broadcast %eq3A_110 : i32 to vector<16xi32>
      %eq3A_112 = arith.cmpi eq, %iota3A, %eq3A_111 : vector<16xi32>
      %jit3A_113 = arith.constant 0 : i32
      %broadcast_in_dim3A_114 = vector.broadcast %jit3A_113 : i32 to vector<16xi32>
      %select_n3A_115 = arith.select %eq3A_112, %select_n3A_66, %broadcast_in_dim3A_114 : vector<16xi1>, vector<16xi32>
      %reduce_sum3A_116 = arith.constant true
      %reduce_sum3A_117 = vector.broadcast %reduce_sum3A_116 : i1 to vector<16xi1>
      %reduce_sum3A_118 = tpu.scan <sum>, %select_n3A_115 masked %reduce_sum3A_117 : vector<16xi32>, vector<16xi1> -> vector<16xi32>
      %reduce_sum3A_119 = vector.extract %reduce_sum3A_118[15] : i32 from vector<16xi32>
      %shift_right_logical3A_120 = arith.constant 7 : i32
      %shift_right_logical3A_121 = arith.shrui %reduce_sum3A_119, %shift_right_logical3A_120 : i32
      %mul3A_122 = arith.constant 128 : i32
      %mul3A_123 = arith.muli %shift_right_logical3A_121, %mul3A_122 : i32
      %multiple_of3A_124 = tpu.assume_multiple %mul3A_123, 128 : i32
      %dma_start3A_125 = arith.constant 1 : i32
      %dma_start3A_126 = arith.constant 0 : i32
      %dma_start3A_127 = arith.constant 0 : i32
      %dma_start3A_128 = tpu.memref_slice %arg10[%dma_start3A_125, %dma_start3A_126, %dma_start3A_127] : memref<16x16x128xf32, #tpu.memory_space<vmem>> -> memref<1x16x128xf32, #tpu.memory_space<vmem>>
      %dma_start3A_129 = tpu.memref_squeeze %dma_start3A_128 : memref<1x16x128xf32, #tpu.memory_space<vmem>> -> memref<16x128xf32, #tpu.memory_space<vmem>>
      %dma_start3A_130 = arith.constant 0 : i32
      %dma_start3A_131 = tpu.memref_slice %arg4[%dma_start3A_130, %multiple_of3A_124] : memref<16x1000001xf32, #tpu.memory_space<hbm>> -> memref<16x128xf32, #tpu.memory_space<hbm>>
      %dma_start3A_132 = arith.constant 0 : i32
      %dma_start3A_133 = arith.constant 0 : i32
      %dma_start3A_134 = tpu.memref_slice %arg10[%dma_start3A_125, %dma_start3A_132, %dma_start3A_133] : memref<16x16x128xf32, #tpu.memory_space<vmem>> -> memref<1x16x128xf32, #tpu.memory_space<vmem>>
      %dma_start3A_135 = tpu.memref_squeeze %dma_start3A_134 : memref<1x16x128xf32, #tpu.memory_space<vmem>> -> memref<16x128xf32, #tpu.memory_space<vmem>>
      %dma_start3A_136 = arith.constant 0 : i32
      %dma_start3A_137 = tpu.memref_slice %arg4[%dma_start3A_136, %multiple_of3A_124] : memref<16x1000001xf32, #tpu.memory_space<hbm>> -> memref<16x128xf32, #tpu.memory_space<hbm>>
      tpu.enqueue_dma source(%dma_start3A_137 : memref<16x128xf32, #tpu.memory_space<hbm>>) target(%dma_start3A_135 : memref<16x128xf32, #tpu.memory_space<vmem>>) target_semaphore(%arg12 : memref<!tpu.dma_semaphore, #tpu.memory_space<semaphore_mem>>)
      %eq3A_138 = arith.constant 2 : i32
      %eq3A_139 = vector.broadcast %eq3A_138 : i32 to vector<16xi32>
      %eq3A_140 = arith.cmpi eq, %iota3A, %eq3A_139 : vector<16xi32>
      %jit3A_141 = arith.constant 0 : i32
      %broadcast_in_dim3A_142 = vector.broadcast %jit3A_141 : i32 to vector<16xi32>
      %select_n3A_143 = arith.select %eq3A_140, %select_n3A_66, %broadcast_in_dim3A_142 : vector<16xi1>, vector<16xi32>
      %reduce_sum3A_144 = arith.constant true
      %reduce_sum3A_145 = vector.broadcast %reduce_sum3A_144 : i1 to vector<16xi1>
      %reduce_sum3A_146 = tpu.scan <sum>, %select_n3A_143 masked %reduce_sum3A_145 : vector<16xi32>, vector<16xi1> -> vector<16xi32>
      %reduce_sum3A_147 = vector.extract %reduce_sum3A_146[15] : i32 from vector<16xi32>
      %shift_right_logical3A_148 = arith.constant 7 : i32
      %shift_right_logical3A_149 = arith.shrui %reduce_sum3A_147, %shift_right_logical3A_148 : i32
      %mul3A_150 = arith.constant 128 : i32
      %mul3A_151 = arith.muli %shift_right_logical3A_149, %mul3A_150 : i32
      %multiple_of3A_152 = tpu.assume_multiple %mul3A_151, 128 : i32
      %dma_start3A_153 = arith.constant 2 : i32
      %dma_start3A_154 = arith.constant 0 : i32
      %dma_start3A_155 = arith.constant 0 : i32
      %dma_start3A_156 = tpu.memref_slice %arg10[%dma_start3A_153, %dma_start3A_154, %dma_start3A_155] : memref<16x16x128xf32, #tpu.memory_space<vmem>> -> memref<1x16x128xf32, #tpu.memory_space<vmem>>
      %dma_start3A_157 = tpu.memref_squeeze %dma_start3A_156 : memref<1x16x128xf32, #tpu.memory_space<vmem>> -> memref<16x128xf32, #tpu.memory_space<vmem>>
      %dma_start3A_158 = arith.constant 0 : i32
      %dma_start3A_159 = tpu.memref_slice %arg4[%dma_start3A_158, %multiple_of3A_152] : memref<16x1000001xf32, #tpu.memory_space<hbm>> -> memref<16x128xf32, #tpu.memory_space<hbm>>
      %dma_start3A_160 = arith.constant 0 : i32
      %dma_start3A_161 = arith.constant 0 : i32
      %dma_start3A_162 = tpu.memref_slice %arg10[%dma_start3A_153, %dma_start3A_160, %dma_start3A_161] : memref<16x16x128xf32, #tpu.memory_space<vmem>> -> memref<1x16x128xf32, #tpu.memory_space<vmem>>
      %dma_start3A_163 = tpu.memref_squeeze %dma_start3A_162 : memref<1x16x128xf32, #tpu.memory_space<vmem>> -> memref<16x128xf32, #tpu.memory_space<vmem>>
      %dma_start3A_164 = arith.constant 0 : i32
      %dma_start3A_165 = tpu.memref_slice %arg4[%dma_start3A_164, %multiple_of3A_152] : memref<16x1000001xf32, #tpu.memory_space<hbm>> -> memref<16x128xf32, #tpu.memory_space<hbm>>
      tpu.enqueue_dma source(%dma_start3A_165 : memref<16x128xf32, #tpu.memory_space<hbm>>) target(%dma_start3A_163 : memref<16x128xf32, #tpu.memory_space<vmem>>) target_semaphore(%arg12 : memref<!tpu.dma_semaphore, #tpu.memory_space<semaphore_mem>>)
      %eq3A_166 = arith.constant 3 : i32
      %eq3A_167 = vector.broadcast %eq3A_166 : i32 to vector<16xi32>
      %eq3A_168 = arith.cmpi eq, %iota3A, %eq3A_167 : vector<16xi32>
      %jit3A_169 = arith.constant 0 : i32
      %broadcast_in_dim3A_170 = vector.broadcast %jit3A_169 : i32 to vector<16xi32>
      %select_n3A_171 = arith.select %eq3A_168, %select_n3A_66, %broadcast_in_dim3A_170 : vector<16xi1>, vector<16xi32>
      %reduce_sum3A_172 = arith.constant true
      %reduce_sum3A_173 = vector.broadcast %reduce_sum3A_172 : i1 to vector<16xi1>
      %reduce_sum3A_174 = tpu.scan <sum>, %select_n3A_171 masked %reduce_sum3A_173 : vector<16xi32>, vector<16xi1> -> vector<16xi32>
      %reduce_sum3A_175 = vector.extract %reduce_sum3A_174[15] : i32 from vector<16xi32>
      %shift_right_logical3A_176 = arith.constant 7 : i32
      %shift_right_logical3A_177 = arith.shrui %reduce_sum3A_175, %shift_right_logical3A_176 : i32
      %mul3A_178 = arith.constant 128 : i32
      %mul3A_179 = arith.muli %shift_right_logical3A_177, %mul3A_178 : i32
      %multiple_of3A_180 = tpu.assume_multiple %mul3A_179, 128 : i32
      %dma_start3A_181 = arith.constant 3 : i32
      %dma_start3A_182 = arith.constant 0 : i32
      %dma_start3A_183 = arith.constant 0 : i32
      %dma_start3A_184 = tpu.memref_slice %arg10[%dma_start3A_181, %dma_start3A_182, %dma_start3A_183] : memref<16x16x128xf32, #tpu.memory_space<vmem>> -> memref<1x16x128xf32, #tpu.memory_space<vmem>>
      %dma_start3A_185 = tpu.memref_squeeze %dma_start3A_184 : memref<1x16x128xf32, #tpu.memory_space<vmem>> -> memref<16x128xf32, #tpu.memory_space<vmem>>
      %dma_start3A_186 = arith.constant 0 : i32
      %dma_start3A_187 = tpu.memref_slice %arg4[%dma_start3A_186, %multiple_of3A_180] : memref<16x1000001xf32, #tpu.memory_space<hbm>> -> memref<16x128xf32, #tpu.memory_space<hbm>>
      %dma_start3A_188 = arith.constant 0 : i32
      %dma_start3A_189 = arith.constant 0 : i32
      %dma_start3A_190 = tpu.memref_slice %arg10[%dma_start3A_181, %dma_start3A_188, %dma_start3A_189] : memref<16x16x128xf32, #tpu.memory_space<vmem>> -> memref<1x16x128xf32, #tpu.memory_space<vmem>>
      %dma_start3A_191 = tpu.memref_squeeze %dma_start3A_190 : memref<1x16x128xf32, #tpu.memory_space<vmem>> -> memref<16x128xf32, #tpu.memory_space<vmem>>
      %dma_start3A_192 = arith.constant 0 : i32
      %dma_start3A_193 = tpu.memref_slice %arg4[%dma_start3A_192, %multiple_of3A_180] : memref<16x1000001xf32, #tpu.memory_space<hbm>> -> memref<16x128xf32, #tpu.memory_space<hbm>>
      tpu.enqueue_dma source(%dma_start3A_193 : memref<16x128xf32, #tpu.memory_space<hbm>>) target(%dma_start3A_191 : memref<16x128xf32, #tpu.memory_space<vmem>>) target_semaphore(%arg12 : memref<!tpu.dma_semaphore, #tpu.memory_space<semaphore_mem>>)
      %eq3A_194 = arith.constant 4 : i32
      %eq3A_195 = vector.broadcast %eq3A_194 : i32 to vector<16xi32>
      %eq3A_196 = arith.cmpi eq, %iota3A, %eq3A_195 : vector<16xi32>
      %jit3A_197 = arith.constant 0 : i32
      %broadcast_in_dim3A_198 = vector.broadcast %jit3A_197 : i32 to vector<16xi32>
      %select_n3A_199 = arith.select %eq3A_196, %select_n3A_66, %broadcast_in_dim3A_198 : vector<16xi1>, vector<16xi32>
      %reduce_sum3A_200 = arith.constant true
      %reduce_sum3A_201 = vector.broadcast %reduce_sum3A_200 : i1 to vector<16xi1>
      %reduce_sum3A_202 = tpu.scan <sum>, %select_n3A_199 masked %reduce_sum3A_201 : vector<16xi32>, vector<16xi1> -> vector<16xi32>
      %reduce_sum3A_203 = vector.extract %reduce_sum3A_202[15] : i32 from vector<16xi32>
      %shift_right_logical3A_204 = arith.constant 7 : i32
      %shift_right_logical3A_205 = arith.shrui %reduce_sum3A_203, %shift_right_logical3A_204 : i32
      %mul3A_206 = arith.constant 128 : i32
      %mul3A_207 = arith.muli %shift_right_logical3A_205, %mul3A_206 : i32
      %multiple_of3A_208 = tpu.assume_multiple %mul3A_207, 128 : i32
      %dma_start3A_209 = arith.constant 4 : i32
      %dma_start3A_210 = arith.constant 0 : i32
      %dma_start3A_211 = arith.constant 0 : i32
      %dma_start3A_212 = tpu.memref_slice %arg10[%dma_start3A_209, %dma_start3A_210, %dma_start3A_211] : memref<16x16x128xf32, #tpu.memory_space<vmem>> -> memref<1x16x128xf32, #tpu.memory_space<vmem>>
      %dma_start3A_213 = tpu.memref_squeeze %dma_start3A_212 : memref<1x16x128xf32, #tpu.memory_space<vmem>> -> memref<16x128xf32, #tpu.memory_space<vmem>>
      %dma_start3A_214 = arith.constant 0 : i32
      %dma_start3A_215 = tpu.memref_slice %arg4[%dma_start3A_214, %multiple_of3A_208] : memref<16x1000001xf32, #tpu.memory_space<hbm>> -> memref<16x128xf32, #tpu.memory_space<hbm>>
      %dma_start3A_216 = arith.constant 0 : i32
      %dma_start3A_217 = arith.constant 0 : i32
      %dma_start3A_218 = tpu.memref_slice %arg10[%dma_start3A_209, %dma_start3A_216, %dma_start3A_217] : memref<16x16x128xf32, #tpu.memory_space<vmem>> -> memref<1x16x128xf32, #tpu.memory_space<vmem>>
      %dma_start3A_219 = tpu.memref_squeeze %dma_start3A_218 : memref<1x16x128xf32, #tpu.memory_space<vmem>> -> memref<16x128xf32, #tpu.memory_space<vmem>>
      %dma_start3A_220 = arith.constant 0 : i32
      %dma_start3A_221 = tpu.memref_slice %arg4[%dma_start3A_220, %multiple_of3A_208] : memref<16x1000001xf32, #tpu.memory_space<hbm>> -> memref<16x128xf32, #tpu.memory_space<hbm>>
      tpu.enqueue_dma source(%dma_start3A_221 : memref<16x128xf32, #tpu.memory_space<hbm>>) target(%dma_start3A_219 : memref<16x128xf32, #tpu.memory_space<vmem>>) target_semaphore(%arg12 : memref<!tpu.dma_semaphore, #tpu.memory_space<semaphore_mem>>)
      %eq3A_222 = arith.constant 5 : i32
      %eq3A_223 = vector.broadcast %eq3A_222 : i32 to vector<16xi32>
      %eq3A_224 = arith.cmpi eq, %iota3A, %eq3A_223 : vector<16xi32>
      %jit3A_225 = arith.constant 0 : i32
      %broadcast_in_dim3A_226 = vector.broadcast %jit3A_225 : i32 to vector<16xi32>
      %select_n3A_227 = arith.select %eq3A_224, %select_n3A_66, %broadcast_in_dim3A_226 : vector<16xi1>, vector<16xi32>
      %reduce_sum3A_228 = arith.constant true
      %reduce_sum3A_229 = vector.broadcast %reduce_sum3A_228 : i1 to vector<16xi1>
      %reduce_sum3A_230 = tpu.scan <sum>, %select_n3A_227 masked %reduce_sum3A_229 : vector<16xi32>, vector<16xi1> -> vector<16xi32>
      %reduce_sum3A_231 = vector.extract %reduce_sum3A_230[15] : i32 from vector<16xi32>
      %shift_right_logical3A_232 = arith.constant 7 : i32
      %shift_right_logical3A_233 = arith.shrui %reduce_sum3A_231, %shift_right_logical3A_232 : i32
      %mul3A_234 = arith.constant 128 : i32
      %mul3A_235 = arith.muli %shift_right_logical3A_233, %mul3A_234 : i32
      %multiple_of3A_236 = tpu.assume_multiple %mul3A_235, 128 : i32
      %dma_start3A_237 = arith.constant 5 : i32
      %dma_start3A_238 = arith.constant 0 : i32
      %dma_start3A_239 = arith.constant 0 : i32
      %dma_start3A_240 = tpu.memref_slice %arg10[%dma_start3A_237, %dma_start3A_238, %dma_start3A_239] : memref<16x16x128xf32, #tpu.memory_space<vmem>> -> memref<1x16x128xf32, #tpu.memory_space<vmem>>
      %dma_start3A_241 = tpu.memref_squeeze %dma_start3A_240 : memref<1x16x128xf32, #tpu.memory_space<vmem>> -> memref<16x128xf32, #tpu.memory_space<vmem>>
      %dma_start3A_242 = arith.constant 0 : i32
      %dma_start3A_243 = tpu.memref_slice %arg4[%dma_start3A_242, %multiple_of3A_236] : memref<16x1000001xf32, #tpu.memory_space<hbm>> -> memref<16x128xf32, #tpu.memory_space<hbm>>
      %dma_start3A_244 = arith.constant 0 : i32
      %dma_start3A_245 = arith.constant 0 : i32
      %dma_start3A_246 = tpu.memref_slice %arg10[%dma_start3A_237, %dma_start3A_244, %dma_start3A_245] : memref<16x16x128xf32, #tpu.memory_space<vmem>> -> memref<1x16x128xf32, #tpu.memory_space<vmem>>
      %dma_start3A_247 = tpu.memref_squeeze %dma_start3A_246 : memref<1x16x128xf32, #tpu.memory_space<vmem>> -> memref<16x128xf32, #tpu.memory_space<vmem>>
      %dma_start3A_248 = arith.constant 0 : i32
      %dma_start3A_249 = tpu.memref_slice %arg4[%dma_start3A_248, %multiple_of3A_236] : memref<16x1000001xf32, #tpu.memory_space<hbm>> -> memref<16x128xf32, #tpu.memory_space<hbm>>
      tpu.enqueue_dma source(%dma_start3A_249 : memref<16x128xf32, #tpu.memory_space<hbm>>) target(%dma_start3A_247 : memref<16x128xf32, #tpu.memory_space<vmem>>) target_semaphore(%arg12 : memref<!tpu.dma_semaphore, #tpu.memory_space<semaphore_mem>>)
      %eq3A_250 = arith.constant 6 : i32
      %eq3A_251 = vector.broadcast %eq3A_250 : i32 to vector<16xi32>
      %eq3A_252 = arith.cmpi eq, %iota3A, %eq3A_251 : vector<16xi32>
      %jit3A_253 = arith.constant 0 : i32
      %broadcast_in_dim3A_254 = vector.broadcast %jit3A_253 : i32 to vector<16xi32>
      %select_n3A_255 = arith.select %eq3A_252, %select_n3A_66, %broadcast_in_dim3A_254 : vector<16xi1>, vector<16xi32>
      %reduce_sum3A_256 = arith.constant true
      %reduce_sum3A_257 = vector.broadcast %reduce_sum3A_256 : i1 to vector<16xi1>
      %reduce_sum3A_258 = tpu.scan <sum>, %select_n3A_255 masked %reduce_sum3A_257 : vector<16xi32>, vector<16xi1> -> vector<16xi32>
      %reduce_sum3A_259 = vector.extract %reduce_sum3A_258[15] : i32 from vector<16xi32>
      %shift_right_logical3A_260 = arith.constant 7 : i32
      %shift_right_logical3A_261 = arith.shrui %reduce_sum3A_259, %shift_right_logical3A_260 : i32
      %mul3A_262 = arith.constant 128 : i32
      %mul3A_263 = arith.muli %shift_right_logical3A_261, %mul3A_262 : i32
      %multiple_of3A_264 = tpu.assume_multiple %mul3A_263, 128 : i32
      %dma_start3A_265 = arith.constant 6 : i32
      %dma_start3A_266 = arith.constant 0 : i32
      %dma_start3A_267 = arith.constant 0 : i32
      %dma_start3A_268 = tpu.memref_slice %arg10[%dma_start3A_265, %dma_start3A_266, %dma_start3A_267] : memref<16x16x128xf32, #tpu.memory_space<vmem>> -> memref<1x16x128xf32, #tpu.memory_space<vmem>>
      %dma_start3A_269 = tpu.memref_squeeze %dma_start3A_268 : memref<1x16x128xf32, #tpu.memory_space<vmem>> -> memref<16x128xf32, #tpu.memory_space<vmem>>
      %dma_start3A_270 = arith.constant 0 : i32
      %dma_start3A_271 = tpu.memref_slice %arg4[%dma_start3A_270, %multiple_of3A_264] : memref<16x1000001xf32, #tpu.memory_space<hbm>> -> memref<16x128xf32, #tpu.memory_space<hbm>>
      %dma_start3A_272 = arith.constant 0 : i32
      %dma_start3A_273 = arith.constant 0 : i32
      %dma_start3A_274 = tpu.memref_slice %arg10[%dma_start3A_265, %dma_start3A_272, %dma_start3A_273] : memref<16x16x128xf32, #tpu.memory_space<vmem>> -> memref<1x16x128xf32, #tpu.memory_space<vmem>>
      %dma_start3A_275 = tpu.memref_squeeze %dma_start3A_274 : memref<1x16x128xf32, #tpu.memory_space<vmem>> -> memref<16x128xf32, #tpu.memory_space<vmem>>
      %dma_start3A_276 = arith.constant 0 : i32
      %dma_start3A_277 = tpu.memref_slice %arg4[%dma_start3A_276, %multiple_of3A_264] : memref<16x1000001xf32, #tpu.memory_space<hbm>> -> memref<16x128xf32, #tpu.memory_space<hbm>>
      tpu.enqueue_dma source(%dma_start3A_277 : memref<16x128xf32, #tpu.memory_space<hbm>>) target(%dma_start3A_275 : memref<16x128xf32, #tpu.memory_space<vmem>>) target_semaphore(%arg12 : memref<!tpu.dma_semaphore, #tpu.memory_space<semaphore_mem>>)
      %eq3A_278 = arith.constant 7 : i32
      %eq3A_279 = vector.broadcast %eq3A_278 : i32 to vector<16xi32>
      %eq3A_280 = arith.cmpi eq, %iota3A, %eq3A_279 : vector<16xi32>
      %jit3A_281 = arith.constant 0 : i32
      %broadcast_in_dim3A_282 = vector.broadcast %jit3A_281 : i32 to vector<16xi32>
      %select_n3A_283 = arith.select %eq3A_280, %select_n3A_66, %broadcast_in_dim3A_282 : vector<16xi1>, vector<16xi32>
      %reduce_sum3A_284 = arith.constant true
      %reduce_sum3A_285 = vector.broadcast %reduce_sum3A_284 : i1 to vector<16xi1>
      %reduce_sum3A_286 = tpu.scan <sum>, %select_n3A_283 masked %reduce_sum3A_285 : vector<16xi32>, vector<16xi1> -> vector<16xi32>
      %reduce_sum3A_287 = vector.extract %reduce_sum3A_286[15] : i32 from vector<16xi32>
      %shift_right_logical3A_288 = arith.constant 7 : i32
      %shift_right_logical3A_289 = arith.shrui %reduce_sum3A_287, %shift_right_logical3A_288 : i32
      %mul3A_290 = arith.constant 128 : i32
      %mul3A_291 = arith.muli %shift_right_logical3A_289, %mul3A_290 : i32
      %multiple_of3A_292 = tpu.assume_multiple %mul3A_291, 128 : i32
      %dma_start3A_293 = arith.constant 7 : i32
      %dma_start3A_294 = arith.constant 0 : i32
      %dma_start3A_295 = arith.constant 0 : i32
      %dma_start3A_296 = tpu.memref_slice %arg10[%dma_start3A_293, %dma_start3A_294, %dma_start3A_295] : memref<16x16x128xf32, #tpu.memory_space<vmem>> -> memref<1x16x128xf32, #tpu.memory_space<vmem>>
      %dma_start3A_297 = tpu.memref_squeeze %dma_start3A_296 : memref<1x16x128xf32, #tpu.memory_space<vmem>> -> memref<16x128xf32, #tpu.memory_space<vmem>>
      %dma_start3A_298 = arith.constant 0 : i32
      %dma_start3A_299 = tpu.memref_slice %arg4[%dma_start3A_298, %multiple_of3A_292] : memref<16x1000001xf32, #tpu.memory_space<hbm>> -> memref<16x128xf32, #tpu.memory_space<hbm>>
      %dma_start3A_300 = arith.constant 0 : i32
      %dma_start3A_301 = arith.constant 0 : i32
      %dma_start3A_302 = tpu.memref_slice %arg10[%dma_start3A_293, %dma_start3A_300, %dma_start3A_301] : memref<16x16x128xf32, #tpu.memory_space<vmem>> -> memref<1x16x128xf32, #tpu.memory_space<vmem>>
      %dma_start3A_303 = tpu.memref_squeeze %dma_start3A_302 : memref<1x16x128xf32, #tpu.memory_space<vmem>> -> memref<16x128xf32, #tpu.memory_space<vmem>>
      %dma_start3A_304 = arith.constant 0 : i32
      %dma_start3A_305 = tpu.memref_slice %arg4[%dma_start3A_304, %multiple_of3A_292] : memref<16x1000001xf32, #tpu.memory_space<hbm>> -> memref<16x128xf32, #tpu.memory_space<hbm>>
      tpu.enqueue_dma source(%dma_start3A_305 : memref<16x128xf32, #tpu.memory_space<hbm>>) target(%dma_start3A_303 : memref<16x128xf32, #tpu.memory_space<vmem>>) target_semaphore(%arg12 : memref<!tpu.dma_semaphore, #tpu.memory_space<semaphore_mem>>)
      %eq3A_306 = arith.constant 0 : i32
      %eq3A_307 = vector.broadcast %eq3A_306 : i32 to vector<16xi32>
      %eq3A_308 = arith.cmpi eq, %iota3A, %eq3A_307 : vector<16xi32>
      %jit3A_309 = arith.constant 0 : i32
      %broadcast_in_dim3A_310 = vector.broadcast %jit3A_309 : i32 to vector<16xi32>
      %select_n3A_311 = arith.select %eq3A_308, %select_n3A_80, %broadcast_in_dim3A_310 : vector<16xi1>, vector<16xi32>
      %reduce_sum3A_312 = arith.constant true
      %reduce_sum3A_313 = vector.broadcast %reduce_sum3A_312 : i1 to vector<16xi1>
      %reduce_sum3A_314 = tpu.scan <sum>, %select_n3A_311 masked %reduce_sum3A_313 : vector<16xi32>, vector<16xi1> -> vector<16xi32>
      %reduce_sum3A_315 = vector.extract %reduce_sum3A_314[15] : i32 from vector<16xi32>
      %shift_right_logical3A_316 = arith.constant 7 : i32
      %shift_right_logical3A_317 = arith.shrui %reduce_sum3A_315, %shift_right_logical3A_316 : i32
      %mul3A_318 = arith.constant 128 : i32
      %mul3A_319 = arith.muli %shift_right_logical3A_317, %mul3A_318 : i32
      %multiple_of3A_320 = tpu.assume_multiple %mul3A_319, 128 : i32
      %dma_start3A_321 = arith.constant 8 : i32
      %dma_start3A_322 = arith.constant 0 : i32
      %dma_start3A_323 = arith.constant 0 : i32
      %dma_start3A_324 = tpu.memref_slice %arg10[%dma_start3A_321, %dma_start3A_322, %dma_start3A_323] : memref<16x16x128xf32, #tpu.memory_space<vmem>> -> memref<1x16x128xf32, #tpu.memory_space<vmem>>
      %dma_start3A_325 = tpu.memref_squeeze %dma_start3A_324 : memref<1x16x128xf32, #tpu.memory_space<vmem>> -> memref<16x128xf32, #tpu.memory_space<vmem>>
      %dma_start3A_326 = arith.constant 0 : i32
      %dma_start3A_327 = tpu.memref_slice %arg4[%dma_start3A_326, %multiple_of3A_320] : memref<16x1000001xf32, #tpu.memory_space<hbm>> -> memref<16x128xf32, #tpu.memory_space<hbm>>
      %dma_start3A_328 = arith.constant 0 : i32
      %dma_start3A_329 = arith.constant 0 : i32
      %dma_start3A_330 = tpu.memref_slice %arg10[%dma_start3A_321, %dma_start3A_328, %dma_start3A_329] : memref<16x16x128xf32, #tpu.memory_space<vmem>> -> memref<1x16x128xf32, #tpu.memory_space<vmem>>
      %dma_start3A_331 = tpu.memref_squeeze %dma_start3A_330 : memref<1x16x128xf32, #tpu.memory_space<vmem>> -> memref<16x128xf32, #tpu.memory_space<vmem>>
      %dma_start3A_332 = arith.constant 0 : i32
      %dma_start3A_333 = tpu.memref_slice %arg4[%dma_start3A_332, %multiple_of3A_320] : memref<16x1000001xf32, #tpu.memory_space<hbm>> -> memref<16x128xf32, #tpu.memory_space<hbm>>
      tpu.enqueue_dma source(%dma_start3A_333 : memref<16x128xf32, #tpu.memory_space<hbm>>) target(%dma_start3A_331 : memref<16x128xf32, #tpu.memory_space<vmem>>) target_semaphore(%arg13 : memref<!tpu.dma_semaphore, #tpu.memory_space<semaphore_mem>>)
      %eq3A_334 = arith.constant 1 : i32
      %eq3A_335 = vector.broadcast %eq3A_334 : i32 to vector<16xi32>
      %eq3A_336 = arith.cmpi eq, %iota3A, %eq3A_335 : vector<16xi32>
      %jit3A_337 = arith.constant 0 : i32
      %broadcast_in_dim3A_338 = vector.broadcast %jit3A_337 : i32 to vector<16xi32>
      %select_n3A_339 = arith.select %eq3A_336, %select_n3A_80, %broadcast_in_dim3A_338 : vector<16xi1>, vector<16xi32>
      %reduce_sum3A_340 = arith.constant true
      %reduce_sum3A_341 = vector.broadcast %reduce_sum3A_340 : i1 to vector<16xi1>
      %reduce_sum3A_342 = tpu.scan <sum>, %select_n3A_339 masked %reduce_sum3A_341 : vector<16xi32>, vector<16xi1> -> vector<16xi32>
      %reduce_sum3A_343 = vector.extract %reduce_sum3A_342[15] : i32 from vector<16xi32>
      %shift_right_logical3A_344 = arith.constant 7 : i32
      %shift_right_logical3A_345 = arith.shrui %reduce_sum3A_343, %shift_right_logical3A_344 : i32
      %mul3A_346 = arith.constant 128 : i32
      %mul3A_347 = arith.muli %shift_right_logical3A_345, %mul3A_346 : i32
      %multiple_of3A_348 = tpu.assume_multiple %mul3A_347, 128 : i32
      %dma_start3A_349 = arith.constant 9 : i32
      %dma_start3A_350 = arith.constant 0 : i32
      %dma_start3A_351 = arith.constant 0 : i32
      %dma_start3A_352 = tpu.memref_slice %arg10[%dma_start3A_349, %dma_start3A_350, %dma_start3A_351] : memref<16x16x128xf32, #tpu.memory_space<vmem>> -> memref<1x16x128xf32, #tpu.memory_space<vmem>>
      %dma_start3A_353 = tpu.memref_squeeze %dma_start3A_352 : memref<1x16x128xf32, #tpu.memory_space<vmem>> -> memref<16x128xf32, #tpu.memory_space<vmem>>
      %dma_start3A_354 = arith.constant 0 : i32
      %dma_start3A_355 = tpu.memref_slice %arg4[%dma_start3A_354, %multiple_of3A_348] : memref<16x1000001xf32, #tpu.memory_space<hbm>> -> memref<16x128xf32, #tpu.memory_space<hbm>>
      %dma_start3A_356 = arith.constant 0 : i32
      %dma_start3A_357 = arith.constant 0 : i32
      %dma_start3A_358 = tpu.memref_slice %arg10[%dma_start3A_349, %dma_start3A_356, %dma_start3A_357] : memref<16x16x128xf32, #tpu.memory_space<vmem>> -> memref<1x16x128xf32, #tpu.memory_space<vmem>>
      %dma_start3A_359 = tpu.memref_squeeze %dma_start3A_358 : memref<1x16x128xf32, #tpu.memory_space<vmem>> -> memref<16x128xf32, #tpu.memory_space<vmem>>
      %dma_start3A_360 = arith.constant 0 : i32
      %dma_start3A_361 = tpu.memref_slice %arg4[%dma_start3A_360, %multiple_of3A_348] : memref<16x1000001xf32, #tpu.memory_space<hbm>> -> memref<16x128xf32, #tpu.memory_space<hbm>>
      tpu.enqueue_dma source(%dma_start3A_361 : memref<16x128xf32, #tpu.memory_space<hbm>>) target(%dma_start3A_359 : memref<16x128xf32, #tpu.memory_space<vmem>>) target_semaphore(%arg13 : memref<!tpu.dma_semaphore, #tpu.memory_space<semaphore_mem>>)
      %eq3A_362 = arith.constant 2 : i32
      %eq3A_363 = vector.broadcast %eq3A_362 : i32 to vector<16xi32>
      %eq3A_364 = arith.cmpi eq, %iota3A, %eq3A_363 : vector<16xi32>
      %jit3A_365 = arith.constant 0 : i32
      %broadcast_in_dim3A_366 = vector.broadcast %jit3A_365 : i32 to vector<16xi32>
      %select_n3A_367 = arith.select %eq3A_364, %select_n3A_80, %broadcast_in_dim3A_366 : vector<16xi1>, vector<16xi32>
      %reduce_sum3A_368 = arith.constant true
      %reduce_sum3A_369 = vector.broadcast %reduce_sum3A_368 : i1 to vector<16xi1>
      %reduce_sum3A_370 = tpu.scan <sum>, %select_n3A_367 masked %reduce_sum3A_369 : vector<16xi32>, vector<16xi1> -> vector<16xi32>
      %reduce_sum3A_371 = vector.extract %reduce_sum3A_370[15] : i32 from vector<16xi32>
      %shift_right_logical3A_372 = arith.constant 7 : i32
      %shift_right_logical3A_373 = arith.shrui %reduce_sum3A_371, %shift_right_logical3A_372 : i32
      %mul3A_374 = arith.constant 128 : i32
      %mul3A_375 = arith.muli %shift_right_logical3A_373, %mul3A_374 : i32
      %multiple_of3A_376 = tpu.assume_multiple %mul3A_375, 128 : i32
      %dma_start3A_377 = arith.constant 10 : i32
      %dma_start3A_378 = arith.constant 0 : i32
      %dma_start3A_379 = arith.constant 0 : i32
      %dma_start3A_380 = tpu.memref_slice %arg10[%dma_start3A_377, %dma_start3A_378, %dma_start3A_379] : memref<16x16x128xf32, #tpu.memory_space<vmem>> -> memref<1x16x128xf32, #tpu.memory_space<vmem>>
      %dma_start3A_381 = tpu.memref_squeeze %dma_start3A_380 : memref<1x16x128xf32, #tpu.memory_space<vmem>> -> memref<16x128xf32, #tpu.memory_space<vmem>>
      %dma_start3A_382 = arith.constant 0 : i32
      %dma_start3A_383 = tpu.memref_slice %arg4[%dma_start3A_382, %multiple_of3A_376] : memref<16x1000001xf32, #tpu.memory_space<hbm>> -> memref<16x128xf32, #tpu.memory_space<hbm>>
      %dma_start3A_384 = arith.constant 0 : i32
      %dma_start3A_385 = arith.constant 0 : i32
      %dma_start3A_386 = tpu.memref_slice %arg10[%dma_start3A_377, %dma_start3A_384, %dma_start3A_385] : memref<16x16x128xf32, #tpu.memory_space<vmem>> -> memref<1x16x128xf32, #tpu.memory_space<vmem>>
      %dma_start3A_387 = tpu.memref_squeeze %dma_start3A_386 : memref<1x16x128xf32, #tpu.memory_space<vmem>> -> memref<16x128xf32, #tpu.memory_space<vmem>>
      %dma_start3A_388 = arith.constant 0 : i32
      %dma_start3A_389 = tpu.memref_slice %arg4[%dma_start3A_388, %multiple_of3A_376] : memref<16x1000001xf32, #tpu.memory_space<hbm>> -> memref<16x128xf32, #tpu.memory_space<hbm>>
      tpu.enqueue_dma source(%dma_start3A_389 : memref<16x128xf32, #tpu.memory_space<hbm>>) target(%dma_start3A_387 : memref<16x128xf32, #tpu.memory_space<vmem>>) target_semaphore(%arg13 : memref<!tpu.dma_semaphore, #tpu.memory_space<semaphore_mem>>)
      %eq3A_390 = arith.constant 3 : i32
      %eq3A_391 = vector.broadcast %eq3A_390 : i32 to vector<16xi32>
      %eq3A_392 = arith.cmpi eq, %iota3A, %eq3A_391 : vector<16xi32>
      %jit3A_393 = arith.constant 0 : i32
      %broadcast_in_dim3A_394 = vector.broadcast %jit3A_393 : i32 to vector<16xi32>
      %select_n3A_395 = arith.select %eq3A_392, %select_n3A_80, %broadcast_in_dim3A_394 : vector<16xi1>, vector<16xi32>
      %reduce_sum3A_396 = arith.constant true
      %reduce_sum3A_397 = vector.broadcast %reduce_sum3A_396 : i1 to vector<16xi1>
      %reduce_sum3A_398 = tpu.scan <sum>, %select_n3A_395 masked %reduce_sum3A_397 : vector<16xi32>, vector<16xi1> -> vector<16xi32>
      %reduce_sum3A_399 = vector.extract %reduce_sum3A_398[15] : i32 from vector<16xi32>
      %shift_right_logical3A_400 = arith.constant 7 : i32
      %shift_right_logical3A_401 = arith.shrui %reduce_sum3A_399, %shift_right_logical3A_400 : i32
      %mul3A_402 = arith.constant 128 : i32
      %mul3A_403 = arith.muli %shift_right_logical3A_401, %mul3A_402 : i32
      %multiple_of3A_404 = tpu.assume_multiple %mul3A_403, 128 : i32
      %dma_start3A_405 = arith.constant 11 : i32
      %dma_start3A_406 = arith.constant 0 : i32
      %dma_start3A_407 = arith.constant 0 : i32
      %dma_start3A_408 = tpu.memref_slice %arg10[%dma_start3A_405, %dma_start3A_406, %dma_start3A_407] : memref<16x16x128xf32, #tpu.memory_space<vmem>> -> memref<1x16x128xf32, #tpu.memory_space<vmem>>
      %dma_start3A_409 = tpu.memref_squeeze %dma_start3A_408 : memref<1x16x128xf32, #tpu.memory_space<vmem>> -> memref<16x128xf32, #tpu.memory_space<vmem>>
      %dma_start3A_410 = arith.constant 0 : i32
      %dma_start3A_411 = tpu.memref_slice %arg4[%dma_start3A_410, %multiple_of3A_404] : memref<16x1000001xf32, #tpu.memory_space<hbm>> -> memref<16x128xf32, #tpu.memory_space<hbm>>
      %dma_start3A_412 = arith.constant 0 : i32
      %dma_start3A_413 = arith.constant 0 : i32
      %dma_start3A_414 = tpu.memref_slice %arg10[%dma_start3A_405, %dma_start3A_412, %dma_start3A_413] : memref<16x16x128xf32, #tpu.memory_space<vmem>> -> memref<1x16x128xf32, #tpu.memory_space<vmem>>
      %dma_start3A_415 = tpu.memref_squeeze %dma_start3A_414 : memref<1x16x128xf32, #tpu.memory_space<vmem>> -> memref<16x128xf32, #tpu.memory_space<vmem>>
      %dma_start3A_416 = arith.constant 0 : i32
      %dma_start3A_417 = tpu.memref_slice %arg4[%dma_start3A_416, %multiple_of3A_404] : memref<16x1000001xf32, #tpu.memory_space<hbm>> -> memref<16x128xf32, #tpu.memory_space<hbm>>
      tpu.enqueue_dma source(%dma_start3A_417 : memref<16x128xf32, #tpu.memory_space<hbm>>) target(%dma_start3A_415 : memref<16x128xf32, #tpu.memory_space<vmem>>) target_semaphore(%arg13 : memref<!tpu.dma_semaphore, #tpu.memory_space<semaphore_mem>>)
      %eq3A_418 = arith.constant 4 : i32
      %eq3A_419 = vector.broadcast %eq3A_418 : i32 to vector<16xi32>
      %eq3A_420 = arith.cmpi eq, %iota3A, %eq3A_419 : vector<16xi32>
      %jit3A_421 = arith.constant 0 : i32
      %broadcast_in_dim3A_422 = vector.broadcast %jit3A_421 : i32 to vector<16xi32>
      %select_n3A_423 = arith.select %eq3A_420, %select_n3A_80, %broadcast_in_dim3A_422 : vector<16xi1>, vector<16xi32>
      %reduce_sum3A_424 = arith.constant true
      %reduce_sum3A_425 = vector.broadcast %reduce_sum3A_424 : i1 to vector<16xi1>
      %reduce_sum3A_426 = tpu.scan <sum>, %select_n3A_423 masked %reduce_sum3A_425 : vector<16xi32>, vector<16xi1> -> vector<16xi32>
      %reduce_sum3A_427 = vector.extract %reduce_sum3A_426[15] : i32 from vector<16xi32>
      %shift_right_logical3A_428 = arith.constant 7 : i32
      %shift_right_logical3A_429 = arith.shrui %reduce_sum3A_427, %shift_right_logical3A_428 : i32
      %mul3A_430 = arith.constant 128 : i32
      %mul3A_431 = arith.muli %shift_right_logical3A_429, %mul3A_430 : i32
      %multiple_of3A_432 = tpu.assume_multiple %mul3A_431, 128 : i32
      %dma_start3A_433 = arith.constant 12 : i32
      %dma_start3A_434 = arith.constant 0 : i32
      %dma_start3A_435 = arith.constant 0 : i32
      %dma_start3A_436 = tpu.memref_slice %arg10[%dma_start3A_433, %dma_start3A_434, %dma_start3A_435] : memref<16x16x128xf32, #tpu.memory_space<vmem>> -> memref<1x16x128xf32, #tpu.memory_space<vmem>>
      %dma_start3A_437 = tpu.memref_squeeze %dma_start3A_436 : memref<1x16x128xf32, #tpu.memory_space<vmem>> -> memref<16x128xf32, #tpu.memory_space<vmem>>
      %dma_start3A_438 = arith.constant 0 : i32
      %dma_start3A_439 = tpu.memref_slice %arg4[%dma_start3A_438, %multiple_of3A_432] : memref<16x1000001xf32, #tpu.memory_space<hbm>> -> memref<16x128xf32, #tpu.memory_space<hbm>>
      %dma_start3A_440 = arith.constant 0 : i32
      %dma_start3A_441 = arith.constant 0 : i32
      %dma_start3A_442 = tpu.memref_slice %arg10[%dma_start3A_433, %dma_start3A_440, %dma_start3A_441] : memref<16x16x128xf32, #tpu.memory_space<vmem>> -> memref<1x16x128xf32, #tpu.memory_space<vmem>>
      %dma_start3A_443 = tpu.memref_squeeze %dma_start3A_442 : memref<1x16x128xf32, #tpu.memory_space<vmem>> -> memref<16x128xf32, #tpu.memory_space<vmem>>
      %dma_start3A_444 = arith.constant 0 : i32
      %dma_start3A_445 = tpu.memref_slice %arg4[%dma_start3A_444, %multiple_of3A_432] : memref<16x1000001xf32, #tpu.memory_space<hbm>> -> memref<16x128xf32, #tpu.memory_space<hbm>>
      tpu.enqueue_dma source(%dma_start3A_445 : memref<16x128xf32, #tpu.memory_space<hbm>>) target(%dma_start3A_443 : memref<16x128xf32, #tpu.memory_space<vmem>>) target_semaphore(%arg13 : memref<!tpu.dma_semaphore, #tpu.memory_space<semaphore_mem>>)
      %eq3A_446 = arith.constant 5 : i32
      %eq3A_447 = vector.broadcast %eq3A_446 : i32 to vector<16xi32>
      %eq3A_448 = arith.cmpi eq, %iota3A, %eq3A_447 : vector<16xi32>
      %jit3A_449 = arith.constant 0 : i32
      %broadcast_in_dim3A_450 = vector.broadcast %jit3A_449 : i32 to vector<16xi32>
      %select_n3A_451 = arith.select %eq3A_448, %select_n3A_80, %broadcast_in_dim3A_450 : vector<16xi1>, vector<16xi32>
      %reduce_sum3A_452 = arith.constant true
      %reduce_sum3A_453 = vector.broadcast %reduce_sum3A_452 : i1 to vector<16xi1>
      %reduce_sum3A_454 = tpu.scan <sum>, %select_n3A_451 masked %reduce_sum3A_453 : vector<16xi32>, vector<16xi1> -> vector<16xi32>
      %reduce_sum3A_455 = vector.extract %reduce_sum3A_454[15] : i32 from vector<16xi32>
      %shift_right_logical3A_456 = arith.constant 7 : i32
      %shift_right_logical3A_457 = arith.shrui %reduce_sum3A_455, %shift_right_logical3A_456 : i32
      %mul3A_458 = arith.constant 128 : i32
      %mul3A_459 = arith.muli %shift_right_logical3A_457, %mul3A_458 : i32
      %multiple_of3A_460 = tpu.assume_multiple %mul3A_459, 128 : i32
      %dma_start3A_461 = arith.constant 13 : i32
      %dma_start3A_462 = arith.constant 0 : i32
      %dma_start3A_463 = arith.constant 0 : i32
      %dma_start3A_464 = tpu.memref_slice %arg10[%dma_start3A_461, %dma_start3A_462, %dma_start3A_463] : memref<16x16x128xf32, #tpu.memory_space<vmem>> -> memref<1x16x128xf32, #tpu.memory_space<vmem>>
      %dma_start3A_465 = tpu.memref_squeeze %dma_start3A_464 : memref<1x16x128xf32, #tpu.memory_space<vmem>> -> memref<16x128xf32, #tpu.memory_space<vmem>>
      %dma_start3A_466 = arith.constant 0 : i32
      %dma_start3A_467 = tpu.memref_slice %arg4[%dma_start3A_466, %multiple_of3A_460] : memref<16x1000001xf32, #tpu.memory_space<hbm>> -> memref<16x128xf32, #tpu.memory_space<hbm>>
      %dma_start3A_468 = arith.constant 0 : i32
      %dma_start3A_469 = arith.constant 0 : i32
      %dma_start3A_470 = tpu.memref_slice %arg10[%dma_start3A_461, %dma_start3A_468, %dma_start3A_469] : memref<16x16x128xf32, #tpu.memory_space<vmem>> -> memref<1x16x128xf32, #tpu.memory_space<vmem>>
      %dma_start3A_471 = tpu.memref_squeeze %dma_start3A_470 : memref<1x16x128xf32, #tpu.memory_space<vmem>> -> memref<16x128xf32, #tpu.memory_space<vmem>>
      %dma_start3A_472 = arith.constant 0 : i32
      %dma_start3A_473 = tpu.memref_slice %arg4[%dma_start3A_472, %multiple_of3A_460] : memref<16x1000001xf32, #tpu.memory_space<hbm>> -> memref<16x128xf32, #tpu.memory_space<hbm>>
      tpu.enqueue_dma source(%dma_start3A_473 : memref<16x128xf32, #tpu.memory_space<hbm>>) target(%dma_start3A_471 : memref<16x128xf32, #tpu.memory_space<vmem>>) target_semaphore(%arg13 : memref<!tpu.dma_semaphore, #tpu.memory_space<semaphore_mem>>)
      %eq3A_474 = arith.constant 6 : i32
      %eq3A_475 = vector.broadcast %eq3A_474 : i32 to vector<16xi32>
      %eq3A_476 = arith.cmpi eq, %iota3A, %eq3A_475 : vector<16xi32>
      %jit3A_477 = arith.constant 0 : i32
      %broadcast_in_dim3A_478 = vector.broadcast %jit3A_477 : i32 to vector<16xi32>
      %select_n3A_479 = arith.select %eq3A_476, %select_n3A_80, %broadcast_in_dim3A_478 : vector<16xi1>, vector<16xi32>
      %reduce_sum3A_480 = arith.constant true
      %reduce_sum3A_481 = vector.broadcast %reduce_sum3A_480 : i1 to vector<16xi1>
      %reduce_sum3A_482 = tpu.scan <sum>, %select_n3A_479 masked %reduce_sum3A_481 : vector<16xi32>, vector<16xi1> -> vector<16xi32>
      %reduce_sum3A_483 = vector.extract %reduce_sum3A_482[15] : i32 from vector<16xi32>
      %shift_right_logical3A_484 = arith.constant 7 : i32
      %shift_right_logical3A_485 = arith.shrui %reduce_sum3A_483, %shift_right_logical3A_484 : i32
      %mul3A_486 = arith.constant 128 : i32
      %mul3A_487 = arith.muli %shift_right_logical3A_485, %mul3A_486 : i32
      %multiple_of3A_488 = tpu.assume_multiple %mul3A_487, 128 : i32
      %dma_start3A_489 = arith.constant 14 : i32
      %dma_start3A_490 = arith.constant 0 : i32
      %dma_start3A_491 = arith.constant 0 : i32
      %dma_start3A_492 = tpu.memref_slice %arg10[%dma_start3A_489, %dma_start3A_490, %dma_start3A_491] : memref<16x16x128xf32, #tpu.memory_space<vmem>> -> memref<1x16x128xf32, #tpu.memory_space<vmem>>
      %dma_start3A_493 = tpu.memref_squeeze %dma_start3A_492 : memref<1x16x128xf32, #tpu.memory_space<vmem>> -> memref<16x128xf32, #tpu.memory_space<vmem>>
      %dma_start3A_494 = arith.constant 0 : i32
      %dma_start3A_495 = tpu.memref_slice %arg4[%dma_start3A_494, %multiple_of3A_488] : memref<16x1000001xf32, #tpu.memory_space<hbm>> -> memref<16x128xf32, #tpu.memory_space<hbm>>
      %dma_start3A_496 = arith.constant 0 : i32
      %dma_start3A_497 = arith.constant 0 : i32
      %dma_start3A_498 = tpu.memref_slice %arg10[%dma_start3A_489, %dma_start3A_496, %dma_start3A_497] : memref<16x16x128xf32, #tpu.memory_space<vmem>> -> memref<1x16x128xf32, #tpu.memory_space<vmem>>
      %dma_start3A_499 = tpu.memref_squeeze %dma_start3A_498 : memref<1x16x128xf32, #tpu.memory_space<vmem>> -> memref<16x128xf32, #tpu.memory_space<vmem>>
      %dma_start3A_500 = arith.constant 0 : i32
      %dma_start3A_501 = tpu.memref_slice %arg4[%dma_start3A_500, %multiple_of3A_488] : memref<16x1000001xf32, #tpu.memory_space<hbm>> -> memref<16x128xf32, #tpu.memory_space<hbm>>
      tpu.enqueue_dma source(%dma_start3A_501 : memref<16x128xf32, #tpu.memory_space<hbm>>) target(%dma_start3A_499 : memref<16x128xf32, #tpu.memory_space<vmem>>) target_semaphore(%arg13 : memref<!tpu.dma_semaphore, #tpu.memory_space<semaphore_mem>>)
      %eq3A_502 = arith.constant 7 : i32
      %eq3A_503 = vector.broadcast %eq3A_502 : i32 to vector<16xi32>
      %eq3A_504 = arith.cmpi eq, %iota3A, %eq3A_503 : vector<16xi32>
      %jit3A_505 = arith.constant 0 : i32
      %broadcast_in_dim3A_506 = vector.broadcast %jit3A_505 : i32 to vector<16xi32>
      %select_n3A_507 = arith.select %eq3A_504, %select_n3A_80, %broadcast_in_dim3A_506 : vector<16xi1>, vector<16xi32>
      %reduce_sum3A_508 = arith.constant true
      %reduce_sum3A_509 = vector.broadcast %reduce_sum3A_508 : i1 to vector<16xi1>
      %reduce_sum3A_510 = tpu.scan <sum>, %select_n3A_507 masked %reduce_sum3A_509 : vector<16xi32>, vector<16xi1> -> vector<16xi32>
      %reduce_sum3A_511 = vector.extract %reduce_sum3A_510[15] : i32 from vector<16xi32>
      %shift_right_logical3A_512 = arith.constant 7 : i32
      %shift_right_logical3A_513 = arith.shrui %reduce_sum3A_511, %shift_right_logical3A_512 : i32
      %mul3A_514 = arith.constant 128 : i32
      %mul3A_515 = arith.muli %shift_right_logical3A_513, %mul3A_514 : i32
      %multiple_of3A_516 = tpu.assume_multiple %mul3A_515, 128 : i32
      %dma_start3A_517 = arith.constant 15 : i32
      %dma_start3A_518 = arith.constant 0 : i32
      %dma_start3A_519 = arith.constant 0 : i32
      %dma_start3A_520 = tpu.memref_slice %arg10[%dma_start3A_517, %dma_start3A_518, %dma_start3A_519] : memref<16x16x128xf32, #tpu.memory_space<vmem>> -> memref<1x16x128xf32, #tpu.memory_space<vmem>>
      %dma_start3A_521 = tpu.memref_squeeze %dma_start3A_520 : memref<1x16x128xf32, #tpu.memory_space<vmem>> -> memref<16x128xf32, #tpu.memory_space<vmem>>
      %dma_start3A_522 = arith.constant 0 : i32
      %dma_start3A_523 = tpu.memref_slice %arg4[%dma_start3A_522, %multiple_of3A_516] : memref<16x1000001xf32, #tpu.memory_space<hbm>> -> memref<16x128xf32, #tpu.memory_space<hbm>>
      %dma_start3A_524 = arith.constant 0 : i32
      %dma_start3A_525 = arith.constant 0 : i32
      %dma_start3A_526 = tpu.memref_slice %arg10[%dma_start3A_517, %dma_start3A_524, %dma_start3A_525] : memref<16x16x128xf32, #tpu.memory_space<vmem>> -> memref<1x16x128xf32, #tpu.memory_space<vmem>>
      %dma_start3A_527 = tpu.memref_squeeze %dma_start3A_526 : memref<1x16x128xf32, #tpu.memory_space<vmem>> -> memref<16x128xf32, #tpu.memory_space<vmem>>
      %dma_start3A_528 = arith.constant 0 : i32
      %dma_start3A_529 = tpu.memref_slice %arg4[%dma_start3A_528, %multiple_of3A_516] : memref<16x1000001xf32, #tpu.memory_space<hbm>> -> memref<16x128xf32, #tpu.memory_space<hbm>>
      tpu.enqueue_dma source(%dma_start3A_529 : memref<16x128xf32, #tpu.memory_space<hbm>>) target(%dma_start3A_527 : memref<16x128xf32, #tpu.memory_space<vmem>>) target_semaphore(%arg13 : memref<!tpu.dma_semaphore, #tpu.memory_space<semaphore_mem>>)
      %dma_wait3A_530 = arith.constant 0 : i32
      %dma_wait3A_531 = arith.constant 0 : i32
      %dma_wait3A_532 = arith.constant 0 : i32
      %dma_wait3A_533 = tpu.memref_slice %arg10[%dma_wait3A_530, %dma_wait3A_531, %dma_wait3A_532] : memref<16x16x128xf32, #tpu.memory_space<vmem>> -> memref<1x16x128xf32, #tpu.memory_space<vmem>>
      %dma_wait3A_534 = tpu.memref_squeeze %dma_wait3A_533 : memref<1x16x128xf32, #tpu.memory_space<vmem>> -> memref<16x128xf32, #tpu.memory_space<vmem>>
      %dma_wait3A_535 = arith.constant 0 : i32
      %dma_wait3A_536 = tpu.memref_slice %arg4[%dma_wait3A_535, %multiple_of3A] : memref<16x1000001xf32, #tpu.memory_space<hbm>> -> memref<16x128xf32, #tpu.memory_space<hbm>>
      %dma_wait3A_537 = arith.constant 0 : i32
      %dma_wait3A_538 = arith.constant 0 : i32
      %dma_wait3A_539 = tpu.memref_slice %arg10[%dma_wait3A_530, %dma_wait3A_537, %dma_wait3A_538] : memref<16x16x128xf32, #tpu.memory_space<vmem>> -> memref<1x16x128xf32, #tpu.memory_space<vmem>>
      %dma_wait3A_540 = tpu.memref_squeeze %dma_wait3A_539 : memref<1x16x128xf32, #tpu.memory_space<vmem>> -> memref<16x128xf32, #tpu.memory_space<vmem>>
      %dma_wait3A_541 = arith.constant 0 : i32
      %dma_wait3A_542 = tpu.memref_slice %arg4[%dma_wait3A_541, %multiple_of3A] : memref<16x1000001xf32, #tpu.memory_space<hbm>> -> memref<16x128xf32, #tpu.memory_space<hbm>>
      tpu.wait_dma2 semaphore(%arg12 : memref<!tpu.dma_semaphore, #tpu.memory_space<semaphore_mem>>) src(%dma_wait3A_542 : memref<16x128xf32, #tpu.memory_space<hbm>>) dst(%dma_wait3A_540 : memref<16x128xf32, #tpu.memory_space<vmem>>)
      %dma_wait3A_543 = arith.constant 1 : i32
      %dma_wait3A_544 = arith.constant 0 : i32
      %dma_wait3A_545 = arith.constant 0 : i32
      %dma_wait3A_546 = tpu.memref_slice %arg10[%dma_wait3A_543, %dma_wait3A_544, %dma_wait3A_545] : memref<16x16x128xf32, #tpu.memory_space<vmem>> -> memref<1x16x128xf32, #tpu.memory_space<vmem>>
      %dma_wait3A_547 = tpu.memref_squeeze %dma_wait3A_546 : memref<1x16x128xf32, #tpu.memory_space<vmem>> -> memref<16x128xf32, #tpu.memory_space<vmem>>
      %dma_wait3A_548 = arith.constant 0 : i32
      %dma_wait3A_549 = tpu.memref_slice %arg4[%dma_wait3A_548, %multiple_of3A_124] : memref<16x1000001xf32, #tpu.memory_space<hbm>> -> memref<16x128xf32, #tpu.memory_space<hbm>>
      %dma_wait3A_550 = arith.constant 0 : i32
      %dma_wait3A_551 = arith.constant 0 : i32
      %dma_wait3A_552 = tpu.memref_slice %arg10[%dma_wait3A_543, %dma_wait3A_550, %dma_wait3A_551] : memref<16x16x128xf32, #tpu.memory_space<vmem>> -> memref<1x16x128xf32, #tpu.memory_space<vmem>>
      %dma_wait3A_553 = tpu.memref_squeeze %dma_wait3A_552 : memref<1x16x128xf32, #tpu.memory_space<vmem>> -> memref<16x128xf32, #tpu.memory_space<vmem>>
      %dma_wait3A_554 = arith.constant 0 : i32
      %dma_wait3A_555 = tpu.memref_slice %arg4[%dma_wait3A_554, %multiple_of3A_124] : memref<16x1000001xf32, #tpu.memory_space<hbm>> -> memref<16x128xf32, #tpu.memory_space<hbm>>
      tpu.wait_dma2 semaphore(%arg12 : memref<!tpu.dma_semaphore, #tpu.memory_space<semaphore_mem>>) src(%dma_wait3A_555 : memref<16x128xf32, #tpu.memory_space<hbm>>) dst(%dma_wait3A_553 : memref<16x128xf32, #tpu.memory_space<vmem>>)
      %dma_wait3A_556 = arith.constant 2 : i32
      %dma_wait3A_557 = arith.constant 0 : i32
      %dma_wait3A_558 = arith.constant 0 : i32
      %dma_wait3A_559 = tpu.memref_slice %arg10[%dma_wait3A_556, %dma_wait3A_557, %dma_wait3A_558] : memref<16x16x128xf32, #tpu.memory_space<vmem>> -> memref<1x16x128xf32, #tpu.memory_space<vmem>>
      %dma_wait3A_560 = tpu.memref_squeeze %dma_wait3A_559 : memref<1x16x128xf32, #tpu.memory_space<vmem>> -> memref<16x128xf32, #tpu.memory_space<vmem>>
      %dma_wait3A_561 = arith.constant 0 : i32
      %dma_wait3A_562 = tpu.memref_slice %arg4[%dma_wait3A_561, %multiple_of3A_152] : memref<16x1000001xf32, #tpu.memory_space<hbm>> -> memref<16x128xf32, #tpu.memory_space<hbm>>
      %dma_wait3A_563 = arith.constant 0 : i32
      %dma_wait3A_564 = arith.constant 0 : i32
      %dma_wait3A_565 = tpu.memref_slice %arg10[%dma_wait3A_556, %dma_wait3A_563, %dma_wait3A_564] : memref<16x16x128xf32, #tpu.memory_space<vmem>> -> memref<1x16x128xf32, #tpu.memory_space<vmem>>
      %dma_wait3A_566 = tpu.memref_squeeze %dma_wait3A_565 : memref<1x16x128xf32, #tpu.memory_space<vmem>> -> memref<16x128xf32, #tpu.memory_space<vmem>>
      %dma_wait3A_567 = arith.constant 0 : i32
      %dma_wait3A_568 = tpu.memref_slice %arg4[%dma_wait3A_567, %multiple_of3A_152] : memref<16x1000001xf32, #tpu.memory_space<hbm>> -> memref<16x128xf32, #tpu.memory_space<hbm>>
      tpu.wait_dma2 semaphore(%arg12 : memref<!tpu.dma_semaphore, #tpu.memory_space<semaphore_mem>>) src(%dma_wait3A_568 : memref<16x128xf32, #tpu.memory_space<hbm>>) dst(%dma_wait3A_566 : memref<16x128xf32, #tpu.memory_space<vmem>>)
      %dma_wait3A_569 = arith.constant 3 : i32
      %dma_wait3A_570 = arith.constant 0 : i32
      %dma_wait3A_571 = arith.constant 0 : i32
      %dma_wait3A_572 = tpu.memref_slice %arg10[%dma_wait3A_569, %dma_wait3A_570, %dma_wait3A_571] : memref<16x16x128xf32, #tpu.memory_space<vmem>> -> memref<1x16x128xf32, #tpu.memory_space<vmem>>
      %dma_wait3A_573 = tpu.memref_squeeze %dma_wait3A_572 : memref<1x16x128xf32, #tpu.memory_space<vmem>> -> memref<16x128xf32, #tpu.memory_space<vmem>>
      %dma_wait3A_574 = arith.constant 0 : i32
      %dma_wait3A_575 = tpu.memref_slice %arg4[%dma_wait3A_574, %multiple_of3A_180] : memref<16x1000001xf32, #tpu.memory_space<hbm>> -> memref<16x128xf32, #tpu.memory_space<hbm>>
      %dma_wait3A_576 = arith.constant 0 : i32
      %dma_wait3A_577 = arith.constant 0 : i32
      %dma_wait3A_578 = tpu.memref_slice %arg10[%dma_wait3A_569, %dma_wait3A_576, %dma_wait3A_577] : memref<16x16x128xf32, #tpu.memory_space<vmem>> -> memref<1x16x128xf32, #tpu.memory_space<vmem>>
      %dma_wait3A_579 = tpu.memref_squeeze %dma_wait3A_578 : memref<1x16x128xf32, #tpu.memory_space<vmem>> -> memref<16x128xf32, #tpu.memory_space<vmem>>
      %dma_wait3A_580 = arith.constant 0 : i32
      %dma_wait3A_581 = tpu.memref_slice %arg4[%dma_wait3A_580, %multiple_of3A_180] : memref<16x1000001xf32, #tpu.memory_space<hbm>> -> memref<16x128xf32, #tpu.memory_space<hbm>>
      tpu.wait_dma2 semaphore(%arg12 : memref<!tpu.dma_semaphore, #tpu.memory_space<semaphore_mem>>) src(%dma_wait3A_581 : memref<16x128xf32, #tpu.memory_space<hbm>>) dst(%dma_wait3A_579 : memref<16x128xf32, #tpu.memory_space<vmem>>)
      %dma_wait3A_582 = arith.constant 4 : i32
      %dma_wait3A_583 = arith.constant 0 : i32
      %dma_wait3A_584 = arith.constant 0 : i32
      %dma_wait3A_585 = tpu.memref_slice %arg10[%dma_wait3A_582, %dma_wait3A_583, %dma_wait3A_584] : memref<16x16x128xf32, #tpu.memory_space<vmem>> -> memref<1x16x128xf32, #tpu.memory_space<vmem>>
      %dma_wait3A_586 = tpu.memref_squeeze %dma_wait3A_585 : memref<1x16x128xf32, #tpu.memory_space<vmem>> -> memref<16x128xf32, #tpu.memory_space<vmem>>
      %dma_wait3A_587 = arith.constant 0 : i32
      %dma_wait3A_588 = tpu.memref_slice %arg4[%dma_wait3A_587, %multiple_of3A_208] : memref<16x1000001xf32, #tpu.memory_space<hbm>> -> memref<16x128xf32, #tpu.memory_space<hbm>>
      %dma_wait3A_589 = arith.constant 0 : i32
      %dma_wait3A_590 = arith.constant 0 : i32
      %dma_wait3A_591 = tpu.memref_slice %arg10[%dma_wait3A_582, %dma_wait3A_589, %dma_wait3A_590] : memref<16x16x128xf32, #tpu.memory_space<vmem>> -> memref<1x16x128xf32, #tpu.memory_space<vmem>>
      %dma_wait3A_592 = tpu.memref_squeeze %dma_wait3A_591 : memref<1x16x128xf32, #tpu.memory_space<vmem>> -> memref<16x128xf32, #tpu.memory_space<vmem>>
      %dma_wait3A_593 = arith.constant 0 : i32
      %dma_wait3A_594 = tpu.memref_slice %arg4[%dma_wait3A_593, %multiple_of3A_208] : memref<16x1000001xf32, #tpu.memory_space<hbm>> -> memref<16x128xf32, #tpu.memory_space<hbm>>
      tpu.wait_dma2 semaphore(%arg12 : memref<!tpu.dma_semaphore, #tpu.memory_space<semaphore_mem>>) src(%dma_wait3A_594 : memref<16x128xf32, #tpu.memory_space<hbm>>) dst(%dma_wait3A_592 : memref<16x128xf32, #tpu.memory_space<vmem>>)
      %dma_wait3A_595 = arith.constant 5 : i32
      %dma_wait3A_596 = arith.constant 0 : i32
      %dma_wait3A_597 = arith.constant 0 : i32
      %dma_wait3A_598 = tpu.memref_slice %arg10[%dma_wait3A_595, %dma_wait3A_596, %dma_wait3A_597] : memref<16x16x128xf32, #tpu.memory_space<vmem>> -> memref<1x16x128xf32, #tpu.memory_space<vmem>>
      %dma_wait3A_599 = tpu.memref_squeeze %dma_wait3A_598 : memref<1x16x128xf32, #tpu.memory_space<vmem>> -> memref<16x128xf32, #tpu.memory_space<vmem>>
      %dma_wait3A_600 = arith.constant 0 : i32
      %dma_wait3A_601 = tpu.memref_slice %arg4[%dma_wait3A_600, %multiple_of3A_236] : memref<16x1000001xf32, #tpu.memory_space<hbm>> -> memref<16x128xf32, #tpu.memory_space<hbm>>
      %dma_wait3A_602 = arith.constant 0 : i32
      %dma_wait3A_603 = arith.constant 0 : i32
      %dma_wait3A_604 = tpu.memref_slice %arg10[%dma_wait3A_595, %dma_wait3A_602, %dma_wait3A_603] : memref<16x16x128xf32, #tpu.memory_space<vmem>> -> memref<1x16x128xf32, #tpu.memory_space<vmem>>
      %dma_wait3A_605 = tpu.memref_squeeze %dma_wait3A_604 : memref<1x16x128xf32, #tpu.memory_space<vmem>> -> memref<16x128xf32, #tpu.memory_space<vmem>>
      %dma_wait3A_606 = arith.constant 0 : i32
      %dma_wait3A_607 = tpu.memref_slice %arg4[%dma_wait3A_606, %multiple_of3A_236] : memref<16x1000001xf32, #tpu.memory_space<hbm>> -> memref<16x128xf32, #tpu.memory_space<hbm>>
      tpu.wait_dma2 semaphore(%arg12 : memref<!tpu.dma_semaphore, #tpu.memory_space<semaphore_mem>>) src(%dma_wait3A_607 : memref<16x128xf32, #tpu.memory_space<hbm>>) dst(%dma_wait3A_605 : memref<16x128xf32, #tpu.memory_space<vmem>>)
      %dma_wait3A_608 = arith.constant 6 : i32
      %dma_wait3A_609 = arith.constant 0 : i32
      %dma_wait3A_610 = arith.constant 0 : i32
      %dma_wait3A_611 = tpu.memref_slice %arg10[%dma_wait3A_608, %dma_wait3A_609, %dma_wait3A_610] : memref<16x16x128xf32, #tpu.memory_space<vmem>> -> memref<1x16x128xf32, #tpu.memory_space<vmem>>
      %dma_wait3A_612 = tpu.memref_squeeze %dma_wait3A_611 : memref<1x16x128xf32, #tpu.memory_space<vmem>> -> memref<16x128xf32, #tpu.memory_space<vmem>>
      %dma_wait3A_613 = arith.constant 0 : i32
      %dma_wait3A_614 = tpu.memref_slice %arg4[%dma_wait3A_613, %multiple_of3A_264] : memref<16x1000001xf32, #tpu.memory_space<hbm>> -> memref<16x128xf32, #tpu.memory_space<hbm>>
      %dma_wait3A_615 = arith.constant 0 : i32
      %dma_wait3A_616 = arith.constant 0 : i32
      %dma_wait3A_617 = tpu.memref_slice %arg10[%dma_wait3A_608, %dma_wait3A_615, %dma_wait3A_616] : memref<16x16x128xf32, #tpu.memory_space<vmem>> -> memref<1x16x128xf32, #tpu.memory_space<vmem>>
      %dma_wait3A_618 = tpu.memref_squeeze %dma_wait3A_617 : memref<1x16x128xf32, #tpu.memory_space<vmem>> -> memref<16x128xf32, #tpu.memory_space<vmem>>
      %dma_wait3A_619 = arith.constant 0 : i32
      %dma_wait3A_620 = tpu.memref_slice %arg4[%dma_wait3A_619, %multiple_of3A_264] : memref<16x1000001xf32, #tpu.memory_space<hbm>> -> memref<16x128xf32, #tpu.memory_space<hbm>>
      tpu.wait_dma2 semaphore(%arg12 : memref<!tpu.dma_semaphore, #tpu.memory_space<semaphore_mem>>) src(%dma_wait3A_620 : memref<16x128xf32, #tpu.memory_space<hbm>>) dst(%dma_wait3A_618 : memref<16x128xf32, #tpu.memory_space<vmem>>)
      %dma_wait3A_621 = arith.constant 7 : i32
      %dma_wait3A_622 = arith.constant 0 : i32
      %dma_wait3A_623 = arith.constant 0 : i32
      %dma_wait3A_624 = tpu.memref_slice %arg10[%dma_wait3A_621, %dma_wait3A_622, %dma_wait3A_623] : memref<16x16x128xf32, #tpu.memory_space<vmem>> -> memref<1x16x128xf32, #tpu.memory_space<vmem>>
      %dma_wait3A_625 = tpu.memref_squeeze %dma_wait3A_624 : memref<1x16x128xf32, #tpu.memory_space<vmem>> -> memref<16x128xf32, #tpu.memory_space<vmem>>
      %dma_wait3A_626 = arith.constant 0 : i32
      %dma_wait3A_627 = tpu.memref_slice %arg4[%dma_wait3A_626, %multiple_of3A_292] : memref<16x1000001xf32, #tpu.memory_space<hbm>> -> memref<16x128xf32, #tpu.memory_space<hbm>>
      %dma_wait3A_628 = arith.constant 0 : i32
      %dma_wait3A_629 = arith.constant 0 : i32
      %dma_wait3A_630 = tpu.memref_slice %arg10[%dma_wait3A_621, %dma_wait3A_628, %dma_wait3A_629] : memref<16x16x128xf32, #tpu.memory_space<vmem>> -> memref<1x16x128xf32, #tpu.memory_space<vmem>>
      %dma_wait3A_631 = tpu.memref_squeeze %dma_wait3A_630 : memref<1x16x128xf32, #tpu.memory_space<vmem>> -> memref<16x128xf32, #tpu.memory_space<vmem>>
      %dma_wait3A_632 = arith.constant 0 : i32
      %dma_wait3A_633 = tpu.memref_slice %arg4[%dma_wait3A_632, %multiple_of3A_292] : memref<16x1000001xf32, #tpu.memory_space<hbm>> -> memref<16x128xf32, #tpu.memory_space<hbm>>
      tpu.wait_dma2 semaphore(%arg12 : memref<!tpu.dma_semaphore, #tpu.memory_space<semaphore_mem>>) src(%dma_wait3A_633 : memref<16x128xf32, #tpu.memory_space<hbm>>) dst(%dma_wait3A_631 : memref<16x128xf32, #tpu.memory_space<vmem>>)
      %and3A = arith.constant 127 : i32
      %and3A_634 = vector.broadcast %and3A : i32 to vector<16xi32>
      %and3A_635 = arith.andi %select_n3A_66, %and3A_634 : vector<16xi32>
      %eq3A_636 = arith.constant 0 : i32
      %eq3A_637 = vector.broadcast %eq3A_636 : i32 to vector<16xi32>
      %eq3A_638 = arith.cmpi eq, %iota3A, %eq3A_637 : vector<16xi32>
      %jit3A_639 = arith.constant 0 : i32
      %broadcast_in_dim3A_640 = vector.broadcast %jit3A_639 : i32 to vector<16xi32>
      %select_n3A_641 = arith.select %eq3A_638, %and3A_635, %broadcast_in_dim3A_640 : vector<16xi1>, vector<16xi32>
      %reduce_sum3A_642 = arith.constant true
      %reduce_sum3A_643 = vector.broadcast %reduce_sum3A_642 : i1 to vector<16xi1>
      %reduce_sum3A_644 = tpu.scan <sum>, %select_n3A_641 masked %reduce_sum3A_643 : vector<16xi32>, vector<16xi1> -> vector<16xi32>
      %reduce_sum3A_645 = vector.extract %reduce_sum3A_644[15] : i32 from vector<16xi32>
      %broadcast_in_dim3A_646 = arith.constant 0 : i32
      %broadcast_in_dim3A_647 = vector.broadcast %broadcast_in_dim3A_646 : i32 to vector<16xi32>
      %add3A_648 = vector.broadcast %reduce_sum3A_645 : i32 to vector<16xi32>
      %add3A_649 = arith.addi %add3A_648, %broadcast_in_dim3A_647 : vector<16xi32>
      %broadcast_in_dim3A_650 = arith.constant 0 : i32
      %broadcast_in_dim3A_651 = vector.broadcast %broadcast_in_dim3A_650 : i32 to vector<16xi32>
      %gather3A = tpu.vector_load_idx %arg10[%broadcast_in_dim3A_651, %iota3A, %add3A_649] : memref<16x16x128xf32, #tpu.memory_space<vmem>>[vector<16xi32>, vector<16xi32>, vector<16xi32>], vector<16xf32>,
      %swap3A = arith.constant 0 : index
      %swap3A_652 = tpu.vector_load %arg11[%swap3A] {strides = array<i32>} : memref<272xf32, #tpu.memory_space<vmem>>, vector<16xf32>,
      tpu.vector_store %arg11[%swap3A], %gather3A {strides = array<i32>} : memref<272xf32, #tpu.memory_space<vmem>>, vector<16xf32>,
      %eq3A_653 = arith.constant 1 : i32
      %eq3A_654 = vector.broadcast %eq3A_653 : i32 to vector<16xi32>
      %eq3A_655 = arith.cmpi eq, %iota3A, %eq3A_654 : vector<16xi32>
      %jit3A_656 = arith.constant 0 : i32
      %broadcast_in_dim3A_657 = vector.broadcast %jit3A_656 : i32 to vector<16xi32>
      %select_n3A_658 = arith.select %eq3A_655, %and3A_635, %broadcast_in_dim3A_657 : vector<16xi1>, vector<16xi32>
      %reduce_sum3A_659 = arith.constant true
      %reduce_sum3A_660 = vector.broadcast %reduce_sum3A_659 : i1 to vector<16xi1>
      %reduce_sum3A_661 = tpu.scan <sum>, %select_n3A_658 masked %reduce_sum3A_660 : vector<16xi32>, vector<16xi1> -> vector<16xi32>
      %reduce_sum3A_662 = vector.extract %reduce_sum3A_661[15] : i32 from vector<16xi32>
      %broadcast_in_dim3A_663 = arith.constant 0 : i32
      %broadcast_in_dim3A_664 = vector.broadcast %broadcast_in_dim3A_663 : i32 to vector<16xi32>
      %add3A_665 = vector.broadcast %reduce_sum3A_662 : i32 to vector<16xi32>
      %add3A_666 = arith.addi %add3A_665, %broadcast_in_dim3A_664 : vector<16xi32>
      %broadcast_in_dim3A_667 = arith.constant 1 : i32
      %broadcast_in_dim3A_668 = vector.broadcast %broadcast_in_dim3A_667 : i32 to vector<16xi32>
      %gather3A_669 = tpu.vector_load_idx %arg10[%broadcast_in_dim3A_668, %iota3A, %add3A_666] : memref<16x16x128xf32, #tpu.memory_space<vmem>>[vector<16xi32>, vector<16xi32>, vector<16xi32>], vector<16xf32>,
      %swap3A_670 = arith.constant 17 : index
      %swap3A_671 = tpu.vector_load %arg11[%swap3A_670] {strides = array<i32>} : memref<272xf32, #tpu.memory_space<vmem>>, vector<16xf32>,
      tpu.vector_store %arg11[%swap3A_670], %gather3A_669 {strides = array<i32>} : memref<272xf32, #tpu.memory_space<vmem>>, vector<16xf32>,
      %eq3A_672 = arith.constant 2 : i32
      %eq3A_673 = vector.broadcast %eq3A_672 : i32 to vector<16xi32>
      %eq3A_674 = arith.cmpi eq, %iota3A, %eq3A_673 : vector<16xi32>
      %jit3A_675 = arith.constant 0 : i32
      %broadcast_in_dim3A_676 = vector.broadcast %jit3A_675 : i32 to vector<16xi32>
      %select_n3A_677 = arith.select %eq3A_674, %and3A_635, %broadcast_in_dim3A_676 : vector<16xi1>, vector<16xi32>
      %reduce_sum3A_678 = arith.constant true
      %reduce_sum3A_679 = vector.broadcast %reduce_sum3A_678 : i1 to vector<16xi1>
      %reduce_sum3A_680 = tpu.scan <sum>, %select_n3A_677 masked %reduce_sum3A_679 : vector<16xi32>, vector<16xi1> -> vector<16xi32>
      %reduce_sum3A_681 = vector.extract %reduce_sum3A_680[15] : i32 from vector<16xi32>
      %broadcast_in_dim3A_682 = arith.constant 0 : i32
      %broadcast_in_dim3A_683 = vector.broadcast %broadcast_in_dim3A_682 : i32 to vector<16xi32>
      %add3A_684 = vector.broadcast %reduce_sum3A_681 : i32 to vector<16xi32>
      %add3A_685 = arith.addi %add3A_684, %broadcast_in_dim3A_683 : vector<16xi32>
      %broadcast_in_dim3A_686 = arith.constant 2 : i32
      %broadcast_in_dim3A_687 = vector.broadcast %broadcast_in_dim3A_686 : i32 to vector<16xi32>
      %gather3A_688 = tpu.vector_load_idx %arg10[%broadcast_in_dim3A_687, %iota3A, %add3A_685] : memref<16x16x128xf32, #tpu.memory_space<vmem>>[vector<16xi32>, vector<16xi32>, vector<16xi32>], vector<16xf32>,
      %swap3A_689 = arith.constant 34 : index
      %swap3A_690 = tpu.vector_load %arg11[%swap3A_689] {strides = array<i32>} : memref<272xf32, #tpu.memory_space<vmem>>, vector<16xf32>,
      tpu.vector_store %arg11[%swap3A_689], %gather3A_688 {strides = array<i32>} : memref<272xf32, #tpu.memory_space<vmem>>, vector<16xf32>,
      %eq3A_691 = arith.constant 3 : i32
      %eq3A_692 = vector.broadcast %eq3A_691 : i32 to vector<16xi32>
      %eq3A_693 = arith.cmpi eq, %iota3A, %eq3A_692 : vector<16xi32>
      %jit3A_694 = arith.constant 0 : i32
      %broadcast_in_dim3A_695 = vector.broadcast %jit3A_694 : i32 to vector<16xi32>
      %select_n3A_696 = arith.select %eq3A_693, %and3A_635, %broadcast_in_dim3A_695 : vector<16xi1>, vector<16xi32>
      %reduce_sum3A_697 = arith.constant true
      %reduce_sum3A_698 = vector.broadcast %reduce_sum3A_697 : i1 to vector<16xi1>
      %reduce_sum3A_699 = tpu.scan <sum>, %select_n3A_696 masked %reduce_sum3A_698 : vector<16xi32>, vector<16xi1> -> vector<16xi32>
      %reduce_sum3A_700 = vector.extract %reduce_sum3A_699[15] : i32 from vector<16xi32>
      %broadcast_in_dim3A_701 = arith.constant 0 : i32
      %broadcast_in_dim3A_702 = vector.broadcast %broadcast_in_dim3A_701 : i32 to vector<16xi32>
      %add3A_703 = vector.broadcast %reduce_sum3A_700 : i32 to vector<16xi32>
      %add3A_704 = arith.addi %add3A_703, %broadcast_in_dim3A_702 : vector<16xi32>
      %broadcast_in_dim3A_705 = arith.constant 3 : i32
      %broadcast_in_dim3A_706 = vector.broadcast %broadcast_in_dim3A_705 : i32 to vector<16xi32>
      %gather3A_707 = tpu.vector_load_idx %arg10[%broadcast_in_dim3A_706, %iota3A, %add3A_704] : memref<16x16x128xf32, #tpu.memory_space<vmem>>[vector<16xi32>, vector<16xi32>, vector<16xi32>], vector<16xf32>,
      %swap3A_708 = arith.constant 51 : index
      %swap3A_709 = tpu.vector_load %arg11[%swap3A_708] {strides = array<i32>} : memref<272xf32, #tpu.memory_space<vmem>>, vector<16xf32>,
      tpu.vector_store %arg11[%swap3A_708], %gather3A_707 {strides = array<i32>} : memref<272xf32, #tpu.memory_space<vmem>>, vector<16xf32>,
      %eq3A_710 = arith.constant 4 : i32
      %eq3A_711 = vector.broadcast %eq3A_710 : i32 to vector<16xi32>
      %eq3A_712 = arith.cmpi eq, %iota3A, %eq3A_711 : vector<16xi32>
      %jit3A_713 = arith.constant 0 : i32
      %broadcast_in_dim3A_714 = vector.broadcast %jit3A_713 : i32 to vector<16xi32>
      %select_n3A_715 = arith.select %eq3A_712, %and3A_635, %broadcast_in_dim3A_714 : vector<16xi1>, vector<16xi32>
      %reduce_sum3A_716 = arith.constant true
      %reduce_sum3A_717 = vector.broadcast %reduce_sum3A_716 : i1 to vector<16xi1>
      %reduce_sum3A_718 = tpu.scan <sum>, %select_n3A_715 masked %reduce_sum3A_717 : vector<16xi32>, vector<16xi1> -> vector<16xi32>
      %reduce_sum3A_719 = vector.extract %reduce_sum3A_718[15] : i32 from vector<16xi32>
      %broadcast_in_dim3A_720 = arith.constant 0 : i32
      %broadcast_in_dim3A_721 = vector.broadcast %broadcast_in_dim3A_720 : i32 to vector<16xi32>
      %add3A_722 = vector.broadcast %reduce_sum3A_719 : i32 to vector<16xi32>
      %add3A_723 = arith.addi %add3A_722, %broadcast_in_dim3A_721 : vector<16xi32>
      %broadcast_in_dim3A_724 = arith.constant 4 : i32
      %broadcast_in_dim3A_725 = vector.broadcast %broadcast_in_dim3A_724 : i32 to vector<16xi32>
      %gather3A_726 = tpu.vector_load_idx %arg10[%broadcast_in_dim3A_725, %iota3A, %add3A_723] : memref<16x16x128xf32, #tpu.memory_space<vmem>>[vector<16xi32>, vector<16xi32>, vector<16xi32>], vector<16xf32>,
      %swap3A_727 = arith.constant 68 : index
      %swap3A_728 = tpu.vector_load %arg11[%swap3A_727] {strides = array<i32>} : memref<272xf32, #tpu.memory_space<vmem>>, vector<16xf32>,
      tpu.vector_store %arg11[%swap3A_727], %gather3A_726 {strides = array<i32>} : memref<272xf32, #tpu.memory_space<vmem>>, vector<16xf32>,
      %eq3A_729 = arith.constant 5 : i32
      %eq3A_730 = vector.broadcast %eq3A_729 : i32 to vector<16xi32>
      %eq3A_731 = arith.cmpi eq, %iota3A, %eq3A_730 : vector<16xi32>
      %jit3A_732 = arith.constant 0 : i32
      %broadcast_in_dim3A_733 = vector.broadcast %jit3A_732 : i32 to vector<16xi32>
      %select_n3A_734 = arith.select %eq3A_731, %and3A_635, %broadcast_in_dim3A_733 : vector<16xi1>, vector<16xi32>
      %reduce_sum3A_735 = arith.constant true
      %reduce_sum3A_736 = vector.broadcast %reduce_sum3A_735 : i1 to vector<16xi1>
      %reduce_sum3A_737 = tpu.scan <sum>, %select_n3A_734 masked %reduce_sum3A_736 : vector<16xi32>, vector<16xi1> -> vector<16xi32>
      %reduce_sum3A_738 = vector.extract %reduce_sum3A_737[15] : i32 from vector<16xi32>
      %broadcast_in_dim3A_739 = arith.constant 0 : i32
      %broadcast_in_dim3A_740 = vector.broadcast %broadcast_in_dim3A_739 : i32 to vector<16xi32>
      %add3A_741 = vector.broadcast %reduce_sum3A_738 : i32 to vector<16xi32>
      %add3A_742 = arith.addi %add3A_741, %broadcast_in_dim3A_740 : vector<16xi32>
      %broadcast_in_dim3A_743 = arith.constant 5 : i32
      %broadcast_in_dim3A_744 = vector.broadcast %broadcast_in_dim3A_743 : i32 to vector<16xi32>
      %gather3A_745 = tpu.vector_load_idx %arg10[%broadcast_in_dim3A_744, %iota3A, %add3A_742] : memref<16x16x128xf32, #tpu.memory_space<vmem>>[vector<16xi32>, vector<16xi32>, vector<16xi32>], vector<16xf32>,
      %swap3A_746 = arith.constant 85 : index
      %swap3A_747 = tpu.vector_load %arg11[%swap3A_746] {strides = array<i32>} : memref<272xf32, #tpu.memory_space<vmem>>, vector<16xf32>,
      tpu.vector_store %arg11[%swap3A_746], %gather3A_745 {strides = array<i32>} : memref<272xf32, #tpu.memory_space<vmem>>, vector<16xf32>,
      %eq3A_748 = arith.constant 6 : i32
      %eq3A_749 = vector.broadcast %eq3A_748 : i32 to vector<16xi32>
      %eq3A_750 = arith.cmpi eq, %iota3A, %eq3A_749 : vector<16xi32>
      %jit3A_751 = arith.constant 0 : i32
      %broadcast_in_dim3A_752 = vector.broadcast %jit3A_751 : i32 to vector<16xi32>
      %select_n3A_753 = arith.select %eq3A_750, %and3A_635, %broadcast_in_dim3A_752 : vector<16xi1>, vector<16xi32>
      %reduce_sum3A_754 = arith.constant true
      %reduce_sum3A_755 = vector.broadcast %reduce_sum3A_754 : i1 to vector<16xi1>
      %reduce_sum3A_756 = tpu.scan <sum>, %select_n3A_753 masked %reduce_sum3A_755 : vector<16xi32>, vector<16xi1> -> vector<16xi32>
      %reduce_sum3A_757 = vector.extract %reduce_sum3A_756[15] : i32 from vector<16xi32>
      %broadcast_in_dim3A_758 = arith.constant 0 : i32
      %broadcast_in_dim3A_759 = vector.broadcast %broadcast_in_dim3A_758 : i32 to vector<16xi32>
      %add3A_760 = vector.broadcast %reduce_sum3A_757 : i32 to vector<16xi32>
      %add3A_761 = arith.addi %add3A_760, %broadcast_in_dim3A_759 : vector<16xi32>
      %broadcast_in_dim3A_762 = arith.constant 6 : i32
      %broadcast_in_dim3A_763 = vector.broadcast %broadcast_in_dim3A_762 : i32 to vector<16xi32>
      %gather3A_764 = tpu.vector_load_idx %arg10[%broadcast_in_dim3A_763, %iota3A, %add3A_761] : memref<16x16x128xf32, #tpu.memory_space<vmem>>[vector<16xi32>, vector<16xi32>, vector<16xi32>], vector<16xf32>,
      %swap3A_765 = arith.constant 102 : index
      %swap3A_766 = tpu.vector_load %arg11[%swap3A_765] {strides = array<i32>} : memref<272xf32, #tpu.memory_space<vmem>>, vector<16xf32>,
      tpu.vector_store %arg11[%swap3A_765], %gather3A_764 {strides = array<i32>} : memref<272xf32, #tpu.memory_space<vmem>>, vector<16xf32>,
      %eq3A_767 = arith.constant 7 : i32
      %eq3A_768 = vector.broadcast %eq3A_767 : i32 to vector<16xi32>
      %eq3A_769 = arith.cmpi eq, %iota3A, %eq3A_768 : vector<16xi32>
      %jit3A_770 = arith.constant 0 : i32
      %broadcast_in_dim3A_771 = vector.broadcast %jit3A_770 : i32 to vector<16xi32>
      %select_n3A_772 = arith.select %eq3A_769, %and3A_635, %broadcast_in_dim3A_771 : vector<16xi1>, vector<16xi32>
      %reduce_sum3A_773 = arith.constant true
      %reduce_sum3A_774 = vector.broadcast %reduce_sum3A_773 : i1 to vector<16xi1>
      %reduce_sum3A_775 = tpu.scan <sum>, %select_n3A_772 masked %reduce_sum3A_774 : vector<16xi32>, vector<16xi1> -> vector<16xi32>
      %reduce_sum3A_776 = vector.extract %reduce_sum3A_775[15] : i32 from vector<16xi32>
      %broadcast_in_dim3A_777 = arith.constant 0 : i32
      %broadcast_in_dim3A_778 = vector.broadcast %broadcast_in_dim3A_777 : i32 to vector<16xi32>
      %add3A_779 = vector.broadcast %reduce_sum3A_776 : i32 to vector<16xi32>
      %add3A_780 = arith.addi %add3A_779, %broadcast_in_dim3A_778 : vector<16xi32>
      %broadcast_in_dim3A_781 = arith.constant 7 : i32
      %broadcast_in_dim3A_782 = vector.broadcast %broadcast_in_dim3A_781 : i32 to vector<16xi32>
      %gather3A_783 = tpu.vector_load_idx %arg10[%broadcast_in_dim3A_782, %iota3A, %add3A_780] : memref<16x16x128xf32, #tpu.memory_space<vmem>>[vector<16xi32>, vector<16xi32>, vector<16xi32>], vector<16xf32>,
      %swap3A_784 = arith.constant 119 : index
      %swap3A_785 = tpu.vector_load %arg11[%swap3A_784] {strides = array<i32>} : memref<272xf32, #tpu.memory_space<vmem>>, vector<16xf32>,
      tpu.vector_store %arg11[%swap3A_784], %gather3A_783 {strides = array<i32>} : memref<272xf32, #tpu.memory_space<vmem>>, vector<16xf32>,
      %mul3A_786 = arith.constant 17 : i32
      %mul3A_787 = vector.broadcast %mul3A_786 : i32 to vector<16xi32>
      %mul3A_788 = arith.muli %iota3A, %mul3A_787 : vector<16xi32>
      %add3A_789 = arith.constant 16 : i32
      %add3A_790 = vector.broadcast %add3A_789 : i32 to vector<16xi32>
      %add3A_791 = arith.addi %mul3A_788, %add3A_790 : vector<16xi32>
      %min3A = arith.constant 135 : i32
      %min3A_792 = vector.broadcast %min3A : i32 to vector<16xi32>
      %min3A_793 = arith.minsi %add3A_791, %min3A_792 : vector<16xi32>
      %add3A_794 = arith.constant 0 : i32
      %add3A_795 = vector.broadcast %add3A_794 : i32 to vector<16xi32>
      %add3A_796 = arith.addi %add3A_795, %min3A_793 : vector<16xi32>
      %lt3A_797 = arith.constant 8 : i32
      %lt3A_798 = vector.broadcast %lt3A_797 : i32 to vector<16xi32>
      %lt3A_799 = arith.cmpi slt, %iota3A, %lt3A_798 : vector<16xi32>
      tpu.vector_store_idx %arg11[%add3A_796], %select_n3A_69 masked %lt3A_799 : memref<272xf32, #tpu.memory_space<vmem>>[vector<16xi32>], vector<16xf32>, vector<16xi1>
      %mul3A_800 = arith.constant 17 : i32
      %mul3A_801 = arith.muli %mul3A_42, %mul3A_800 : i32
      %dma_start3A_802 = arith.constant 0 : i32
      %dma_start3A_803 = tpu.memref_slice %arg11[%dma_start3A_802] : memref<272xf32, #tpu.memory_space<vmem>> -> memref<136xf32, #tpu.memory_space<vmem>>
      %dma_start3A_804 = tpu.memref_slice %arg6[%mul3A_801] : memref<3400xf32, #tpu.memory_space<hbm>> -> memref<136xf32, #tpu.memory_space<hbm>>
      %dma_start3A_805 = tpu.memref_slice %arg6[%mul3A_801] : memref<3400xf32, #tpu.memory_space<hbm>> -> memref<136xf32, #tpu.memory_space<hbm>>
      %dma_start3A_806 = arith.constant 0 : i32
      %dma_start3A_807 = tpu.memref_slice %arg11[%dma_start3A_806] : memref<272xf32, #tpu.memory_space<vmem>> -> memref<136xf32, #tpu.memory_space<vmem>>
      tpu.enqueue_dma source(%dma_start3A_807 : memref<136xf32, #tpu.memory_space<vmem>>) target(%dma_start3A_805 : memref<136xf32, #tpu.memory_space<hbm>>) target_semaphore(%arg12 : memref<!tpu.dma_semaphore, #tpu.memory_space<semaphore_mem>>)
      %dma_wait3A_808 = arith.constant 8 : i32
      %dma_wait3A_809 = arith.constant 0 : i32
      %dma_wait3A_810 = arith.constant 0 : i32
      %dma_wait3A_811 = tpu.memref_slice %arg10[%dma_wait3A_808, %dma_wait3A_809, %dma_wait3A_810] : memref<16x16x128xf32, #tpu.memory_space<vmem>> -> memref<1x16x128xf32, #tpu.memory_space<vmem>>
      %dma_wait3A_812 = tpu.memref_squeeze %dma_wait3A_811 : memref<1x16x128xf32, #tpu.memory_space<vmem>> -> memref<16x128xf32, #tpu.memory_space<vmem>>
      %dma_wait3A_813 = arith.constant 0 : i32
      %dma_wait3A_814 = tpu.memref_slice %arg4[%dma_wait3A_813, %multiple_of3A_320] : memref<16x1000001xf32, #tpu.memory_space<hbm>> -> memref<16x128xf32, #tpu.memory_space<hbm>>
      %dma_wait3A_815 = arith.constant 0 : i32
      %dma_wait3A_816 = arith.constant 0 : i32
      %dma_wait3A_817 = tpu.memref_slice %arg10[%dma_wait3A_808, %dma_wait3A_815, %dma_wait3A_816] : memref<16x16x128xf32, #tpu.memory_space<vmem>> -> memref<1x16x128xf32, #tpu.memory_space<vmem>>
      %dma_wait3A_818 = tpu.memref_squeeze %dma_wait3A_817 : memref<1x16x128xf32, #tpu.memory_space<vmem>> -> memref<16x128xf32, #tpu.memory_space<vmem>>
      %dma_wait3A_819 = arith.constant 0 : i32
      %dma_wait3A_820 = tpu.memref_slice %arg4[%dma_wait3A_819, %multiple_of3A_320] : memref<16x1000001xf32, #tpu.memory_space<hbm>> -> memref<16x128xf32, #tpu.memory_space<hbm>>
      tpu.wait_dma2 semaphore(%arg13 : memref<!tpu.dma_semaphore, #tpu.memory_space<semaphore_mem>>) src(%dma_wait3A_820 : memref<16x128xf32, #tpu.memory_space<hbm>>) dst(%dma_wait3A_818 : memref<16x128xf32, #tpu.memory_space<vmem>>)
      %dma_wait3A_821 = arith.constant 9 : i32
      %dma_wait3A_822 = arith.constant 0 : i32
      %dma_wait3A_823 = arith.constant 0 : i32
      %dma_wait3A_824 = tpu.memref_slice %arg10[%dma_wait3A_821, %dma_wait3A_822, %dma_wait3A_823] : memref<16x16x128xf32, #tpu.memory_space<vmem>> -> memref<1x16x128xf32, #tpu.memory_space<vmem>>
      %dma_wait3A_825 = tpu.memref_squeeze %dma_wait3A_824 : memref<1x16x128xf32, #tpu.memory_space<vmem>> -> memref<16x128xf32, #tpu.memory_space<vmem>>
      %dma_wait3A_826 = arith.constant 0 : i32
      %dma_wait3A_827 = tpu.memref_slice %arg4[%dma_wait3A_826, %multiple_of3A_348] : memref<16x1000001xf32, #tpu.memory_space<hbm>> -> memref<16x128xf32, #tpu.memory_space<hbm>>
      %dma_wait3A_828 = arith.constant 0 : i32
      %dma_wait3A_829 = arith.constant 0 : i32
      %dma_wait3A_830 = tpu.memref_slice %arg10[%dma_wait3A_821, %dma_wait3A_828, %dma_wait3A_829] : memref<16x16x128xf32, #tpu.memory_space<vmem>> -> memref<1x16x128xf32, #tpu.memory_space<vmem>>
      %dma_wait3A_831 = tpu.memref_squeeze %dma_wait3A_830 : memref<1x16x128xf32, #tpu.memory_space<vmem>> -> memref<16x128xf32, #tpu.memory_space<vmem>>
      %dma_wait3A_832 = arith.constant 0 : i32
      %dma_wait3A_833 = tpu.memref_slice %arg4[%dma_wait3A_832, %multiple_of3A_348] : memref<16x1000001xf32, #tpu.memory_space<hbm>> -> memref<16x128xf32, #tpu.memory_space<hbm>>
      tpu.wait_dma2 semaphore(%arg13 : memref<!tpu.dma_semaphore, #tpu.memory_space<semaphore_mem>>) src(%dma_wait3A_833 : memref<16x128xf32, #tpu.memory_space<hbm>>) dst(%dma_wait3A_831 : memref<16x128xf32, #tpu.memory_space<vmem>>)
      %dma_wait3A_834 = arith.constant 10 : i32
      %dma_wait3A_835 = arith.constant 0 : i32
      %dma_wait3A_836 = arith.constant 0 : i32
      %dma_wait3A_837 = tpu.memref_slice %arg10[%dma_wait3A_834, %dma_wait3A_835, %dma_wait3A_836] : memref<16x16x128xf32, #tpu.memory_space<vmem>> -> memref<1x16x128xf32, #tpu.memory_space<vmem>>
      %dma_wait3A_838 = tpu.memref_squeeze %dma_wait3A_837 : memref<1x16x128xf32, #tpu.memory_space<vmem>> -> memref<16x128xf32, #tpu.memory_space<vmem>>
      %dma_wait3A_839 = arith.constant 0 : i32
      %dma_wait3A_840 = tpu.memref_slice %arg4[%dma_wait3A_839, %multiple_of3A_376] : memref<16x1000001xf32, #tpu.memory_space<hbm>> -> memref<16x128xf32, #tpu.memory_space<hbm>>
      %dma_wait3A_841 = arith.constant 0 : i32
      %dma_wait3A_842 = arith.constant 0 : i32
      %dma_wait3A_843 = tpu.memref_slice %arg10[%dma_wait3A_834, %dma_wait3A_841, %dma_wait3A_842] : memref<16x16x128xf32, #tpu.memory_space<vmem>> -> memref<1x16x128xf32, #tpu.memory_space<vmem>>
      %dma_wait3A_844 = tpu.memref_squeeze %dma_wait3A_843 : memref<1x16x128xf32, #tpu.memory_space<vmem>> -> memref<16x128xf32, #tpu.memory_space<vmem>>
      %dma_wait3A_845 = arith.constant 0 : i32
      %dma_wait3A_846 = tpu.memref_slice %arg4[%dma_wait3A_845, %multiple_of3A_376] : memref<16x1000001xf32, #tpu.memory_space<hbm>> -> memref<16x128xf32, #tpu.memory_space<hbm>>
      tpu.wait_dma2 semaphore(%arg13 : memref<!tpu.dma_semaphore, #tpu.memory_space<semaphore_mem>>) src(%dma_wait3A_846 : memref<16x128xf32, #tpu.memory_space<hbm>>) dst(%dma_wait3A_844 : memref<16x128xf32, #tpu.memory_space<vmem>>)
      %dma_wait3A_847 = arith.constant 11 : i32
      %dma_wait3A_848 = arith.constant 0 : i32
      %dma_wait3A_849 = arith.constant 0 : i32
      %dma_wait3A_850 = tpu.memref_slice %arg10[%dma_wait3A_847, %dma_wait3A_848, %dma_wait3A_849] : memref<16x16x128xf32, #tpu.memory_space<vmem>> -> memref<1x16x128xf32, #tpu.memory_space<vmem>>
      %dma_wait3A_851 = tpu.memref_squeeze %dma_wait3A_850 : memref<1x16x128xf32, #tpu.memory_space<vmem>> -> memref<16x128xf32, #tpu.memory_space<vmem>>
      %dma_wait3A_852 = arith.constant 0 : i32
      %dma_wait3A_853 = tpu.memref_slice %arg4[%dma_wait3A_852, %multiple_of3A_404] : memref<16x1000001xf32, #tpu.memory_space<hbm>> -> memref<16x128xf32, #tpu.memory_space<hbm>>
      %dma_wait3A_854 = arith.constant 0 : i32
      %dma_wait3A_855 = arith.constant 0 : i32
      %dma_wait3A_856 = tpu.memref_slice %arg10[%dma_wait3A_847, %dma_wait3A_854, %dma_wait3A_855] : memref<16x16x128xf32, #tpu.memory_space<vmem>> -> memref<1x16x128xf32, #tpu.memory_space<vmem>>
      %dma_wait3A_857 = tpu.memref_squeeze %dma_wait3A_856 : memref<1x16x128xf32, #tpu.memory_space<vmem>> -> memref<16x128xf32, #tpu.memory_space<vmem>>
      %dma_wait3A_858 = arith.constant 0 : i32
      %dma_wait3A_859 = tpu.memref_slice %arg4[%dma_wait3A_858, %multiple_of3A_404] : memref<16x1000001xf32, #tpu.memory_space<hbm>> -> memref<16x128xf32, #tpu.memory_space<hbm>>
      tpu.wait_dma2 semaphore(%arg13 : memref<!tpu.dma_semaphore, #tpu.memory_space<semaphore_mem>>) src(%dma_wait3A_859 : memref<16x128xf32, #tpu.memory_space<hbm>>) dst(%dma_wait3A_857 : memref<16x128xf32, #tpu.memory_space<vmem>>)
      %dma_wait3A_860 = arith.constant 12 : i32
      %dma_wait3A_861 = arith.constant 0 : i32
      %dma_wait3A_862 = arith.constant 0 : i32
      %dma_wait3A_863 = tpu.memref_slice %arg10[%dma_wait3A_860, %dma_wait3A_861, %dma_wait3A_862] : memref<16x16x128xf32, #tpu.memory_space<vmem>> -> memref<1x16x128xf32, #tpu.memory_space<vmem>>
      %dma_wait3A_864 = tpu.memref_squeeze %dma_wait3A_863 : memref<1x16x128xf32, #tpu.memory_space<vmem>> -> memref<16x128xf32, #tpu.memory_space<vmem>>
      %dma_wait3A_865 = arith.constant 0 : i32
      %dma_wait3A_866 = tpu.memref_slice %arg4[%dma_wait3A_865, %multiple_of3A_432] : memref<16x1000001xf32, #tpu.memory_space<hbm>> -> memref<16x128xf32, #tpu.memory_space<hbm>>
      %dma_wait3A_867 = arith.constant 0 : i32
      %dma_wait3A_868 = arith.constant 0 : i32
      %dma_wait3A_869 = tpu.memref_slice %arg10[%dma_wait3A_860, %dma_wait3A_867, %dma_wait3A_868] : memref<16x16x128xf32, #tpu.memory_space<vmem>> -> memref<1x16x128xf32, #tpu.memory_space<vmem>>
      %dma_wait3A_870 = tpu.memref_squeeze %dma_wait3A_869 : memref<1x16x128xf32, #tpu.memory_space<vmem>> -> memref<16x128xf32, #tpu.memory_space<vmem>>
      %dma_wait3A_871 = arith.constant 0 : i32
      %dma_wait3A_872 = tpu.memref_slice %arg4[%dma_wait3A_871, %multiple_of3A_432] : memref<16x1000001xf32, #tpu.memory_space<hbm>> -> memref<16x128xf32, #tpu.memory_space<hbm>>
      tpu.wait_dma2 semaphore(%arg13 : memref<!tpu.dma_semaphore, #tpu.memory_space<semaphore_mem>>) src(%dma_wait3A_872 : memref<16x128xf32, #tpu.memory_space<hbm>>) dst(%dma_wait3A_870 : memref<16x128xf32, #tpu.memory_space<vmem>>)
      %dma_wait3A_873 = arith.constant 13 : i32
      %dma_wait3A_874 = arith.constant 0 : i32
      %dma_wait3A_875 = arith.constant 0 : i32
      %dma_wait3A_876 = tpu.memref_slice %arg10[%dma_wait3A_873, %dma_wait3A_874, %dma_wait3A_875] : memref<16x16x128xf32, #tpu.memory_space<vmem>> -> memref<1x16x128xf32, #tpu.memory_space<vmem>>
      %dma_wait3A_877 = tpu.memref_squeeze %dma_wait3A_876 : memref<1x16x128xf32, #tpu.memory_space<vmem>> -> memref<16x128xf32, #tpu.memory_space<vmem>>
      %dma_wait3A_878 = arith.constant 0 : i32
      %dma_wait3A_879 = tpu.memref_slice %arg4[%dma_wait3A_878, %multiple_of3A_460] : memref<16x1000001xf32, #tpu.memory_space<hbm>> -> memref<16x128xf32, #tpu.memory_space<hbm>>
      %dma_wait3A_880 = arith.constant 0 : i32
      %dma_wait3A_881 = arith.constant 0 : i32
      %dma_wait3A_882 = tpu.memref_slice %arg10[%dma_wait3A_873, %dma_wait3A_880, %dma_wait3A_881] : memref<16x16x128xf32, #tpu.memory_space<vmem>> -> memref<1x16x128xf32, #tpu.memory_space<vmem>>
      %dma_wait3A_883 = tpu.memref_squeeze %dma_wait3A_882 : memref<1x16x128xf32, #tpu.memory_space<vmem>> -> memref<16x128xf32, #tpu.memory_space<vmem>>
      %dma_wait3A_884 = arith.constant 0 : i32
      %dma_wait3A_885 = tpu.memref_slice %arg4[%dma_wait3A_884, %multiple_of3A_460] : memref<16x1000001xf32, #tpu.memory_space<hbm>> -> memref<16x128xf32, #tpu.memory_space<hbm>>
      tpu.wait_dma2 semaphore(%arg13 : memref<!tpu.dma_semaphore, #tpu.memory_space<semaphore_mem>>) src(%dma_wait3A_885 : memref<16x128xf32, #tpu.memory_space<hbm>>) dst(%dma_wait3A_883 : memref<16x128xf32, #tpu.memory_space<vmem>>)
      %dma_wait3A_886 = arith.constant 14 : i32
      %dma_wait3A_887 = arith.constant 0 : i32
      %dma_wait3A_888 = arith.constant 0 : i32
      %dma_wait3A_889 = tpu.memref_slice %arg10[%dma_wait3A_886, %dma_wait3A_887, %dma_wait3A_888] : memref<16x16x128xf32, #tpu.memory_space<vmem>> -> memref<1x16x128xf32, #tpu.memory_space<vmem>>
      %dma_wait3A_890 = tpu.memref_squeeze %dma_wait3A_889 : memref<1x16x128xf32, #tpu.memory_space<vmem>> -> memref<16x128xf32, #tpu.memory_space<vmem>>
      %dma_wait3A_891 = arith.constant 0 : i32
      %dma_wait3A_892 = tpu.memref_slice %arg4[%dma_wait3A_891, %multiple_of3A_488] : memref<16x1000001xf32, #tpu.memory_space<hbm>> -> memref<16x128xf32, #tpu.memory_space<hbm>>
      %dma_wait3A_893 = arith.constant 0 : i32
      %dma_wait3A_894 = arith.constant 0 : i32
      %dma_wait3A_895 = tpu.memref_slice %arg10[%dma_wait3A_886, %dma_wait3A_893, %dma_wait3A_894] : memref<16x16x128xf32, #tpu.memory_space<vmem>> -> memref<1x16x128xf32, #tpu.memory_space<vmem>>
      %dma_wait3A_896 = tpu.memref_squeeze %dma_wait3A_895 : memref<1x16x128xf32, #tpu.memory_space<vmem>> -> memref<16x128xf32, #tpu.memory_space<vmem>>
      %dma_wait3A_897 = arith.constant 0 : i32
      %dma_wait3A_898 = tpu.memref_slice %arg4[%dma_wait3A_897, %multiple_of3A_488] : memref<16x1000001xf32, #tpu.memory_space<hbm>> -> memref<16x128xf32, #tpu.memory_space<hbm>>
      tpu.wait_dma2 semaphore(%arg13 : memref<!tpu.dma_semaphore, #tpu.memory_space<semaphore_mem>>) src(%dma_wait3A_898 : memref<16x128xf32, #tpu.memory_space<hbm>>) dst(%dma_wait3A_896 : memref<16x128xf32, #tpu.memory_space<vmem>>)
      %dma_wait3A_899 = arith.constant 15 : i32
      %dma_wait3A_900 = arith.constant 0 : i32
      %dma_wait3A_901 = arith.constant 0 : i32
      %dma_wait3A_902 = tpu.memref_slice %arg10[%dma_wait3A_899, %dma_wait3A_900, %dma_wait3A_901] : memref<16x16x128xf32, #tpu.memory_space<vmem>> -> memref<1x16x128xf32, #tpu.memory_space<vmem>>
      %dma_wait3A_903 = tpu.memref_squeeze %dma_wait3A_902 : memref<1x16x128xf32, #tpu.memory_space<vmem>> -> memref<16x128xf32, #tpu.memory_space<vmem>>
      %dma_wait3A_904 = arith.constant 0 : i32
      %dma_wait3A_905 = tpu.memref_slice %arg4[%dma_wait3A_904, %multiple_of3A_516] : memref<16x1000001xf32, #tpu.memory_space<hbm>> -> memref<16x128xf32, #tpu.memory_space<hbm>>
      %dma_wait3A_906 = arith.constant 0 : i32
      %dma_wait3A_907 = arith.constant 0 : i32
      %dma_wait3A_908 = tpu.memref_slice %arg10[%dma_wait3A_899, %dma_wait3A_906, %dma_wait3A_907] : memref<16x16x128xf32, #tpu.memory_space<vmem>> -> memref<1x16x128xf32, #tpu.memory_space<vmem>>
      %dma_wait3A_909 = tpu.memref_squeeze %dma_wait3A_908 : memref<1x16x128xf32, #tpu.memory_space<vmem>> -> memref<16x128xf32, #tpu.memory_space<vmem>>
      %dma_wait3A_910 = arith.constant 0 : i32
      %dma_wait3A_911 = tpu.memref_slice %arg4[%dma_wait3A_910, %multiple_of3A_516] : memref<16x1000001xf32, #tpu.memory_space<hbm>> -> memref<16x128xf32, #tpu.memory_space<hbm>>
      tpu.wait_dma2 semaphore(%arg13 : memref<!tpu.dma_semaphore, #tpu.memory_space<semaphore_mem>>) src(%dma_wait3A_911 : memref<16x128xf32, #tpu.memory_space<hbm>>) dst(%dma_wait3A_909 : memref<16x128xf32, #tpu.memory_space<vmem>>)
      %and3A_912 = arith.constant 127 : i32
      %and3A_913 = vector.broadcast %and3A_912 : i32 to vector<16xi32>
      %and3A_914 = arith.andi %select_n3A_80, %and3A_913 : vector<16xi32>
      %eq3A_915 = arith.constant 0 : i32
      %eq3A_916 = vector.broadcast %eq3A_915 : i32 to vector<16xi32>
      %eq3A_917 = arith.cmpi eq, %iota3A, %eq3A_916 : vector<16xi32>
      %jit3A_918 = arith.constant 0 : i32
      %broadcast_in_dim3A_919 = vector.broadcast %jit3A_918 : i32 to vector<16xi32>
      %select_n3A_920 = arith.select %eq3A_917, %and3A_914, %broadcast_in_dim3A_919 : vector<16xi1>, vector<16xi32>
      %reduce_sum3A_921 = arith.constant true
      %reduce_sum3A_922 = vector.broadcast %reduce_sum3A_921 : i1 to vector<16xi1>
      %reduce_sum3A_923 = tpu.scan <sum>, %select_n3A_920 masked %reduce_sum3A_922 : vector<16xi32>, vector<16xi1> -> vector<16xi32>
      %reduce_sum3A_924 = vector.extract %reduce_sum3A_923[15] : i32 from vector<16xi32>
      %broadcast_in_dim3A_925 = arith.constant 0 : i32
      %broadcast_in_dim3A_926 = vector.broadcast %broadcast_in_dim3A_925 : i32 to vector<16xi32>
      %add3A_927 = vector.broadcast %reduce_sum3A_924 : i32 to vector<16xi32>
      %add3A_928 = arith.addi %add3A_927, %broadcast_in_dim3A_926 : vector<16xi32>
      %broadcast_in_dim3A_929 = arith.constant 8 : i32
      %broadcast_in_dim3A_930 = vector.broadcast %broadcast_in_dim3A_929 : i32 to vector<16xi32>
      %gather3A_931 = tpu.vector_load_idx %arg10[%broadcast_in_dim3A_930, %iota3A, %add3A_928] : memref<16x16x128xf32, #tpu.memory_space<vmem>>[vector<16xi32>, vector<16xi32>, vector<16xi32>], vector<16xf32>,
      %swap3A_932 = arith.constant 136 : index
      %swap3A_933 = tpu.vector_load %arg11[%swap3A_932] {strides = array<i32>} : memref<272xf32, #tpu.memory_space<vmem>>, vector<16xf32>,
      tpu.vector_store %arg11[%swap3A_932], %gather3A_931 {strides = array<i32>} : memref<272xf32, #tpu.memory_space<vmem>>, vector<16xf32>,
      %eq3A_934 = arith.constant 1 : i32
      %eq3A_935 = vector.broadcast %eq3A_934 : i32 to vector<16xi32>
      %eq3A_936 = arith.cmpi eq, %iota3A, %eq3A_935 : vector<16xi32>
      %jit3A_937 = arith.constant 0 : i32
      %broadcast_in_dim3A_938 = vector.broadcast %jit3A_937 : i32 to vector<16xi32>
      %select_n3A_939 = arith.select %eq3A_936, %and3A_914, %broadcast_in_dim3A_938 : vector<16xi1>, vector<16xi32>
      %reduce_sum3A_940 = arith.constant true
      %reduce_sum3A_941 = vector.broadcast %reduce_sum3A_940 : i1 to vector<16xi1>
      %reduce_sum3A_942 = tpu.scan <sum>, %select_n3A_939 masked %reduce_sum3A_941 : vector<16xi32>, vector<16xi1> -> vector<16xi32>
      %reduce_sum3A_943 = vector.extract %reduce_sum3A_942[15] : i32 from vector<16xi32>
      %broadcast_in_dim3A_944 = arith.constant 0 : i32
      %broadcast_in_dim3A_945 = vector.broadcast %broadcast_in_dim3A_944 : i32 to vector<16xi32>
      %add3A_946 = vector.broadcast %reduce_sum3A_943 : i32 to vector<16xi32>
      %add3A_947 = arith.addi %add3A_946, %broadcast_in_dim3A_945 : vector<16xi32>
      %broadcast_in_dim3A_948 = arith.constant 9 : i32
      %broadcast_in_dim3A_949 = vector.broadcast %broadcast_in_dim3A_948 : i32 to vector<16xi32>
      %gather3A_950 = tpu.vector_load_idx %arg10[%broadcast_in_dim3A_949, %iota3A, %add3A_947] : memref<16x16x128xf32, #tpu.memory_space<vmem>>[vector<16xi32>, vector<16xi32>, vector<16xi32>], vector<16xf32>,
      %swap3A_951 = arith.constant 153 : index
      %swap3A_952 = tpu.vector_load %arg11[%swap3A_951] {strides = array<i32>} : memref<272xf32, #tpu.memory_space<vmem>>, vector<16xf32>,
      tpu.vector_store %arg11[%swap3A_951], %gather3A_950 {strides = array<i32>} : memref<272xf32, #tpu.memory_space<vmem>>, vector<16xf32>,
      %eq3A_953 = arith.constant 2 : i32
      %eq3A_954 = vector.broadcast %eq3A_953 : i32 to vector<16xi32>
      %eq3A_955 = arith.cmpi eq, %iota3A, %eq3A_954 : vector<16xi32>
      %jit3A_956 = arith.constant 0 : i32
      %broadcast_in_dim3A_957 = vector.broadcast %jit3A_956 : i32 to vector<16xi32>
      %select_n3A_958 = arith.select %eq3A_955, %and3A_914, %broadcast_in_dim3A_957 : vector<16xi1>, vector<16xi32>
      %reduce_sum3A_959 = arith.constant true
      %reduce_sum3A_960 = vector.broadcast %reduce_sum3A_959 : i1 to vector<16xi1>
      %reduce_sum3A_961 = tpu.scan <sum>, %select_n3A_958 masked %reduce_sum3A_960 : vector<16xi32>, vector<16xi1> -> vector<16xi32>
      %reduce_sum3A_962 = vector.extract %reduce_sum3A_961[15] : i32 from vector<16xi32>
      %broadcast_in_dim3A_963 = arith.constant 0 : i32
      %broadcast_in_dim3A_964 = vector.broadcast %broadcast_in_dim3A_963 : i32 to vector<16xi32>
      %add3A_965 = vector.broadcast %reduce_sum3A_962 : i32 to vector<16xi32>
      %add3A_966 = arith.addi %add3A_965, %broadcast_in_dim3A_964 : vector<16xi32>
      %broadcast_in_dim3A_967 = arith.constant 10 : i32
      %broadcast_in_dim3A_968 = vector.broadcast %broadcast_in_dim3A_967 : i32 to vector<16xi32>
      %gather3A_969 = tpu.vector_load_idx %arg10[%broadcast_in_dim3A_968, %iota3A, %add3A_966] : memref<16x16x128xf32, #tpu.memory_space<vmem>>[vector<16xi32>, vector<16xi32>, vector<16xi32>], vector<16xf32>,
      %swap3A_970 = arith.constant 170 : index
      %swap3A_971 = tpu.vector_load %arg11[%swap3A_970] {strides = array<i32>} : memref<272xf32, #tpu.memory_space<vmem>>, vector<16xf32>,
      tpu.vector_store %arg11[%swap3A_970], %gather3A_969 {strides = array<i32>} : memref<272xf32, #tpu.memory_space<vmem>>, vector<16xf32>,
      %eq3A_972 = arith.constant 3 : i32
      %eq3A_973 = vector.broadcast %eq3A_972 : i32 to vector<16xi32>
      %eq3A_974 = arith.cmpi eq, %iota3A, %eq3A_973 : vector<16xi32>
      %jit3A_975 = arith.constant 0 : i32
      %broadcast_in_dim3A_976 = vector.broadcast %jit3A_975 : i32 to vector<16xi32>
      %select_n3A_977 = arith.select %eq3A_974, %and3A_914, %broadcast_in_dim3A_976 : vector<16xi1>, vector<16xi32>
      %reduce_sum3A_978 = arith.constant true
      %reduce_sum3A_979 = vector.broadcast %reduce_sum3A_978 : i1 to vector<16xi1>
      %reduce_sum3A_980 = tpu.scan <sum>, %select_n3A_977 masked %reduce_sum3A_979 : vector<16xi32>, vector<16xi1> -> vector<16xi32>
      %reduce_sum3A_981 = vector.extract %reduce_sum3A_980[15] : i32 from vector<16xi32>
      %broadcast_in_dim3A_982 = arith.constant 0 : i32
      %broadcast_in_dim3A_983 = vector.broadcast %broadcast_in_dim3A_982 : i32 to vector<16xi32>
      %add3A_984 = vector.broadcast %reduce_sum3A_981 : i32 to vector<16xi32>
      %add3A_985 = arith.addi %add3A_984, %broadcast_in_dim3A_983 : vector<16xi32>
      %broadcast_in_dim3A_986 = arith.constant 11 : i32
      %broadcast_in_dim3A_987 = vector.broadcast %broadcast_in_dim3A_986 : i32 to vector<16xi32>
      %gather3A_988 = tpu.vector_load_idx %arg10[%broadcast_in_dim3A_987, %iota3A, %add3A_985] : memref<16x16x128xf32, #tpu.memory_space<vmem>>[vector<16xi32>, vector<16xi32>, vector<16xi32>], vector<16xf32>,
      %swap3A_989 = arith.constant 187 : index
      %swap3A_990 = tpu.vector_load %arg11[%swap3A_989] {strides = array<i32>} : memref<272xf32, #tpu.memory_space<vmem>>, vector<16xf32>,
      tpu.vector_store %arg11[%swap3A_989], %gather3A_988 {strides = array<i32>} : memref<272xf32, #tpu.memory_space<vmem>>, vector<16xf32>,
      %eq3A_991 = arith.constant 4 : i32
      %eq3A_992 = vector.broadcast %eq3A_991 : i32 to vector<16xi32>
      %eq3A_993 = arith.cmpi eq, %iota3A, %eq3A_992 : vector<16xi32>
      %jit3A_994 = arith.constant 0 : i32
      %broadcast_in_dim3A_995 = vector.broadcast %jit3A_994 : i32 to vector<16xi32>
      %select_n3A_996 = arith.select %eq3A_993, %and3A_914, %broadcast_in_dim3A_995 : vector<16xi1>, vector<16xi32>
      %reduce_sum3A_997 = arith.constant true
      %reduce_sum3A_998 = vector.broadcast %reduce_sum3A_997 : i1 to vector<16xi1>
      %reduce_sum3A_999 = tpu.scan <sum>, %select_n3A_996 masked %reduce_sum3A_998 : vector<16xi32>, vector<16xi1> -> vector<16xi32>
      %reduce_sum3A_1000 = vector.extract %reduce_sum3A_999[15] : i32 from vector<16xi32>
      %broadcast_in_dim3A_1001 = arith.constant 0 : i32
      %broadcast_in_dim3A_1002 = vector.broadcast %broadcast_in_dim3A_1001 : i32 to vector<16xi32>
      %add3A_1003 = vector.broadcast %reduce_sum3A_1000 : i32 to vector<16xi32>
      %add3A_1004 = arith.addi %add3A_1003, %broadcast_in_dim3A_1002 : vector<16xi32>
      %broadcast_in_dim3A_1005 = arith.constant 12 : i32
      %broadcast_in_dim3A_1006 = vector.broadcast %broadcast_in_dim3A_1005 : i32 to vector<16xi32>
      %gather3A_1007 = tpu.vector_load_idx %arg10[%broadcast_in_dim3A_1006, %iota3A, %add3A_1004] : memref<16x16x128xf32, #tpu.memory_space<vmem>>[vector<16xi32>, vector<16xi32>, vector<16xi32>], vector<16xf32>,
      %swap3A_1008 = arith.constant 204 : index
      %swap3A_1009 = tpu.vector_load %arg11[%swap3A_1008] {strides = array<i32>} : memref<272xf32, #tpu.memory_space<vmem>>, vector<16xf32>,
      tpu.vector_store %arg11[%swap3A_1008], %gather3A_1007 {strides = array<i32>} : memref<272xf32, #tpu.memory_space<vmem>>, vector<16xf32>,
      %eq3A_1010 = arith.constant 5 : i32
      %eq3A_1011 = vector.broadcast %eq3A_1010 : i32 to vector<16xi32>
      %eq3A_1012 = arith.cmpi eq, %iota3A, %eq3A_1011 : vector<16xi32>
      %jit3A_1013 = arith.constant 0 : i32
      %broadcast_in_dim3A_1014 = vector.broadcast %jit3A_1013 : i32 to vector<16xi32>
      %select_n3A_1015 = arith.select %eq3A_1012, %and3A_914, %broadcast_in_dim3A_1014 : vector<16xi1>, vector<16xi32>
      %reduce_sum3A_1016 = arith.constant true
      %reduce_sum3A_1017 = vector.broadcast %reduce_sum3A_1016 : i1 to vector<16xi1>
      %reduce_sum3A_1018 = tpu.scan <sum>, %select_n3A_1015 masked %reduce_sum3A_1017 : vector<16xi32>, vector<16xi1> -> vector<16xi32>
      %reduce_sum3A_1019 = vector.extract %reduce_sum3A_1018[15] : i32 from vector<16xi32>
      %broadcast_in_dim3A_1020 = arith.constant 0 : i32
      %broadcast_in_dim3A_1021 = vector.broadcast %broadcast_in_dim3A_1020 : i32 to vector<16xi32>
      %add3A_1022 = vector.broadcast %reduce_sum3A_1019 : i32 to vector<16xi32>
      %add3A_1023 = arith.addi %add3A_1022, %broadcast_in_dim3A_1021 : vector<16xi32>
      %broadcast_in_dim3A_1024 = arith.constant 13 : i32
      %broadcast_in_dim3A_1025 = vector.broadcast %broadcast_in_dim3A_1024 : i32 to vector<16xi32>
      %gather3A_1026 = tpu.vector_load_idx %arg10[%broadcast_in_dim3A_1025, %iota3A, %add3A_1023] : memref<16x16x128xf32, #tpu.memory_space<vmem>>[vector<16xi32>, vector<16xi32>, vector<16xi32>], vector<16xf32>,
      %swap3A_1027 = arith.constant 221 : index
      %swap3A_1028 = tpu.vector_load %arg11[%swap3A_1027] {strides = array<i32>} : memref<272xf32, #tpu.memory_space<vmem>>, vector<16xf32>,
      tpu.vector_store %arg11[%swap3A_1027], %gather3A_1026 {strides = array<i32>} : memref<272xf32, #tpu.memory_space<vmem>>, vector<16xf32>,
      %eq3A_1029 = arith.constant 6 : i32
      %eq3A_1030 = vector.broadcast %eq3A_1029 : i32 to vector<16xi32>
      %eq3A_1031 = arith.cmpi eq, %iota3A, %eq3A_1030 : vector<16xi32>
      %jit3A_1032 = arith.constant 0 : i32
      %broadcast_in_dim3A_1033 = vector.broadcast %jit3A_1032 : i32 to vector<16xi32>
      %select_n3A_1034 = arith.select %eq3A_1031, %and3A_914, %broadcast_in_dim3A_1033 : vector<16xi1>, vector<16xi32>
      %reduce_sum3A_1035 = arith.constant true
      %reduce_sum3A_1036 = vector.broadcast %reduce_sum3A_1035 : i1 to vector<16xi1>
      %reduce_sum3A_1037 = tpu.scan <sum>, %select_n3A_1034 masked %reduce_sum3A_1036 : vector<16xi32>, vector<16xi1> -> vector<16xi32>
      %reduce_sum3A_1038 = vector.extract %reduce_sum3A_1037[15] : i32 from vector<16xi32>
      %broadcast_in_dim3A_1039 = arith.constant 0 : i32
      %broadcast_in_dim3A_1040 = vector.broadcast %broadcast_in_dim3A_1039 : i32 to vector<16xi32>
      %add3A_1041 = vector.broadcast %reduce_sum3A_1038 : i32 to vector<16xi32>
      %add3A_1042 = arith.addi %add3A_1041, %broadcast_in_dim3A_1040 : vector<16xi32>
      %broadcast_in_dim3A_1043 = arith.constant 14 : i32
      %broadcast_in_dim3A_1044 = vector.broadcast %broadcast_in_dim3A_1043 : i32 to vector<16xi32>
      %gather3A_1045 = tpu.vector_load_idx %arg10[%broadcast_in_dim3A_1044, %iota3A, %add3A_1042] : memref<16x16x128xf32, #tpu.memory_space<vmem>>[vector<16xi32>, vector<16xi32>, vector<16xi32>], vector<16xf32>,
      %swap3A_1046 = arith.constant 238 : index
      %swap3A_1047 = tpu.vector_load %arg11[%swap3A_1046] {strides = array<i32>} : memref<272xf32, #tpu.memory_space<vmem>>, vector<16xf32>,
      tpu.vector_store %arg11[%swap3A_1046], %gather3A_1045 {strides = array<i32>} : memref<272xf32, #tpu.memory_space<vmem>>, vector<16xf32>,
      %eq3A_1048 = arith.constant 7 : i32
      %eq3A_1049 = vector.broadcast %eq3A_1048 : i32 to vector<16xi32>
      %eq3A_1050 = arith.cmpi eq, %iota3A, %eq3A_1049 : vector<16xi32>
      %jit3A_1051 = arith.constant 0 : i32
      %broadcast_in_dim3A_1052 = vector.broadcast %jit3A_1051 : i32 to vector<16xi32>
      %select_n3A_1053 = arith.select %eq3A_1050, %and3A_914, %broadcast_in_dim3A_1052 : vector<16xi1>, vector<16xi32>
      %reduce_sum3A_1054 = arith.constant true
      %reduce_sum3A_1055 = vector.broadcast %reduce_sum3A_1054 : i1 to vector<16xi1>
      %reduce_sum3A_1056 = tpu.scan <sum>, %select_n3A_1053 masked %reduce_sum3A_1055 : vector<16xi32>, vector<16xi1> -> vector<16xi32>
      %reduce_sum3A_1057 = vector.extract %reduce_sum3A_1056[15] : i32 from vector<16xi32>
      %broadcast_in_dim3A_1058 = arith.constant 0 : i32
      %broadcast_in_dim3A_1059 = vector.broadcast %broadcast_in_dim3A_1058 : i32 to vector<16xi32>
      %add3A_1060 = vector.broadcast %reduce_sum3A_1057 : i32 to vector<16xi32>
      %add3A_1061 = arith.addi %add3A_1060, %broadcast_in_dim3A_1059 : vector<16xi32>
      %broadcast_in_dim3A_1062 = arith.constant 15 : i32
      %broadcast_in_dim3A_1063 = vector.broadcast %broadcast_in_dim3A_1062 : i32 to vector<16xi32>
      %gather3A_1064 = tpu.vector_load_idx %arg10[%broadcast_in_dim3A_1063, %iota3A, %add3A_1061] : memref<16x16x128xf32, #tpu.memory_space<vmem>>[vector<16xi32>, vector<16xi32>, vector<16xi32>], vector<16xf32>,
      %swap3A_1065 = arith.constant 255 : index
      %swap3A_1066 = tpu.vector_load %arg11[%swap3A_1065] {strides = array<i32>} : memref<272xf32, #tpu.memory_space<vmem>>, vector<16xf32>,
      tpu.vector_store %arg11[%swap3A_1065], %gather3A_1064 {strides = array<i32>} : memref<272xf32, #tpu.memory_space<vmem>>, vector<16xf32>,
      %mul3A_1067 = arith.constant 17 : i32
      %mul3A_1068 = vector.broadcast %mul3A_1067 : i32 to vector<16xi32>
      %mul3A_1069 = arith.muli %iota3A, %mul3A_1068 : vector<16xi32>
      %add3A_1070 = arith.constant 16 : i32
      %add3A_1071 = vector.broadcast %add3A_1070 : i32 to vector<16xi32>
      %add3A_1072 = arith.addi %mul3A_1069, %add3A_1071 : vector<16xi32>
      %min3A_1073 = arith.constant 135 : i32
      %min3A_1074 = vector.broadcast %min3A_1073 : i32 to vector<16xi32>
      %min3A_1075 = arith.minsi %add3A_1072, %min3A_1074 : vector<16xi32>
      %add3A_1076 = arith.constant 136 : i32
      %add3A_1077 = vector.broadcast %add3A_1076 : i32 to vector<16xi32>
      %add3A_1078 = arith.addi %add3A_1077, %min3A_1075 : vector<16xi32>
      %lt3A_1079 = arith.constant 8 : i32
      %lt3A_1080 = vector.broadcast %lt3A_1079 : i32 to vector<16xi32>
      %lt3A_1081 = arith.cmpi slt, %iota3A, %lt3A_1080 : vector<16xi32>
      tpu.vector_store_idx %arg11[%add3A_1078], %select_n3A_83 masked %lt3A_1081 : memref<272xf32, #tpu.memory_space<vmem>>[vector<16xi32>], vector<16xf32>, vector<16xi1>
      %mul3A_1082 = arith.constant 17 : i32
      %mul3A_1083 = arith.muli %mul3A_45, %mul3A_1082 : i32
      %dma_start3A_1084 = arith.constant 136 : i32
      %dma_start3A_1085 = tpu.memref_slice %arg11[%dma_start3A_1084] : memref<272xf32, #tpu.memory_space<vmem>> -> memref<136xf32, #tpu.memory_space<vmem>>
      %dma_start3A_1086 = tpu.memref_slice %arg6[%mul3A_1083] : memref<3400xf32, #tpu.memory_space<hbm>> -> memref<136xf32, #tpu.memory_space<hbm>>
      %dma_start3A_1087 = tpu.memref_slice %arg6[%mul3A_1083] : memref<3400xf32, #tpu.memory_space<hbm>> -> memref<136xf32, #tpu.memory_space<hbm>>
      %dma_start3A_1088 = arith.constant 136 : i32
      %dma_start3A_1089 = tpu.memref_slice %arg11[%dma_start3A_1088] : memref<272xf32, #tpu.memory_space<vmem>> -> memref<136xf32, #tpu.memory_space<vmem>>
      tpu.enqueue_dma source(%dma_start3A_1089 : memref<136xf32, #tpu.memory_space<vmem>>) target(%dma_start3A_1087 : memref<136xf32, #tpu.memory_space<hbm>>) target_semaphore(%arg13 : memref<!tpu.dma_semaphore, #tpu.memory_space<semaphore_mem>>)
      %dma_wait3A_1090 = arith.constant 0 : i32
      %dma_wait3A_1091 = tpu.memref_slice %arg11[%dma_wait3A_1090] : memref<272xf32, #tpu.memory_space<vmem>> -> memref<136xf32, #tpu.memory_space<vmem>>
      %dma_wait3A_1092 = tpu.memref_slice %arg6[%mul3A_801] : memref<3400xf32, #tpu.memory_space<hbm>> -> memref<136xf32, #tpu.memory_space<hbm>>
      %dma_wait3A_1093 = tpu.memref_slice %arg6[%mul3A_801] : memref<3400xf32, #tpu.memory_space<hbm>> -> memref<136xf32, #tpu.memory_space<hbm>>
      %dma_wait3A_1094 = arith.constant 0 : i32
      %dma_wait3A_1095 = tpu.memref_slice %arg11[%dma_wait3A_1094] : memref<272xf32, #tpu.memory_space<vmem>> -> memref<136xf32, #tpu.memory_space<vmem>>
      tpu.wait_dma2 semaphore(%arg12 : memref<!tpu.dma_semaphore, #tpu.memory_space<semaphore_mem>>) src(%dma_wait3A_1095 : memref<136xf32, #tpu.memory_space<vmem>>) dst(%dma_wait3A_1093 : memref<136xf32, #tpu.memory_space<hbm>>)
      %dma_wait3A_1096 = arith.constant 136 : i32
      %dma_wait3A_1097 = tpu.memref_slice %arg11[%dma_wait3A_1096] : memref<272xf32, #tpu.memory_space<vmem>> -> memref<136xf32, #tpu.memory_space<vmem>>
      %dma_wait3A_1098 = tpu.memref_slice %arg6[%mul3A_1083] : memref<3400xf32, #tpu.memory_space<hbm>> -> memref<136xf32, #tpu.memory_space<hbm>>
      %dma_wait3A_1099 = tpu.memref_slice %arg6[%mul3A_1083] : memref<3400xf32, #tpu.memory_space<hbm>> -> memref<136xf32, #tpu.memory_space<hbm>>
      %dma_wait3A_1100 = arith.constant 136 : i32
      %dma_wait3A_1101 = tpu.memref_slice %arg11[%dma_wait3A_1100] : memref<272xf32, #tpu.memory_space<vmem>> -> memref<136xf32, #tpu.memory_space<vmem>>
      tpu.wait_dma2 semaphore(%arg13 : memref<!tpu.dma_semaphore, #tpu.memory_space<semaphore_mem>>) src(%dma_wait3A_1101 : memref<136xf32, #tpu.memory_space<vmem>>) dst(%dma_wait3A_1099 : memref<136xf32, #tpu.memory_space<hbm>>)
    } else {
    }
    %ge3A = arith.constant 9 : i32
    %ge3A_38 = arith.cmpi sge, %arg1, %ge3A : i32
    %convert_element_type3A_39 = arith.extui %ge3A_38 : i1 to i32
    %cond3A_40 = arith.constant 0 : i32
    %cond3A_41 = arith.cmpi ne, %convert_element_type3A_39, %cond3A_40 : i32
    scf.if %cond3A_41 {
      %mul3A = arith.constant 8 : i32
      %mul3A_42 = arith.muli %arg1, %mul3A : i32
      %iota3A = tpu.iota {dimensions = array<i32: 0>} : vector<16xi32>
      %eq3A = arith.constant 0 : i32
      %eq3A_43 = vector.broadcast %eq3A : i32 to vector<16xi32>
      %eq3A_44 = arith.cmpi eq, %iota3A, %eq3A_43 : vector<16xi32>
      %get3A = arith.constant 0 : index
      %get3A_45 = tpu.vector_load %arg9[%get3A] {strides = array<i32>} : memref<16xf32, #tpu.memory_space<vmem>>, vector<16xf32>,
      %jit3A = arith.constant 0.000000e+00 : f32
      %broadcast_in_dim3A = vector.broadcast %jit3A : f32 to vector<16xf32>
      %select_n3A = arith.select %eq3A_44, %get3A_45, %broadcast_in_dim3A : vector<16xi1>, vector<16xf32>
      %reduce_sum3A = arith.constant true
      %reduce_sum3A_46 = vector.broadcast %reduce_sum3A : i1 to vector<16xi1>
      %reduce_sum3A_47 = tpu.scan <sum>, %select_n3A masked %reduce_sum3A_46 : vector<16xf32>, vector<16xi1> -> vector<16xf32>
      %reduce_sum3A_48 = vector.extract %reduce_sum3A_47[15] : f32 from vector<16xf32>
      %broadcast_in_dim3A_49 = arith.constant 0.000000e+00 : f32
      %broadcast_in_dim3A_50 = vector.broadcast %broadcast_in_dim3A_49 : f32 to vector<16xf32>
      %add3A = vector.broadcast %reduce_sum3A_48 : f32 to vector<16xf32>
      %add3A_51 = arith.addf %add3A, %broadcast_in_dim3A_50 : vector<16xf32>
      %add3A_52 = vector.broadcast %mul3A_42 : i32 to vector<16xi32>
      %add3A_53 = arith.addi %add3A_52, %iota3A : vector<16xi32>
      %lt3A_54 = arith.constant 190 : i32
      %lt3A_55 = vector.broadcast %lt3A_54 : i32 to vector<16xi32>
      %lt3A_56 = arith.cmpi slt, %add3A_53, %lt3A_55 : vector<16xi32>
      %get3A_57 = arith.index_cast %mul3A_42 : i32 to index
      %get3A_58 = tpu.vector_load %arg7[%get3A_57] {strides = array<i32>} : memref<208xf32, #tpu.memory_space<vmem>>, vector<16xf32>,
      %convert_element_type3A_59 = arith.fptosi %get3A_58 : vector<16xf32> to vector<16xi32>
      %jit3A_60 = arith.constant 1000000 : i32
      %broadcast_in_dim3A_61 = vector.broadcast %jit3A_60 : i32 to vector<16xi32>
      %select_n3A_62 = arith.select %lt3A_56, %convert_element_type3A_59, %broadcast_in_dim3A_61 : vector<16xi1>, vector<16xi32>
      %get3A_63 = arith.index_cast %mul3A_42 : i32 to index
      %get3A_64 = tpu.vector_load %arg8[%get3A_63] {strides = array<i32>} : memref<208xf32, #tpu.memory_space<vmem>>, vector<16xf32>,
      %select_n3A_65 = arith.select %lt3A_56, %get3A_64, %add3A_51 : vector<16xi1>, vector<16xf32>
      %eq3A_66 = arith.constant 0 : i32
      %eq3A_67 = vector.broadcast %eq3A_66 : i32 to vector<16xi32>
      %eq3A_68 = arith.cmpi eq, %iota3A, %eq3A_67 : vector<16xi32>
      %jit3A_69 = arith.constant 0 : i32
      %broadcast_in_dim3A_70 = vector.broadcast %jit3A_69 : i32 to vector<16xi32>
      %select_n3A_71 = arith.select %eq3A_68, %select_n3A_62, %broadcast_in_dim3A_70 : vector<16xi1>, vector<16xi32>
      %reduce_sum3A_72 = arith.constant true
      %reduce_sum3A_73 = vector.broadcast %reduce_sum3A_72 : i1 to vector<16xi1>
      %reduce_sum3A_74 = tpu.scan <sum>, %select_n3A_71 masked %reduce_sum3A_73 : vector<16xi32>, vector<16xi1> -> vector<16xi32>
      %reduce_sum3A_75 = vector.extract %reduce_sum3A_74[15] : i32 from vector<16xi32>
      %shift_right_logical3A = arith.constant 7 : i32
      %shift_right_logical3A_76 = arith.shrui %reduce_sum3A_75, %shift_right_logical3A : i32
      %mul3A_77 = arith.constant 128 : i32
      %mul3A_78 = arith.muli %shift_right_logical3A_76, %mul3A_77 : i32
      %multiple_of3A = tpu.assume_multiple %mul3A_78, 128 : i32
      %dma_start3A_79 = arith.constant 0 : i32
      %dma_start3A_80 = arith.constant 0 : i32
      %dma_start3A_81 = arith.constant 0 : i32
      %dma_start3A_82 = tpu.memref_slice %arg10[%dma_start3A_79, %dma_start3A_80, %dma_start3A_81] : memref<16x16x128xf32, #tpu.memory_space<vmem>> -> memref<1x16x128xf32, #tpu.memory_space<vmem>>
      %dma_start3A_83 = tpu.memref_squeeze %dma_start3A_82 : memref<1x16x128xf32, #tpu.memory_space<vmem>> -> memref<16x128xf32, #tpu.memory_space<vmem>>
      %dma_start3A_84 = arith.constant 0 : i32
      %dma_start3A_85 = tpu.memref_slice %arg4[%dma_start3A_84, %multiple_of3A] : memref<16x1000001xf32, #tpu.memory_space<hbm>> -> memref<16x128xf32, #tpu.memory_space<hbm>>
      %dma_start3A_86 = arith.constant 0 : i32
      %dma_start3A_87 = arith.constant 0 : i32
      %dma_start3A_88 = tpu.memref_slice %arg10[%dma_start3A_79, %dma_start3A_86, %dma_start3A_87] : memref<16x16x128xf32, #tpu.memory_space<vmem>> -> memref<1x16x128xf32, #tpu.memory_space<vmem>>
      %dma_start3A_89 = tpu.memref_squeeze %dma_start3A_88 : memref<1x16x128xf32, #tpu.memory_space<vmem>> -> memref<16x128xf32, #tpu.memory_space<vmem>>
      %dma_start3A_90 = arith.constant 0 : i32
      %dma_start3A_91 = tpu.memref_slice %arg4[%dma_start3A_90, %multiple_of3A] : memref<16x1000001xf32, #tpu.memory_space<hbm>> -> memref<16x128xf32, #tpu.memory_space<hbm>>
      tpu.enqueue_dma source(%dma_start3A_91 : memref<16x128xf32, #tpu.memory_space<hbm>>) target(%dma_start3A_89 : memref<16x128xf32, #tpu.memory_space<vmem>>) target_semaphore(%arg12 : memref<!tpu.dma_semaphore, #tpu.memory_space<semaphore_mem>>)
      %eq3A_92 = arith.constant 1 : i32
      %eq3A_93 = vector.broadcast %eq3A_92 : i32 to vector<16xi32>
      %eq3A_94 = arith.cmpi eq, %iota3A, %eq3A_93 : vector<16xi32>
      %jit3A_95 = arith.constant 0 : i32
      %broadcast_in_dim3A_96 = vector.broadcast %jit3A_95 : i32 to vector<16xi32>
      %select_n3A_97 = arith.select %eq3A_94, %select_n3A_62, %broadcast_in_dim3A_96 : vector<16xi1>, vector<16xi32>
      %reduce_sum3A_98 = arith.constant true
      %reduce_sum3A_99 = vector.broadcast %reduce_sum3A_98 : i1 to vector<16xi1>
      %reduce_sum3A_100 = tpu.scan <sum>, %select_n3A_97 masked %reduce_sum3A_99 : vector<16xi32>, vector<16xi1> -> vector<16xi32>
      %reduce_sum3A_101 = vector.extract %reduce_sum3A_100[15] : i32 from vector<16xi32>
      %shift_right_logical3A_102 = arith.constant 7 : i32
      %shift_right_logical3A_103 = arith.shrui %reduce_sum3A_101, %shift_right_logical3A_102 : i32
      %mul3A_104 = arith.constant 128 : i32
      %mul3A_105 = arith.muli %shift_right_logical3A_103, %mul3A_104 : i32
      %multiple_of3A_106 = tpu.assume_multiple %mul3A_105, 128 : i32
      %dma_start3A_107 = arith.constant 1 : i32
      %dma_start3A_108 = arith.constant 0 : i32
      %dma_start3A_109 = arith.constant 0 : i32
      %dma_start3A_110 = tpu.memref_slice %arg10[%dma_start3A_107, %dma_start3A_108, %dma_start3A_109] : memref<16x16x128xf32, #tpu.memory_space<vmem>> -> memref<1x16x128xf32, #tpu.memory_space<vmem>>
      %dma_start3A_111 = tpu.memref_squeeze %dma_start3A_110 : memref<1x16x128xf32, #tpu.memory_space<vmem>> -> memref<16x128xf32, #tpu.memory_space<vmem>>
      %dma_start3A_112 = arith.constant 0 : i32
      %dma_start3A_113 = tpu.memref_slice %arg4[%dma_start3A_112, %multiple_of3A_106] : memref<16x1000001xf32, #tpu.memory_space<hbm>> -> memref<16x128xf32, #tpu.memory_space<hbm>>
      %dma_start3A_114 = arith.constant 0 : i32
      %dma_start3A_115 = arith.constant 0 : i32
      %dma_start3A_116 = tpu.memref_slice %arg10[%dma_start3A_107, %dma_start3A_114, %dma_start3A_115] : memref<16x16x128xf32, #tpu.memory_space<vmem>> -> memref<1x16x128xf32, #tpu.memory_space<vmem>>
      %dma_start3A_117 = tpu.memref_squeeze %dma_start3A_116 : memref<1x16x128xf32, #tpu.memory_space<vmem>> -> memref<16x128xf32, #tpu.memory_space<vmem>>
      %dma_start3A_118 = arith.constant 0 : i32
      %dma_start3A_119 = tpu.memref_slice %arg4[%dma_start3A_118, %multiple_of3A_106] : memref<16x1000001xf32, #tpu.memory_space<hbm>> -> memref<16x128xf32, #tpu.memory_space<hbm>>
      tpu.enqueue_dma source(%dma_start3A_119 : memref<16x128xf32, #tpu.memory_space<hbm>>) target(%dma_start3A_117 : memref<16x128xf32, #tpu.memory_space<vmem>>) target_semaphore(%arg12 : memref<!tpu.dma_semaphore, #tpu.memory_space<semaphore_mem>>)
      %eq3A_120 = arith.constant 2 : i32
      %eq3A_121 = vector.broadcast %eq3A_120 : i32 to vector<16xi32>
      %eq3A_122 = arith.cmpi eq, %iota3A, %eq3A_121 : vector<16xi32>
      %jit3A_123 = arith.constant 0 : i32
      %broadcast_in_dim3A_124 = vector.broadcast %jit3A_123 : i32 to vector<16xi32>
      %select_n3A_125 = arith.select %eq3A_122, %select_n3A_62, %broadcast_in_dim3A_124 : vector<16xi1>, vector<16xi32>
      %reduce_sum3A_126 = arith.constant true
      %reduce_sum3A_127 = vector.broadcast %reduce_sum3A_126 : i1 to vector<16xi1>
      %reduce_sum3A_128 = tpu.scan <sum>, %select_n3A_125 masked %reduce_sum3A_127 : vector<16xi32>, vector<16xi1> -> vector<16xi32>
      %reduce_sum3A_129 = vector.extract %reduce_sum3A_128[15] : i32 from vector<16xi32>
      %shift_right_logical3A_130 = arith.constant 7 : i32
      %shift_right_logical3A_131 = arith.shrui %reduce_sum3A_129, %shift_right_logical3A_130 : i32
      %mul3A_132 = arith.constant 128 : i32
      %mul3A_133 = arith.muli %shift_right_logical3A_131, %mul3A_132 : i32
      %multiple_of3A_134 = tpu.assume_multiple %mul3A_133, 128 : i32
      %dma_start3A_135 = arith.constant 2 : i32
      %dma_start3A_136 = arith.constant 0 : i32
      %dma_start3A_137 = arith.constant 0 : i32
      %dma_start3A_138 = tpu.memref_slice %arg10[%dma_start3A_135, %dma_start3A_136, %dma_start3A_137] : memref<16x16x128xf32, #tpu.memory_space<vmem>> -> memref<1x16x128xf32, #tpu.memory_space<vmem>>
      %dma_start3A_139 = tpu.memref_squeeze %dma_start3A_138 : memref<1x16x128xf32, #tpu.memory_space<vmem>> -> memref<16x128xf32, #tpu.memory_space<vmem>>
      %dma_start3A_140 = arith.constant 0 : i32
      %dma_start3A_141 = tpu.memref_slice %arg4[%dma_start3A_140, %multiple_of3A_134] : memref<16x1000001xf32, #tpu.memory_space<hbm>> -> memref<16x128xf32, #tpu.memory_space<hbm>>
      %dma_start3A_142 = arith.constant 0 : i32
      %dma_start3A_143 = arith.constant 0 : i32
      %dma_start3A_144 = tpu.memref_slice %arg10[%dma_start3A_135, %dma_start3A_142, %dma_start3A_143] : memref<16x16x128xf32, #tpu.memory_space<vmem>> -> memref<1x16x128xf32, #tpu.memory_space<vmem>>
      %dma_start3A_145 = tpu.memref_squeeze %dma_start3A_144 : memref<1x16x128xf32, #tpu.memory_space<vmem>> -> memref<16x128xf32, #tpu.memory_space<vmem>>
      %dma_start3A_146 = arith.constant 0 : i32
      %dma_start3A_147 = tpu.memref_slice %arg4[%dma_start3A_146, %multiple_of3A_134] : memref<16x1000001xf32, #tpu.memory_space<hbm>> -> memref<16x128xf32, #tpu.memory_space<hbm>>
      tpu.enqueue_dma source(%dma_start3A_147 : memref<16x128xf32, #tpu.memory_space<hbm>>) target(%dma_start3A_145 : memref<16x128xf32, #tpu.memory_space<vmem>>) target_semaphore(%arg12 : memref<!tpu.dma_semaphore, #tpu.memory_space<semaphore_mem>>)
      %eq3A_148 = arith.constant 3 : i32
      %eq3A_149 = vector.broadcast %eq3A_148 : i32 to vector<16xi32>
      %eq3A_150 = arith.cmpi eq, %iota3A, %eq3A_149 : vector<16xi32>
      %jit3A_151 = arith.constant 0 : i32
      %broadcast_in_dim3A_152 = vector.broadcast %jit3A_151 : i32 to vector<16xi32>
      %select_n3A_153 = arith.select %eq3A_150, %select_n3A_62, %broadcast_in_dim3A_152 : vector<16xi1>, vector<16xi32>
      %reduce_sum3A_154 = arith.constant true
      %reduce_sum3A_155 = vector.broadcast %reduce_sum3A_154 : i1 to vector<16xi1>
      %reduce_sum3A_156 = tpu.scan <sum>, %select_n3A_153 masked %reduce_sum3A_155 : vector<16xi32>, vector<16xi1> -> vector<16xi32>
      %reduce_sum3A_157 = vector.extract %reduce_sum3A_156[15] : i32 from vector<16xi32>
      %shift_right_logical3A_158 = arith.constant 7 : i32
      %shift_right_logical3A_159 = arith.shrui %reduce_sum3A_157, %shift_right_logical3A_158 : i32
      %mul3A_160 = arith.constant 128 : i32
      %mul3A_161 = arith.muli %shift_right_logical3A_159, %mul3A_160 : i32
      %multiple_of3A_162 = tpu.assume_multiple %mul3A_161, 128 : i32
      %dma_start3A_163 = arith.constant 3 : i32
      %dma_start3A_164 = arith.constant 0 : i32
      %dma_start3A_165 = arith.constant 0 : i32
      %dma_start3A_166 = tpu.memref_slice %arg10[%dma_start3A_163, %dma_start3A_164, %dma_start3A_165] : memref<16x16x128xf32, #tpu.memory_space<vmem>> -> memref<1x16x128xf32, #tpu.memory_space<vmem>>
      %dma_start3A_167 = tpu.memref_squeeze %dma_start3A_166 : memref<1x16x128xf32, #tpu.memory_space<vmem>> -> memref<16x128xf32, #tpu.memory_space<vmem>>
      %dma_start3A_168 = arith.constant 0 : i32
      %dma_start3A_169 = tpu.memref_slice %arg4[%dma_start3A_168, %multiple_of3A_162] : memref<16x1000001xf32, #tpu.memory_space<hbm>> -> memref<16x128xf32, #tpu.memory_space<hbm>>
      %dma_start3A_170 = arith.constant 0 : i32
      %dma_start3A_171 = arith.constant 0 : i32
      %dma_start3A_172 = tpu.memref_slice %arg10[%dma_start3A_163, %dma_start3A_170, %dma_start3A_171] : memref<16x16x128xf32, #tpu.memory_space<vmem>> -> memref<1x16x128xf32, #tpu.memory_space<vmem>>
      %dma_start3A_173 = tpu.memref_squeeze %dma_start3A_172 : memref<1x16x128xf32, #tpu.memory_space<vmem>> -> memref<16x128xf32, #tpu.memory_space<vmem>>
      %dma_start3A_174 = arith.constant 0 : i32
      %dma_start3A_175 = tpu.memref_slice %arg4[%dma_start3A_174, %multiple_of3A_162] : memref<16x1000001xf32, #tpu.memory_space<hbm>> -> memref<16x128xf32, #tpu.memory_space<hbm>>
      tpu.enqueue_dma source(%dma_start3A_175 : memref<16x128xf32, #tpu.memory_space<hbm>>) target(%dma_start3A_173 : memref<16x128xf32, #tpu.memory_space<vmem>>) target_semaphore(%arg12 : memref<!tpu.dma_semaphore, #tpu.memory_space<semaphore_mem>>)
      %eq3A_176 = arith.constant 4 : i32
      %eq3A_177 = vector.broadcast %eq3A_176 : i32 to vector<16xi32>
      %eq3A_178 = arith.cmpi eq, %iota3A, %eq3A_177 : vector<16xi32>
      %jit3A_179 = arith.constant 0 : i32
      %broadcast_in_dim3A_180 = vector.broadcast %jit3A_179 : i32 to vector<16xi32>
      %select_n3A_181 = arith.select %eq3A_178, %select_n3A_62, %broadcast_in_dim3A_180 : vector<16xi1>, vector<16xi32>
      %reduce_sum3A_182 = arith.constant true
      %reduce_sum3A_183 = vector.broadcast %reduce_sum3A_182 : i1 to vector<16xi1>
      %reduce_sum3A_184 = tpu.scan <sum>, %select_n3A_181 masked %reduce_sum3A_183 : vector<16xi32>, vector<16xi1> -> vector<16xi32>
      %reduce_sum3A_185 = vector.extract %reduce_sum3A_184[15] : i32 from vector<16xi32>
      %shift_right_logical3A_186 = arith.constant 7 : i32
      %shift_right_logical3A_187 = arith.shrui %reduce_sum3A_185, %shift_right_logical3A_186 : i32
      %mul3A_188 = arith.constant 128 : i32
      %mul3A_189 = arith.muli %shift_right_logical3A_187, %mul3A_188 : i32
      %multiple_of3A_190 = tpu.assume_multiple %mul3A_189, 128 : i32
      %dma_start3A_191 = arith.constant 4 : i32
      %dma_start3A_192 = arith.constant 0 : i32
      %dma_start3A_193 = arith.constant 0 : i32
      %dma_start3A_194 = tpu.memref_slice %arg10[%dma_start3A_191, %dma_start3A_192, %dma_start3A_193] : memref<16x16x128xf32, #tpu.memory_space<vmem>> -> memref<1x16x128xf32, #tpu.memory_space<vmem>>
      %dma_start3A_195 = tpu.memref_squeeze %dma_start3A_194 : memref<1x16x128xf32, #tpu.memory_space<vmem>> -> memref<16x128xf32, #tpu.memory_space<vmem>>
      %dma_start3A_196 = arith.constant 0 : i32
      %dma_start3A_197 = tpu.memref_slice %arg4[%dma_start3A_196, %multiple_of3A_190] : memref<16x1000001xf32, #tpu.memory_space<hbm>> -> memref<16x128xf32, #tpu.memory_space<hbm>>
      %dma_start3A_198 = arith.constant 0 : i32
      %dma_start3A_199 = arith.constant 0 : i32
      %dma_start3A_200 = tpu.memref_slice %arg10[%dma_start3A_191, %dma_start3A_198, %dma_start3A_199] : memref<16x16x128xf32, #tpu.memory_space<vmem>> -> memref<1x16x128xf32, #tpu.memory_space<vmem>>
      %dma_start3A_201 = tpu.memref_squeeze %dma_start3A_200 : memref<1x16x128xf32, #tpu.memory_space<vmem>> -> memref<16x128xf32, #tpu.memory_space<vmem>>
      %dma_start3A_202 = arith.constant 0 : i32
      %dma_start3A_203 = tpu.memref_slice %arg4[%dma_start3A_202, %multiple_of3A_190] : memref<16x1000001xf32, #tpu.memory_space<hbm>> -> memref<16x128xf32, #tpu.memory_space<hbm>>
      tpu.enqueue_dma source(%dma_start3A_203 : memref<16x128xf32, #tpu.memory_space<hbm>>) target(%dma_start3A_201 : memref<16x128xf32, #tpu.memory_space<vmem>>) target_semaphore(%arg12 : memref<!tpu.dma_semaphore, #tpu.memory_space<semaphore_mem>>)
      %eq3A_204 = arith.constant 5 : i32
      %eq3A_205 = vector.broadcast %eq3A_204 : i32 to vector<16xi32>
      %eq3A_206 = arith.cmpi eq, %iota3A, %eq3A_205 : vector<16xi32>
      %jit3A_207 = arith.constant 0 : i32
      %broadcast_in_dim3A_208 = vector.broadcast %jit3A_207 : i32 to vector<16xi32>
      %select_n3A_209 = arith.select %eq3A_206, %select_n3A_62, %broadcast_in_dim3A_208 : vector<16xi1>, vector<16xi32>
      %reduce_sum3A_210 = arith.constant true
      %reduce_sum3A_211 = vector.broadcast %reduce_sum3A_210 : i1 to vector<16xi1>
      %reduce_sum3A_212 = tpu.scan <sum>, %select_n3A_209 masked %reduce_sum3A_211 : vector<16xi32>, vector<16xi1> -> vector<16xi32>
      %reduce_sum3A_213 = vector.extract %reduce_sum3A_212[15] : i32 from vector<16xi32>
      %shift_right_logical3A_214 = arith.constant 7 : i32
      %shift_right_logical3A_215 = arith.shrui %reduce_sum3A_213, %shift_right_logical3A_214 : i32
      %mul3A_216 = arith.constant 128 : i32
      %mul3A_217 = arith.muli %shift_right_logical3A_215, %mul3A_216 : i32
      %multiple_of3A_218 = tpu.assume_multiple %mul3A_217, 128 : i32
      %dma_start3A_219 = arith.constant 5 : i32
      %dma_start3A_220 = arith.constant 0 : i32
      %dma_start3A_221 = arith.constant 0 : i32
      %dma_start3A_222 = tpu.memref_slice %arg10[%dma_start3A_219, %dma_start3A_220, %dma_start3A_221] : memref<16x16x128xf32, #tpu.memory_space<vmem>> -> memref<1x16x128xf32, #tpu.memory_space<vmem>>
      %dma_start3A_223 = tpu.memref_squeeze %dma_start3A_222 : memref<1x16x128xf32, #tpu.memory_space<vmem>> -> memref<16x128xf32, #tpu.memory_space<vmem>>
      %dma_start3A_224 = arith.constant 0 : i32
      %dma_start3A_225 = tpu.memref_slice %arg4[%dma_start3A_224, %multiple_of3A_218] : memref<16x1000001xf32, #tpu.memory_space<hbm>> -> memref<16x128xf32, #tpu.memory_space<hbm>>
      %dma_start3A_226 = arith.constant 0 : i32
      %dma_start3A_227 = arith.constant 0 : i32
      %dma_start3A_228 = tpu.memref_slice %arg10[%dma_start3A_219, %dma_start3A_226, %dma_start3A_227] : memref<16x16x128xf32, #tpu.memory_space<vmem>> -> memref<1x16x128xf32, #tpu.memory_space<vmem>>
      %dma_start3A_229 = tpu.memref_squeeze %dma_start3A_228 : memref<1x16x128xf32, #tpu.memory_space<vmem>> -> memref<16x128xf32, #tpu.memory_space<vmem>>
      %dma_start3A_230 = arith.constant 0 : i32
      %dma_start3A_231 = tpu.memref_slice %arg4[%dma_start3A_230, %multiple_of3A_218] : memref<16x1000001xf32, #tpu.memory_space<hbm>> -> memref<16x128xf32, #tpu.memory_space<hbm>>
      tpu.enqueue_dma source(%dma_start3A_231 : memref<16x128xf32, #tpu.memory_space<hbm>>) target(%dma_start3A_229 : memref<16x128xf32, #tpu.memory_space<vmem>>) target_semaphore(%arg12 : memref<!tpu.dma_semaphore, #tpu.memory_space<semaphore_mem>>)
      %eq3A_232 = arith.constant 6 : i32
      %eq3A_233 = vector.broadcast %eq3A_232 : i32 to vector<16xi32>
      %eq3A_234 = arith.cmpi eq, %iota3A, %eq3A_233 : vector<16xi32>
      %jit3A_235 = arith.constant 0 : i32
      %broadcast_in_dim3A_236 = vector.broadcast %jit3A_235 : i32 to vector<16xi32>
      %select_n3A_237 = arith.select %eq3A_234, %select_n3A_62, %broadcast_in_dim3A_236 : vector<16xi1>, vector<16xi32>
      %reduce_sum3A_238 = arith.constant true
      %reduce_sum3A_239 = vector.broadcast %reduce_sum3A_238 : i1 to vector<16xi1>
      %reduce_sum3A_240 = tpu.scan <sum>, %select_n3A_237 masked %reduce_sum3A_239 : vector<16xi32>, vector<16xi1> -> vector<16xi32>
      %reduce_sum3A_241 = vector.extract %reduce_sum3A_240[15] : i32 from vector<16xi32>
      %shift_right_logical3A_242 = arith.constant 7 : i32
      %shift_right_logical3A_243 = arith.shrui %reduce_sum3A_241, %shift_right_logical3A_242 : i32
      %mul3A_244 = arith.constant 128 : i32
      %mul3A_245 = arith.muli %shift_right_logical3A_243, %mul3A_244 : i32
      %multiple_of3A_246 = tpu.assume_multiple %mul3A_245, 128 : i32
      %dma_start3A_247 = arith.constant 6 : i32
      %dma_start3A_248 = arith.constant 0 : i32
      %dma_start3A_249 = arith.constant 0 : i32
      %dma_start3A_250 = tpu.memref_slice %arg10[%dma_start3A_247, %dma_start3A_248, %dma_start3A_249] : memref<16x16x128xf32, #tpu.memory_space<vmem>> -> memref<1x16x128xf32, #tpu.memory_space<vmem>>
      %dma_start3A_251 = tpu.memref_squeeze %dma_start3A_250 : memref<1x16x128xf32, #tpu.memory_space<vmem>> -> memref<16x128xf32, #tpu.memory_space<vmem>>
      %dma_start3A_252 = arith.constant 0 : i32
      %dma_start3A_253 = tpu.memref_slice %arg4[%dma_start3A_252, %multiple_of3A_246] : memref<16x1000001xf32, #tpu.memory_space<hbm>> -> memref<16x128xf32, #tpu.memory_space<hbm>>
      %dma_start3A_254 = arith.constant 0 : i32
      %dma_start3A_255 = arith.constant 0 : i32
      %dma_start3A_256 = tpu.memref_slice %arg10[%dma_start3A_247, %dma_start3A_254, %dma_start3A_255] : memref<16x16x128xf32, #tpu.memory_space<vmem>> -> memref<1x16x128xf32, #tpu.memory_space<vmem>>
      %dma_start3A_257 = tpu.memref_squeeze %dma_start3A_256 : memref<1x16x128xf32, #tpu.memory_space<vmem>> -> memref<16x128xf32, #tpu.memory_space<vmem>>
      %dma_start3A_258 = arith.constant 0 : i32
      %dma_start3A_259 = tpu.memref_slice %arg4[%dma_start3A_258, %multiple_of3A_246] : memref<16x1000001xf32, #tpu.memory_space<hbm>> -> memref<16x128xf32, #tpu.memory_space<hbm>>
      tpu.enqueue_dma source(%dma_start3A_259 : memref<16x128xf32, #tpu.memory_space<hbm>>) target(%dma_start3A_257 : memref<16x128xf32, #tpu.memory_space<vmem>>) target_semaphore(%arg12 : memref<!tpu.dma_semaphore, #tpu.memory_space<semaphore_mem>>)
      %eq3A_260 = arith.constant 7 : i32
      %eq3A_261 = vector.broadcast %eq3A_260 : i32 to vector<16xi32>
      %eq3A_262 = arith.cmpi eq, %iota3A, %eq3A_261 : vector<16xi32>
      %jit3A_263 = arith.constant 0 : i32
      %broadcast_in_dim3A_264 = vector.broadcast %jit3A_263 : i32 to vector<16xi32>
      %select_n3A_265 = arith.select %eq3A_262, %select_n3A_62, %broadcast_in_dim3A_264 : vector<16xi1>, vector<16xi32>
      %reduce_sum3A_266 = arith.constant true
      %reduce_sum3A_267 = vector.broadcast %reduce_sum3A_266 : i1 to vector<16xi1>
      %reduce_sum3A_268 = tpu.scan <sum>, %select_n3A_265 masked %reduce_sum3A_267 : vector<16xi32>, vector<16xi1> -> vector<16xi32>
      %reduce_sum3A_269 = vector.extract %reduce_sum3A_268[15] : i32 from vector<16xi32>
      %shift_right_logical3A_270 = arith.constant 7 : i32
      %shift_right_logical3A_271 = arith.shrui %reduce_sum3A_269, %shift_right_logical3A_270 : i32
      %mul3A_272 = arith.constant 128 : i32
      %mul3A_273 = arith.muli %shift_right_logical3A_271, %mul3A_272 : i32
      %multiple_of3A_274 = tpu.assume_multiple %mul3A_273, 128 : i32
      %dma_start3A_275 = arith.constant 7 : i32
      %dma_start3A_276 = arith.constant 0 : i32
      %dma_start3A_277 = arith.constant 0 : i32
      %dma_start3A_278 = tpu.memref_slice %arg10[%dma_start3A_275, %dma_start3A_276, %dma_start3A_277] : memref<16x16x128xf32, #tpu.memory_space<vmem>> -> memref<1x16x128xf32, #tpu.memory_space<vmem>>
      %dma_start3A_279 = tpu.memref_squeeze %dma_start3A_278 : memref<1x16x128xf32, #tpu.memory_space<vmem>> -> memref<16x128xf32, #tpu.memory_space<vmem>>
      %dma_start3A_280 = arith.constant 0 : i32
      %dma_start3A_281 = tpu.memref_slice %arg4[%dma_start3A_280, %multiple_of3A_274] : memref<16x1000001xf32, #tpu.memory_space<hbm>> -> memref<16x128xf32, #tpu.memory_space<hbm>>
      %dma_start3A_282 = arith.constant 0 : i32
      %dma_start3A_283 = arith.constant 0 : i32
      %dma_start3A_284 = tpu.memref_slice %arg10[%dma_start3A_275, %dma_start3A_282, %dma_start3A_283] : memref<16x16x128xf32, #tpu.memory_space<vmem>> -> memref<1x16x128xf32, #tpu.memory_space<vmem>>
      %dma_start3A_285 = tpu.memref_squeeze %dma_start3A_284 : memref<1x16x128xf32, #tpu.memory_space<vmem>> -> memref<16x128xf32, #tpu.memory_space<vmem>>
      %dma_start3A_286 = arith.constant 0 : i32
      %dma_start3A_287 = tpu.memref_slice %arg4[%dma_start3A_286, %multiple_of3A_274] : memref<16x1000001xf32, #tpu.memory_space<hbm>> -> memref<16x128xf32, #tpu.memory_space<hbm>>
      tpu.enqueue_dma source(%dma_start3A_287 : memref<16x128xf32, #tpu.memory_space<hbm>>) target(%dma_start3A_285 : memref<16x128xf32, #tpu.memory_space<vmem>>) target_semaphore(%arg12 : memref<!tpu.dma_semaphore, #tpu.memory_space<semaphore_mem>>)
      %dma_wait3A_288 = arith.constant 0 : i32
      %dma_wait3A_289 = arith.constant 0 : i32
      %dma_wait3A_290 = arith.constant 0 : i32
      %dma_wait3A_291 = tpu.memref_slice %arg10[%dma_wait3A_288, %dma_wait3A_289, %dma_wait3A_290] : memref<16x16x128xf32, #tpu.memory_space<vmem>> -> memref<1x16x128xf32, #tpu.memory_space<vmem>>
      %dma_wait3A_292 = tpu.memref_squeeze %dma_wait3A_291 : memref<1x16x128xf32, #tpu.memory_space<vmem>> -> memref<16x128xf32, #tpu.memory_space<vmem>>
      %dma_wait3A_293 = arith.constant 0 : i32
      %dma_wait3A_294 = tpu.memref_slice %arg4[%dma_wait3A_293, %multiple_of3A] : memref<16x1000001xf32, #tpu.memory_space<hbm>> -> memref<16x128xf32, #tpu.memory_space<hbm>>
      %dma_wait3A_295 = arith.constant 0 : i32
      %dma_wait3A_296 = arith.constant 0 : i32
      %dma_wait3A_297 = tpu.memref_slice %arg10[%dma_wait3A_288, %dma_wait3A_295, %dma_wait3A_296] : memref<16x16x128xf32, #tpu.memory_space<vmem>> -> memref<1x16x128xf32, #tpu.memory_space<vmem>>
      %dma_wait3A_298 = tpu.memref_squeeze %dma_wait3A_297 : memref<1x16x128xf32, #tpu.memory_space<vmem>> -> memref<16x128xf32, #tpu.memory_space<vmem>>
      %dma_wait3A_299 = arith.constant 0 : i32
      %dma_wait3A_300 = tpu.memref_slice %arg4[%dma_wait3A_299, %multiple_of3A] : memref<16x1000001xf32, #tpu.memory_space<hbm>> -> memref<16x128xf32, #tpu.memory_space<hbm>>
      tpu.wait_dma2 semaphore(%arg12 : memref<!tpu.dma_semaphore, #tpu.memory_space<semaphore_mem>>) src(%dma_wait3A_300 : memref<16x128xf32, #tpu.memory_space<hbm>>) dst(%dma_wait3A_298 : memref<16x128xf32, #tpu.memory_space<vmem>>)
      %dma_wait3A_301 = arith.constant 1 : i32
      %dma_wait3A_302 = arith.constant 0 : i32
      %dma_wait3A_303 = arith.constant 0 : i32
      %dma_wait3A_304 = tpu.memref_slice %arg10[%dma_wait3A_301, %dma_wait3A_302, %dma_wait3A_303] : memref<16x16x128xf32, #tpu.memory_space<vmem>> -> memref<1x16x128xf32, #tpu.memory_space<vmem>>
      %dma_wait3A_305 = tpu.memref_squeeze %dma_wait3A_304 : memref<1x16x128xf32, #tpu.memory_space<vmem>> -> memref<16x128xf32, #tpu.memory_space<vmem>>
      %dma_wait3A_306 = arith.constant 0 : i32
      %dma_wait3A_307 = tpu.memref_slice %arg4[%dma_wait3A_306, %multiple_of3A_106] : memref<16x1000001xf32, #tpu.memory_space<hbm>> -> memref<16x128xf32, #tpu.memory_space<hbm>>
      %dma_wait3A_308 = arith.constant 0 : i32
      %dma_wait3A_309 = arith.constant 0 : i32
      %dma_wait3A_310 = tpu.memref_slice %arg10[%dma_wait3A_301, %dma_wait3A_308, %dma_wait3A_309] : memref<16x16x128xf32, #tpu.memory_space<vmem>> -> memref<1x16x128xf32, #tpu.memory_space<vmem>>
      %dma_wait3A_311 = tpu.memref_squeeze %dma_wait3A_310 : memref<1x16x128xf32, #tpu.memory_space<vmem>> -> memref<16x128xf32, #tpu.memory_space<vmem>>
      %dma_wait3A_312 = arith.constant 0 : i32
      %dma_wait3A_313 = tpu.memref_slice %arg4[%dma_wait3A_312, %multiple_of3A_106] : memref<16x1000001xf32, #tpu.memory_space<hbm>> -> memref<16x128xf32, #tpu.memory_space<hbm>>
      tpu.wait_dma2 semaphore(%arg12 : memref<!tpu.dma_semaphore, #tpu.memory_space<semaphore_mem>>) src(%dma_wait3A_313 : memref<16x128xf32, #tpu.memory_space<hbm>>) dst(%dma_wait3A_311 : memref<16x128xf32, #tpu.memory_space<vmem>>)
      %dma_wait3A_314 = arith.constant 2 : i32
      %dma_wait3A_315 = arith.constant 0 : i32
      %dma_wait3A_316 = arith.constant 0 : i32
      %dma_wait3A_317 = tpu.memref_slice %arg10[%dma_wait3A_314, %dma_wait3A_315, %dma_wait3A_316] : memref<16x16x128xf32, #tpu.memory_space<vmem>> -> memref<1x16x128xf32, #tpu.memory_space<vmem>>
      %dma_wait3A_318 = tpu.memref_squeeze %dma_wait3A_317 : memref<1x16x128xf32, #tpu.memory_space<vmem>> -> memref<16x128xf32, #tpu.memory_space<vmem>>
      %dma_wait3A_319 = arith.constant 0 : i32
      %dma_wait3A_320 = tpu.memref_slice %arg4[%dma_wait3A_319, %multiple_of3A_134] : memref<16x1000001xf32, #tpu.memory_space<hbm>> -> memref<16x128xf32, #tpu.memory_space<hbm>>
      %dma_wait3A_321 = arith.constant 0 : i32
      %dma_wait3A_322 = arith.constant 0 : i32
      %dma_wait3A_323 = tpu.memref_slice %arg10[%dma_wait3A_314, %dma_wait3A_321, %dma_wait3A_322] : memref<16x16x128xf32, #tpu.memory_space<vmem>> -> memref<1x16x128xf32, #tpu.memory_space<vmem>>
      %dma_wait3A_324 = tpu.memref_squeeze %dma_wait3A_323 : memref<1x16x128xf32, #tpu.memory_space<vmem>> -> memref<16x128xf32, #tpu.memory_space<vmem>>
      %dma_wait3A_325 = arith.constant 0 : i32
      %dma_wait3A_326 = tpu.memref_slice %arg4[%dma_wait3A_325, %multiple_of3A_134] : memref<16x1000001xf32, #tpu.memory_space<hbm>> -> memref<16x128xf32, #tpu.memory_space<hbm>>
      tpu.wait_dma2 semaphore(%arg12 : memref<!tpu.dma_semaphore, #tpu.memory_space<semaphore_mem>>) src(%dma_wait3A_326 : memref<16x128xf32, #tpu.memory_space<hbm>>) dst(%dma_wait3A_324 : memref<16x128xf32, #tpu.memory_space<vmem>>)
      %dma_wait3A_327 = arith.constant 3 : i32
      %dma_wait3A_328 = arith.constant 0 : i32
      %dma_wait3A_329 = arith.constant 0 : i32
      %dma_wait3A_330 = tpu.memref_slice %arg10[%dma_wait3A_327, %dma_wait3A_328, %dma_wait3A_329] : memref<16x16x128xf32, #tpu.memory_space<vmem>> -> memref<1x16x128xf32, #tpu.memory_space<vmem>>
      %dma_wait3A_331 = tpu.memref_squeeze %dma_wait3A_330 : memref<1x16x128xf32, #tpu.memory_space<vmem>> -> memref<16x128xf32, #tpu.memory_space<vmem>>
      %dma_wait3A_332 = arith.constant 0 : i32
      %dma_wait3A_333 = tpu.memref_slice %arg4[%dma_wait3A_332, %multiple_of3A_162] : memref<16x1000001xf32, #tpu.memory_space<hbm>> -> memref<16x128xf32, #tpu.memory_space<hbm>>
      %dma_wait3A_334 = arith.constant 0 : i32
      %dma_wait3A_335 = arith.constant 0 : i32
      %dma_wait3A_336 = tpu.memref_slice %arg10[%dma_wait3A_327, %dma_wait3A_334, %dma_wait3A_335] : memref<16x16x128xf32, #tpu.memory_space<vmem>> -> memref<1x16x128xf32, #tpu.memory_space<vmem>>
      %dma_wait3A_337 = tpu.memref_squeeze %dma_wait3A_336 : memref<1x16x128xf32, #tpu.memory_space<vmem>> -> memref<16x128xf32, #tpu.memory_space<vmem>>
      %dma_wait3A_338 = arith.constant 0 : i32
      %dma_wait3A_339 = tpu.memref_slice %arg4[%dma_wait3A_338, %multiple_of3A_162] : memref<16x1000001xf32, #tpu.memory_space<hbm>> -> memref<16x128xf32, #tpu.memory_space<hbm>>
      tpu.wait_dma2 semaphore(%arg12 : memref<!tpu.dma_semaphore, #tpu.memory_space<semaphore_mem>>) src(%dma_wait3A_339 : memref<16x128xf32, #tpu.memory_space<hbm>>) dst(%dma_wait3A_337 : memref<16x128xf32, #tpu.memory_space<vmem>>)
      %dma_wait3A_340 = arith.constant 4 : i32
      %dma_wait3A_341 = arith.constant 0 : i32
      %dma_wait3A_342 = arith.constant 0 : i32
      %dma_wait3A_343 = tpu.memref_slice %arg10[%dma_wait3A_340, %dma_wait3A_341, %dma_wait3A_342] : memref<16x16x128xf32, #tpu.memory_space<vmem>> -> memref<1x16x128xf32, #tpu.memory_space<vmem>>
      %dma_wait3A_344 = tpu.memref_squeeze %dma_wait3A_343 : memref<1x16x128xf32, #tpu.memory_space<vmem>> -> memref<16x128xf32, #tpu.memory_space<vmem>>
      %dma_wait3A_345 = arith.constant 0 : i32
      %dma_wait3A_346 = tpu.memref_slice %arg4[%dma_wait3A_345, %multiple_of3A_190] : memref<16x1000001xf32, #tpu.memory_space<hbm>> -> memref<16x128xf32, #tpu.memory_space<hbm>>
      %dma_wait3A_347 = arith.constant 0 : i32
      %dma_wait3A_348 = arith.constant 0 : i32
      %dma_wait3A_349 = tpu.memref_slice %arg10[%dma_wait3A_340, %dma_wait3A_347, %dma_wait3A_348] : memref<16x16x128xf32, #tpu.memory_space<vmem>> -> memref<1x16x128xf32, #tpu.memory_space<vmem>>
      %dma_wait3A_350 = tpu.memref_squeeze %dma_wait3A_349 : memref<1x16x128xf32, #tpu.memory_space<vmem>> -> memref<16x128xf32, #tpu.memory_space<vmem>>
      %dma_wait3A_351 = arith.constant 0 : i32
      %dma_wait3A_352 = tpu.memref_slice %arg4[%dma_wait3A_351, %multiple_of3A_190] : memref<16x1000001xf32, #tpu.memory_space<hbm>> -> memref<16x128xf32, #tpu.memory_space<hbm>>
      tpu.wait_dma2 semaphore(%arg12 : memref<!tpu.dma_semaphore, #tpu.memory_space<semaphore_mem>>) src(%dma_wait3A_352 : memref<16x128xf32, #tpu.memory_space<hbm>>) dst(%dma_wait3A_350 : memref<16x128xf32, #tpu.memory_space<vmem>>)
      %dma_wait3A_353 = arith.constant 5 : i32
      %dma_wait3A_354 = arith.constant 0 : i32
      %dma_wait3A_355 = arith.constant 0 : i32
      %dma_wait3A_356 = tpu.memref_slice %arg10[%dma_wait3A_353, %dma_wait3A_354, %dma_wait3A_355] : memref<16x16x128xf32, #tpu.memory_space<vmem>> -> memref<1x16x128xf32, #tpu.memory_space<vmem>>
      %dma_wait3A_357 = tpu.memref_squeeze %dma_wait3A_356 : memref<1x16x128xf32, #tpu.memory_space<vmem>> -> memref<16x128xf32, #tpu.memory_space<vmem>>
      %dma_wait3A_358 = arith.constant 0 : i32
      %dma_wait3A_359 = tpu.memref_slice %arg4[%dma_wait3A_358, %multiple_of3A_218] : memref<16x1000001xf32, #tpu.memory_space<hbm>> -> memref<16x128xf32, #tpu.memory_space<hbm>>
      %dma_wait3A_360 = arith.constant 0 : i32
      %dma_wait3A_361 = arith.constant 0 : i32
      %dma_wait3A_362 = tpu.memref_slice %arg10[%dma_wait3A_353, %dma_wait3A_360, %dma_wait3A_361] : memref<16x16x128xf32, #tpu.memory_space<vmem>> -> memref<1x16x128xf32, #tpu.memory_space<vmem>>
      %dma_wait3A_363 = tpu.memref_squeeze %dma_wait3A_362 : memref<1x16x128xf32, #tpu.memory_space<vmem>> -> memref<16x128xf32, #tpu.memory_space<vmem>>
      %dma_wait3A_364 = arith.constant 0 : i32
      %dma_wait3A_365 = tpu.memref_slice %arg4[%dma_wait3A_364, %multiple_of3A_218] : memref<16x1000001xf32, #tpu.memory_space<hbm>> -> memref<16x128xf32, #tpu.memory_space<hbm>>
      tpu.wait_dma2 semaphore(%arg12 : memref<!tpu.dma_semaphore, #tpu.memory_space<semaphore_mem>>) src(%dma_wait3A_365 : memref<16x128xf32, #tpu.memory_space<hbm>>) dst(%dma_wait3A_363 : memref<16x128xf32, #tpu.memory_space<vmem>>)
      %dma_wait3A_366 = arith.constant 6 : i32
      %dma_wait3A_367 = arith.constant 0 : i32
      %dma_wait3A_368 = arith.constant 0 : i32
      %dma_wait3A_369 = tpu.memref_slice %arg10[%dma_wait3A_366, %dma_wait3A_367, %dma_wait3A_368] : memref<16x16x128xf32, #tpu.memory_space<vmem>> -> memref<1x16x128xf32, #tpu.memory_space<vmem>>
      %dma_wait3A_370 = tpu.memref_squeeze %dma_wait3A_369 : memref<1x16x128xf32, #tpu.memory_space<vmem>> -> memref<16x128xf32, #tpu.memory_space<vmem>>
      %dma_wait3A_371 = arith.constant 0 : i32
      %dma_wait3A_372 = tpu.memref_slice %arg4[%dma_wait3A_371, %multiple_of3A_246] : memref<16x1000001xf32, #tpu.memory_space<hbm>> -> memref<16x128xf32, #tpu.memory_space<hbm>>
      %dma_wait3A_373 = arith.constant 0 : i32
      %dma_wait3A_374 = arith.constant 0 : i32
      %dma_wait3A_375 = tpu.memref_slice %arg10[%dma_wait3A_366, %dma_wait3A_373, %dma_wait3A_374] : memref<16x16x128xf32, #tpu.memory_space<vmem>> -> memref<1x16x128xf32, #tpu.memory_space<vmem>>
      %dma_wait3A_376 = tpu.memref_squeeze %dma_wait3A_375 : memref<1x16x128xf32, #tpu.memory_space<vmem>> -> memref<16x128xf32, #tpu.memory_space<vmem>>
      %dma_wait3A_377 = arith.constant 0 : i32
      %dma_wait3A_378 = tpu.memref_slice %arg4[%dma_wait3A_377, %multiple_of3A_246] : memref<16x1000001xf32, #tpu.memory_space<hbm>> -> memref<16x128xf32, #tpu.memory_space<hbm>>
      tpu.wait_dma2 semaphore(%arg12 : memref<!tpu.dma_semaphore, #tpu.memory_space<semaphore_mem>>) src(%dma_wait3A_378 : memref<16x128xf32, #tpu.memory_space<hbm>>) dst(%dma_wait3A_376 : memref<16x128xf32, #tpu.memory_space<vmem>>)
      %dma_wait3A_379 = arith.constant 7 : i32
      %dma_wait3A_380 = arith.constant 0 : i32
      %dma_wait3A_381 = arith.constant 0 : i32
      %dma_wait3A_382 = tpu.memref_slice %arg10[%dma_wait3A_379, %dma_wait3A_380, %dma_wait3A_381] : memref<16x16x128xf32, #tpu.memory_space<vmem>> -> memref<1x16x128xf32, #tpu.memory_space<vmem>>
      %dma_wait3A_383 = tpu.memref_squeeze %dma_wait3A_382 : memref<1x16x128xf32, #tpu.memory_space<vmem>> -> memref<16x128xf32, #tpu.memory_space<vmem>>
      %dma_wait3A_384 = arith.constant 0 : i32
      %dma_wait3A_385 = tpu.memref_slice %arg4[%dma_wait3A_384, %multiple_of3A_274] : memref<16x1000001xf32, #tpu.memory_space<hbm>> -> memref<16x128xf32, #tpu.memory_space<hbm>>
      %dma_wait3A_386 = arith.constant 0 : i32
      %dma_wait3A_387 = arith.constant 0 : i32
      %dma_wait3A_388 = tpu.memref_slice %arg10[%dma_wait3A_379, %dma_wait3A_386, %dma_wait3A_387] : memref<16x16x128xf32, #tpu.memory_space<vmem>> -> memref<1x16x128xf32, #tpu.memory_space<vmem>>
      %dma_wait3A_389 = tpu.memref_squeeze %dma_wait3A_388 : memref<1x16x128xf32, #tpu.memory_space<vmem>> -> memref<16x128xf32, #tpu.memory_space<vmem>>
      %dma_wait3A_390 = arith.constant 0 : i32
      %dma_wait3A_391 = tpu.memref_slice %arg4[%dma_wait3A_390, %multiple_of3A_274] : memref<16x1000001xf32, #tpu.memory_space<hbm>> -> memref<16x128xf32, #tpu.memory_space<hbm>>
      tpu.wait_dma2 semaphore(%arg12 : memref<!tpu.dma_semaphore, #tpu.memory_space<semaphore_mem>>) src(%dma_wait3A_391 : memref<16x128xf32, #tpu.memory_space<hbm>>) dst(%dma_wait3A_389 : memref<16x128xf32, #tpu.memory_space<vmem>>)
      %and3A = arith.constant 127 : i32
      %and3A_392 = vector.broadcast %and3A : i32 to vector<16xi32>
      %and3A_393 = arith.andi %select_n3A_62, %and3A_392 : vector<16xi32>
      %eq3A_394 = arith.constant 0 : i32
      %eq3A_395 = vector.broadcast %eq3A_394 : i32 to vector<16xi32>
      %eq3A_396 = arith.cmpi eq, %iota3A, %eq3A_395 : vector<16xi32>
      %jit3A_397 = arith.constant 0 : i32
      %broadcast_in_dim3A_398 = vector.broadcast %jit3A_397 : i32 to vector<16xi32>
      %select_n3A_399 = arith.select %eq3A_396, %and3A_393, %broadcast_in_dim3A_398 : vector<16xi1>, vector<16xi32>
      %reduce_sum3A_400 = arith.constant true
      %reduce_sum3A_401 = vector.broadcast %reduce_sum3A_400 : i1 to vector<16xi1>
      %reduce_sum3A_402 = tpu.scan <sum>, %select_n3A_399 masked %reduce_sum3A_401 : vector<16xi32>, vector<16xi1> -> vector<16xi32>
      %reduce_sum3A_403 = vector.extract %reduce_sum3A_402[15] : i32 from vector<16xi32>
      %broadcast_in_dim3A_404 = arith.constant 0 : i32
      %broadcast_in_dim3A_405 = vector.broadcast %broadcast_in_dim3A_404 : i32 to vector<16xi32>
      %add3A_406 = vector.broadcast %reduce_sum3A_403 : i32 to vector<16xi32>
      %add3A_407 = arith.addi %add3A_406, %broadcast_in_dim3A_405 : vector<16xi32>
      %broadcast_in_dim3A_408 = arith.constant 0 : i32
      %broadcast_in_dim3A_409 = vector.broadcast %broadcast_in_dim3A_408 : i32 to vector<16xi32>
      %gather3A = tpu.vector_load_idx %arg10[%broadcast_in_dim3A_409, %iota3A, %add3A_407] : memref<16x16x128xf32, #tpu.memory_space<vmem>>[vector<16xi32>, vector<16xi32>, vector<16xi32>], vector<16xf32>,
      %swap3A = arith.constant 0 : index
      %swap3A_410 = tpu.vector_load %arg11[%swap3A] {strides = array<i32>} : memref<272xf32, #tpu.memory_space<vmem>>, vector<16xf32>,
      tpu.vector_store %arg11[%swap3A], %gather3A {strides = array<i32>} : memref<272xf32, #tpu.memory_space<vmem>>, vector<16xf32>,
      %eq3A_411 = arith.constant 1 : i32
      %eq3A_412 = vector.broadcast %eq3A_411 : i32 to vector<16xi32>
      %eq3A_413 = arith.cmpi eq, %iota3A, %eq3A_412 : vector<16xi32>
      %jit3A_414 = arith.constant 0 : i32
      %broadcast_in_dim3A_415 = vector.broadcast %jit3A_414 : i32 to vector<16xi32>
      %select_n3A_416 = arith.select %eq3A_413, %and3A_393, %broadcast_in_dim3A_415 : vector<16xi1>, vector<16xi32>
      %reduce_sum3A_417 = arith.constant true
      %reduce_sum3A_418 = vector.broadcast %reduce_sum3A_417 : i1 to vector<16xi1>
      %reduce_sum3A_419 = tpu.scan <sum>, %select_n3A_416 masked %reduce_sum3A_418 : vector<16xi32>, vector<16xi1> -> vector<16xi32>
      %reduce_sum3A_420 = vector.extract %reduce_sum3A_419[15] : i32 from vector<16xi32>
      %broadcast_in_dim3A_421 = arith.constant 0 : i32
      %broadcast_in_dim3A_422 = vector.broadcast %broadcast_in_dim3A_421 : i32 to vector<16xi32>
      %add3A_423 = vector.broadcast %reduce_sum3A_420 : i32 to vector<16xi32>
      %add3A_424 = arith.addi %add3A_423, %broadcast_in_dim3A_422 : vector<16xi32>
      %broadcast_in_dim3A_425 = arith.constant 1 : i32
      %broadcast_in_dim3A_426 = vector.broadcast %broadcast_in_dim3A_425 : i32 to vector<16xi32>
      %gather3A_427 = tpu.vector_load_idx %arg10[%broadcast_in_dim3A_426, %iota3A, %add3A_424] : memref<16x16x128xf32, #tpu.memory_space<vmem>>[vector<16xi32>, vector<16xi32>, vector<16xi32>], vector<16xf32>,
      %swap3A_428 = arith.constant 17 : index
      %swap3A_429 = tpu.vector_load %arg11[%swap3A_428] {strides = array<i32>} : memref<272xf32, #tpu.memory_space<vmem>>, vector<16xf32>,
      tpu.vector_store %arg11[%swap3A_428], %gather3A_427 {strides = array<i32>} : memref<272xf32, #tpu.memory_space<vmem>>, vector<16xf32>,
      %eq3A_430 = arith.constant 2 : i32
      %eq3A_431 = vector.broadcast %eq3A_430 : i32 to vector<16xi32>
      %eq3A_432 = arith.cmpi eq, %iota3A, %eq3A_431 : vector<16xi32>
      %jit3A_433 = arith.constant 0 : i32
      %broadcast_in_dim3A_434 = vector.broadcast %jit3A_433 : i32 to vector<16xi32>
      %select_n3A_435 = arith.select %eq3A_432, %and3A_393, %broadcast_in_dim3A_434 : vector<16xi1>, vector<16xi32>
      %reduce_sum3A_436 = arith.constant true
      %reduce_sum3A_437 = vector.broadcast %reduce_sum3A_436 : i1 to vector<16xi1>
      %reduce_sum3A_438 = tpu.scan <sum>, %select_n3A_435 masked %reduce_sum3A_437 : vector<16xi32>, vector<16xi1> -> vector<16xi32>
      %reduce_sum3A_439 = vector.extract %reduce_sum3A_438[15] : i32 from vector<16xi32>
      %broadcast_in_dim3A_440 = arith.constant 0 : i32
      %broadcast_in_dim3A_441 = vector.broadcast %broadcast_in_dim3A_440 : i32 to vector<16xi32>
      %add3A_442 = vector.broadcast %reduce_sum3A_439 : i32 to vector<16xi32>
      %add3A_443 = arith.addi %add3A_442, %broadcast_in_dim3A_441 : vector<16xi32>
      %broadcast_in_dim3A_444 = arith.constant 2 : i32
      %broadcast_in_dim3A_445 = vector.broadcast %broadcast_in_dim3A_444 : i32 to vector<16xi32>
      %gather3A_446 = tpu.vector_load_idx %arg10[%broadcast_in_dim3A_445, %iota3A, %add3A_443] : memref<16x16x128xf32, #tpu.memory_space<vmem>>[vector<16xi32>, vector<16xi32>, vector<16xi32>], vector<16xf32>,
      %swap3A_447 = arith.constant 34 : index
      %swap3A_448 = tpu.vector_load %arg11[%swap3A_447] {strides = array<i32>} : memref<272xf32, #tpu.memory_space<vmem>>, vector<16xf32>,
      tpu.vector_store %arg11[%swap3A_447], %gather3A_446 {strides = array<i32>} : memref<272xf32, #tpu.memory_space<vmem>>, vector<16xf32>,
      %eq3A_449 = arith.constant 3 : i32
      %eq3A_450 = vector.broadcast %eq3A_449 : i32 to vector<16xi32>
      %eq3A_451 = arith.cmpi eq, %iota3A, %eq3A_450 : vector<16xi32>
      %jit3A_452 = arith.constant 0 : i32
      %broadcast_in_dim3A_453 = vector.broadcast %jit3A_452 : i32 to vector<16xi32>
      %select_n3A_454 = arith.select %eq3A_451, %and3A_393, %broadcast_in_dim3A_453 : vector<16xi1>, vector<16xi32>
      %reduce_sum3A_455 = arith.constant true
      %reduce_sum3A_456 = vector.broadcast %reduce_sum3A_455 : i1 to vector<16xi1>
      %reduce_sum3A_457 = tpu.scan <sum>, %select_n3A_454 masked %reduce_sum3A_456 : vector<16xi32>, vector<16xi1> -> vector<16xi32>
      %reduce_sum3A_458 = vector.extract %reduce_sum3A_457[15] : i32 from vector<16xi32>
      %broadcast_in_dim3A_459 = arith.constant 0 : i32
      %broadcast_in_dim3A_460 = vector.broadcast %broadcast_in_dim3A_459 : i32 to vector<16xi32>
      %add3A_461 = vector.broadcast %reduce_sum3A_458 : i32 to vector<16xi32>
      %add3A_462 = arith.addi %add3A_461, %broadcast_in_dim3A_460 : vector<16xi32>
      %broadcast_in_dim3A_463 = arith.constant 3 : i32
      %broadcast_in_dim3A_464 = vector.broadcast %broadcast_in_dim3A_463 : i32 to vector<16xi32>
      %gather3A_465 = tpu.vector_load_idx %arg10[%broadcast_in_dim3A_464, %iota3A, %add3A_462] : memref<16x16x128xf32, #tpu.memory_space<vmem>>[vector<16xi32>, vector<16xi32>, vector<16xi32>], vector<16xf32>,
      %swap3A_466 = arith.constant 51 : index
      %swap3A_467 = tpu.vector_load %arg11[%swap3A_466] {strides = array<i32>} : memref<272xf32, #tpu.memory_space<vmem>>, vector<16xf32>,
      tpu.vector_store %arg11[%swap3A_466], %gather3A_465 {strides = array<i32>} : memref<272xf32, #tpu.memory_space<vmem>>, vector<16xf32>,
      %eq3A_468 = arith.constant 4 : i32
      %eq3A_469 = vector.broadcast %eq3A_468 : i32 to vector<16xi32>
      %eq3A_470 = arith.cmpi eq, %iota3A, %eq3A_469 : vector<16xi32>
      %jit3A_471 = arith.constant 0 : i32
      %broadcast_in_dim3A_472 = vector.broadcast %jit3A_471 : i32 to vector<16xi32>
      %select_n3A_473 = arith.select %eq3A_470, %and3A_393, %broadcast_in_dim3A_472 : vector<16xi1>, vector<16xi32>
      %reduce_sum3A_474 = arith.constant true
      %reduce_sum3A_475 = vector.broadcast %reduce_sum3A_474 : i1 to vector<16xi1>
      %reduce_sum3A_476 = tpu.scan <sum>, %select_n3A_473 masked %reduce_sum3A_475 : vector<16xi32>, vector<16xi1> -> vector<16xi32>
      %reduce_sum3A_477 = vector.extract %reduce_sum3A_476[15] : i32 from vector<16xi32>
      %broadcast_in_dim3A_478 = arith.constant 0 : i32
      %broadcast_in_dim3A_479 = vector.broadcast %broadcast_in_dim3A_478 : i32 to vector<16xi32>
      %add3A_480 = vector.broadcast %reduce_sum3A_477 : i32 to vector<16xi32>
      %add3A_481 = arith.addi %add3A_480, %broadcast_in_dim3A_479 : vector<16xi32>
      %broadcast_in_dim3A_482 = arith.constant 4 : i32
      %broadcast_in_dim3A_483 = vector.broadcast %broadcast_in_dim3A_482 : i32 to vector<16xi32>
      %gather3A_484 = tpu.vector_load_idx %arg10[%broadcast_in_dim3A_483, %iota3A, %add3A_481] : memref<16x16x128xf32, #tpu.memory_space<vmem>>[vector<16xi32>, vector<16xi32>, vector<16xi32>], vector<16xf32>,
      %swap3A_485 = arith.constant 68 : index
      %swap3A_486 = tpu.vector_load %arg11[%swap3A_485] {strides = array<i32>} : memref<272xf32, #tpu.memory_space<vmem>>, vector<16xf32>,
      tpu.vector_store %arg11[%swap3A_485], %gather3A_484 {strides = array<i32>} : memref<272xf32, #tpu.memory_space<vmem>>, vector<16xf32>,
      %eq3A_487 = arith.constant 5 : i32
      %eq3A_488 = vector.broadcast %eq3A_487 : i32 to vector<16xi32>
      %eq3A_489 = arith.cmpi eq, %iota3A, %eq3A_488 : vector<16xi32>
      %jit3A_490 = arith.constant 0 : i32
      %broadcast_in_dim3A_491 = vector.broadcast %jit3A_490 : i32 to vector<16xi32>
      %select_n3A_492 = arith.select %eq3A_489, %and3A_393, %broadcast_in_dim3A_491 : vector<16xi1>, vector<16xi32>
      %reduce_sum3A_493 = arith.constant true
      %reduce_sum3A_494 = vector.broadcast %reduce_sum3A_493 : i1 to vector<16xi1>
      %reduce_sum3A_495 = tpu.scan <sum>, %select_n3A_492 masked %reduce_sum3A_494 : vector<16xi32>, vector<16xi1> -> vector<16xi32>
      %reduce_sum3A_496 = vector.extract %reduce_sum3A_495[15] : i32 from vector<16xi32>
      %broadcast_in_dim3A_497 = arith.constant 0 : i32
      %broadcast_in_dim3A_498 = vector.broadcast %broadcast_in_dim3A_497 : i32 to vector<16xi32>
      %add3A_499 = vector.broadcast %reduce_sum3A_496 : i32 to vector<16xi32>
      %add3A_500 = arith.addi %add3A_499, %broadcast_in_dim3A_498 : vector<16xi32>
      %broadcast_in_dim3A_501 = arith.constant 5 : i32
      %broadcast_in_dim3A_502 = vector.broadcast %broadcast_in_dim3A_501 : i32 to vector<16xi32>
      %gather3A_503 = tpu.vector_load_idx %arg10[%broadcast_in_dim3A_502, %iota3A, %add3A_500] : memref<16x16x128xf32, #tpu.memory_space<vmem>>[vector<16xi32>, vector<16xi32>, vector<16xi32>], vector<16xf32>,
      %swap3A_504 = arith.constant 85 : index
      %swap3A_505 = tpu.vector_load %arg11[%swap3A_504] {strides = array<i32>} : memref<272xf32, #tpu.memory_space<vmem>>, vector<16xf32>,
      tpu.vector_store %arg11[%swap3A_504], %gather3A_503 {strides = array<i32>} : memref<272xf32, #tpu.memory_space<vmem>>, vector<16xf32>,
      %eq3A_506 = arith.constant 6 : i32
      %eq3A_507 = vector.broadcast %eq3A_506 : i32 to vector<16xi32>
      %eq3A_508 = arith.cmpi eq, %iota3A, %eq3A_507 : vector<16xi32>
      %jit3A_509 = arith.constant 0 : i32
      %broadcast_in_dim3A_510 = vector.broadcast %jit3A_509 : i32 to vector<16xi32>
      %select_n3A_511 = arith.select %eq3A_508, %and3A_393, %broadcast_in_dim3A_510 : vector<16xi1>, vector<16xi32>
      %reduce_sum3A_512 = arith.constant true
      %reduce_sum3A_513 = vector.broadcast %reduce_sum3A_512 : i1 to vector<16xi1>
      %reduce_sum3A_514 = tpu.scan <sum>, %select_n3A_511 masked %reduce_sum3A_513 : vector<16xi32>, vector<16xi1> -> vector<16xi32>
      %reduce_sum3A_515 = vector.extract %reduce_sum3A_514[15] : i32 from vector<16xi32>
      %broadcast_in_dim3A_516 = arith.constant 0 : i32
      %broadcast_in_dim3A_517 = vector.broadcast %broadcast_in_dim3A_516 : i32 to vector<16xi32>
      %add3A_518 = vector.broadcast %reduce_sum3A_515 : i32 to vector<16xi32>
      %add3A_519 = arith.addi %add3A_518, %broadcast_in_dim3A_517 : vector<16xi32>
      %broadcast_in_dim3A_520 = arith.constant 6 : i32
      %broadcast_in_dim3A_521 = vector.broadcast %broadcast_in_dim3A_520 : i32 to vector<16xi32>
      %gather3A_522 = tpu.vector_load_idx %arg10[%broadcast_in_dim3A_521, %iota3A, %add3A_519] : memref<16x16x128xf32, #tpu.memory_space<vmem>>[vector<16xi32>, vector<16xi32>, vector<16xi32>], vector<16xf32>,
      %swap3A_523 = arith.constant 102 : index
      %swap3A_524 = tpu.vector_load %arg11[%swap3A_523] {strides = array<i32>} : memref<272xf32, #tpu.memory_space<vmem>>, vector<16xf32>,
      tpu.vector_store %arg11[%swap3A_523], %gather3A_522 {strides = array<i32>} : memref<272xf32, #tpu.memory_space<vmem>>, vector<16xf32>,
      %eq3A_525 = arith.constant 7 : i32
      %eq3A_526 = vector.broadcast %eq3A_525 : i32 to vector<16xi32>
      %eq3A_527 = arith.cmpi eq, %iota3A, %eq3A_526 : vector<16xi32>
      %jit3A_528 = arith.constant 0 : i32
      %broadcast_in_dim3A_529 = vector.broadcast %jit3A_528 : i32 to vector<16xi32>
      %select_n3A_530 = arith.select %eq3A_527, %and3A_393, %broadcast_in_dim3A_529 : vector<16xi1>, vector<16xi32>
      %reduce_sum3A_531 = arith.constant true
      %reduce_sum3A_532 = vector.broadcast %reduce_sum3A_531 : i1 to vector<16xi1>
      %reduce_sum3A_533 = tpu.scan <sum>, %select_n3A_530 masked %reduce_sum3A_532 : vector<16xi32>, vector<16xi1> -> vector<16xi32>
      %reduce_sum3A_534 = vector.extract %reduce_sum3A_533[15] : i32 from vector<16xi32>
      %broadcast_in_dim3A_535 = arith.constant 0 : i32
      %broadcast_in_dim3A_536 = vector.broadcast %broadcast_in_dim3A_535 : i32 to vector<16xi32>
      %add3A_537 = vector.broadcast %reduce_sum3A_534 : i32 to vector<16xi32>
      %add3A_538 = arith.addi %add3A_537, %broadcast_in_dim3A_536 : vector<16xi32>
      %broadcast_in_dim3A_539 = arith.constant 7 : i32
      %broadcast_in_dim3A_540 = vector.broadcast %broadcast_in_dim3A_539 : i32 to vector<16xi32>
      %gather3A_541 = tpu.vector_load_idx %arg10[%broadcast_in_dim3A_540, %iota3A, %add3A_538] : memref<16x16x128xf32, #tpu.memory_space<vmem>>[vector<16xi32>, vector<16xi32>, vector<16xi32>], vector<16xf32>,
      %swap3A_542 = arith.constant 119 : index
      %swap3A_543 = tpu.vector_load %arg11[%swap3A_542] {strides = array<i32>} : memref<272xf32, #tpu.memory_space<vmem>>, vector<16xf32>,
      tpu.vector_store %arg11[%swap3A_542], %gather3A_541 {strides = array<i32>} : memref<272xf32, #tpu.memory_space<vmem>>, vector<16xf32>,
      %mul3A_544 = arith.constant 17 : i32
      %mul3A_545 = vector.broadcast %mul3A_544 : i32 to vector<16xi32>
      %mul3A_546 = arith.muli %iota3A, %mul3A_545 : vector<16xi32>
      %add3A_547 = arith.constant 16 : i32
      %add3A_548 = vector.broadcast %add3A_547 : i32 to vector<16xi32>
      %add3A_549 = arith.addi %mul3A_546, %add3A_548 : vector<16xi32>
      %min3A = arith.constant 135 : i32
      %min3A_550 = vector.broadcast %min3A : i32 to vector<16xi32>
      %min3A_551 = arith.minsi %add3A_549, %min3A_550 : vector<16xi32>
      %add3A_552 = arith.constant 0 : i32
      %add3A_553 = vector.broadcast %add3A_552 : i32 to vector<16xi32>
      %add3A_554 = arith.addi %add3A_553, %min3A_551 : vector<16xi32>
      %lt3A_555 = arith.constant 8 : i32
      %lt3A_556 = vector.broadcast %lt3A_555 : i32 to vector<16xi32>
      %lt3A_557 = arith.cmpi slt, %iota3A, %lt3A_556 : vector<16xi32>
      tpu.vector_store_idx %arg11[%add3A_554], %select_n3A_65 masked %lt3A_557 : memref<272xf32, #tpu.memory_space<vmem>>[vector<16xi32>], vector<16xf32>, vector<16xi1>
      %mul3A_558 = arith.constant 17 : i32
      %mul3A_559 = arith.muli %mul3A_42, %mul3A_558 : i32
      %dma_start3A_560 = arith.constant 0 : i32
      %dma_start3A_561 = tpu.memref_slice %arg11[%dma_start3A_560] : memref<272xf32, #tpu.memory_space<vmem>> -> memref<136xf32, #tpu.memory_space<vmem>>
      %dma_start3A_562 = tpu.memref_slice %arg6[%mul3A_559] : memref<3400xf32, #tpu.memory_space<hbm>> -> memref<136xf32, #tpu.memory_space<hbm>>
      %dma_start3A_563 = tpu.memref_slice %arg6[%mul3A_559] : memref<3400xf32, #tpu.memory_space<hbm>> -> memref<136xf32, #tpu.memory_space<hbm>>
      %dma_start3A_564 = arith.constant 0 : i32
      %dma_start3A_565 = tpu.memref_slice %arg11[%dma_start3A_564] : memref<272xf32, #tpu.memory_space<vmem>> -> memref<136xf32, #tpu.memory_space<vmem>>
      tpu.enqueue_dma source(%dma_start3A_565 : memref<136xf32, #tpu.memory_space<vmem>>) target(%dma_start3A_563 : memref<136xf32, #tpu.memory_space<hbm>>) target_semaphore(%arg12 : memref<!tpu.dma_semaphore, #tpu.memory_space<semaphore_mem>>)
      %dma_wait3A_566 = arith.constant 0 : i32
      %dma_wait3A_567 = tpu.memref_slice %arg11[%dma_wait3A_566] : memref<272xf32, #tpu.memory_space<vmem>> -> memref<136xf32, #tpu.memory_space<vmem>>
      %dma_wait3A_568 = tpu.memref_slice %arg6[%mul3A_559] : memref<3400xf32, #tpu.memory_space<hbm>> -> memref<136xf32, #tpu.memory_space<hbm>>
      %dma_wait3A_569 = tpu.memref_slice %arg6[%mul3A_559] : memref<3400xf32, #tpu.memory_space<hbm>> -> memref<136xf32, #tpu.memory_space<hbm>>
      %dma_wait3A_570 = arith.constant 0 : i32
      %dma_wait3A_571 = tpu.memref_slice %arg11[%dma_wait3A_570] : memref<272xf32, #tpu.memory_space<vmem>> -> memref<136xf32, #tpu.memory_space<vmem>>
      tpu.wait_dma2 semaphore(%arg12 : memref<!tpu.dma_semaphore, #tpu.memory_space<semaphore_mem>>) src(%dma_wait3A_571 : memref<136xf32, #tpu.memory_space<vmem>>) dst(%dma_wait3A_569 : memref<136xf32, #tpu.memory_space<hbm>>)
    } else {
    }
    return
  }
}

</mosaic_0001>

<sc_bundles>
// kernel: kernel.3.cloned.1.call-start
scs
__scs_entry_jumppad:
0x0: {  	(pc) =	sbr.rel $0x88, $3  }
0x1: {  	(tag) =	ssettag $0x0;
	lr =	simm.s32 $0x1  }
0x2: {  	[smem:$0x3F9E] =	sst lr;
	_ =	strace $0xD0000000  }
0x3: {  	_ = 	snop  }
0x4: {  	_ = 	snop  }
0x5: {  	_ = 	snop  }
0x6: {  	_ = 	snop  }
0x7: {  	_ = 	snop  }
__scs_overlays_trampoline_lowered:
0x8: {  	[smem:$0x3FAD] =	sst s0  }
0x9: {  	[smem:$0x3FAE] =	sst s1  }
0xa: {  	[smem:$0x3FAF] =	sst s2  }
0xb: {  	[smem:$0x3FB0] =	sst s3  }
0xc: {  	[smem:$0x3FB1] =	sst s4  }
0xd: {  	[smem:$0x3FB2] =	sst s5  }
0xe: {  	[smem:$0x3FB3] =	sst s6  }
0xf: {  	[smem:$0x3FB4] =	sst s7  }
0x10: {  	[smem:$0x3FB5] =	sst s8  }
0x11: {  	[smem:$0x3FB6] =	sst s9;
	s0 =	simm.s32 @!p0 $0x0  }
0x12: {  	s1 =	sld [smem:$0x3F9C];
	s0 =	simm.s32 @p0 $0x1  }
0x13: {  	[smem:$0x3FB7] =	sst s0;
	s0 =	simm.s32 @!p1 $0x0  }
0x14: {  	s2 =	sld [smem:$0x3F9B];
	s0 =	simm.s32 @p1 $0x1  }
0x15: {  	[smem:$0x3FB8] =	sst s0;
	s0 =	simm.s32 @!p2 $0x0  }
0x16: {  	s3 =	sld [smem:$0x3FDB];
	s0 =	simm.s32 @p2 $0x1  }
0x17: {  	s4 =	simm.s32 $0x1BF5;
	[smem:$0x3FBA] =	sst s0  }
0x18: {  	s0 =	sld [smem:$0x3F9D];
	_ =	swait.ge [sflag:s4], $0x0  }
0x19: {  	s7 =	sld [smem:$0x3F9E]  }
0x1a: {  	s8 =	sadd.s32 $0xFFFFE003, lr  }
0x1b: {  	s9 =	sadd.s32 $0xFFFFFEF7, lr;
	s5 =	simm.s32 $0xFFFFFFFF;
	p2 =	slt.u32 s8, $0xFFFFF086  }
0x1c: {  	p1 =	slt.u32 s9, $0xF7A;
	s5 =	simm.s32 @!p2 $0x0  }
0x1d: {  	s5 =	simm.s32 @p1 $0x1;
	p0 =	seq.s32 s7, s2  }
0x1e: {  	s7 =	smul.u32 @!p0 $0xF7A, s2;
	p2 =	seq.s32 @!p0 s5, $0x0  }
0x1f: {  	s9 =	smul.u32 $0xF7A, s1;
	s8 =	simm.s32 @!p0 $0x1BF5;
	p2 =	por !p2, p0  }
0x20: {  	[sflag:s8] =	ssyncset.s32 @!p0 $0xFFFFF086;
	s6 =	sadd.s32 @!p0 s3, s7;
	s7 =	simm.s32 @!p0 $0x108  }
0x21: {  	s3 =	sadd.s32 s3, s9;
	s6 =	sadd.s32 @!p0 $0x88, s6;
	s7 =	simm.s32 @p2 $0x1082  }
0x22: {  	[simem:s7], [sflag:s8] =	dma.local @!p0 [hbm:s6], $0xF7A  }
0x23: {  	s9 =	sor.u32 $0xD0000000, s2;
	s6 =	simm.s32 $0x108;
	_ =	swait.ge @!p0 [sflag:s8], $0x0  }
0x24: {  	s3 =	sadd.s32 $0x88, s3;
	s6 =	simm.s32 @!p1 $0x1082;
	[sflag:s4] =	ssyncset.s32 $0xFFFFF086  }
0x25: {  	[simem:s6], [sflag:s4] =	dma.local [hbm:s3], $0xF7A  }
0x26: {  	[smem:$0x3F9E] =	sst s1;
	(tag) =	ssettag s2;
	_ =	strace s9  }
0x27: {  	s1 =	sld [smem:$0x3FAE]  }
0x28: {  	s2 =	sld [smem:$0x3FAF]  }
0x29: {  	s4 =	sld [smem:$0x3FB1]  }
0x2a: {  	p0 =	seq.s32 s5, $0x0;
	s5 =	sld [smem:$0x3FB2]  }
0x2b: {  	s6 =	sld [smem:$0x3FB3]  }
0x2c: {  	s7 =	sld [smem:$0x3FB4]  }
0x2d: {  	s3 =	simm.s32 $0x108;
	s8 =	sld [smem:$0x3FB5]  }
0x2e: {  	s3 =	simm.s32 @!p0 $0x1082;
	s9 =	sld [smem:$0x3FB6]  }
0x2f: {  	lr =	sadd.s32 s0, s3;
	s0 =	sld [smem:$0x3FAD]  }
0x30: {  	s3 =	sld [smem:$0x3FB0]  }
0x31: {  	[smem:$0x3FB9] =	sst s10  }
0x32: {  	s10 =	sld [smem:$0x3FB7];
	_ =	sdelay $0x3  }
0x33: {  	p0 =	seq.s32 s10, $0x1;
	s10 =	sld [smem:$0x3FB9];
	_ =	sdelay $0x3  }
0x34: {  	[smem:$0x3FB9] =	sst s10  }
0x35: {  	s10 =	sld [smem:$0x3FB8];
	_ =	sdelay $0x3  }
0x36: {  	p1 =	seq.s32 s10, $0x1;
	s10 =	sld [smem:$0x3FB9];
	_ =	sdelay $0x3  }
0x37: {  	[smem:$0x3FB9] =	sst s10  }
0x38: {  	s10 =	sld [smem:$0x3FBA]  }
0x39: {  	_ = 	snop;
	(pc) =	sbr.ind lr, $3  }
0x3a: {  	_ = 	snop  }
0x3b: {  	_ = 	snop  }
0x3c: {  	p2 =	seq.s32 s10, $0x1;
	s10 =	sld [smem:$0x3FB9]  }
0x3d: {  	_ =	shalt  }
0x3e: {  	_ =	shalt  }
0x3f: {  	_ =	shalt  }
0x40: {  	_ =	shalt  }
0x41: {  	_ =	shalt  }
0x42: {  	_ =	shalt  }
0x43: {  	_ =	shalt  }
0x44: {  	_ =	shalt  }
0x45: {  	_ =	shalt  }
0x46: {  	_ =	shalt  }
0x47: {  	_ =	shalt  }
0x48: {  	_ =	shalt  }
0x49: {  	_ =	shalt  }
0x4a: {  	_ =	shalt  }
0x4b: {  	_ =	shalt  }
0x4c: {  	_ =	shalt  }
0x4d: {  	_ =	shalt  }
0x4e: {  	_ =	shalt  }
0x4f: {  	_ =	shalt  }
0x50: {  	_ =	shalt  }
0x51: {  	_ =	shalt  }
0x52: {  	_ =	shalt  }
0x53: {  	_ =	shalt  }
0x54: {  	_ =	shalt  }
0x55: {  	_ =	shalt  }
0x56: {  	_ =	shalt  }
0x57: {  	_ =	shalt  }
0x58: {  	_ =	shalt  }
0x59: {  	_ =	shalt  }
0x5a: {  	_ =	shalt  }
0x5b: {  	_ =	shalt  }
0x5c: {  	_ =	shalt  }
0x5d: {  	_ =	shalt  }
0x5e: {  	_ =	shalt  }
0x5f: {  	_ =	shalt  }
0x60: {  	_ =	shalt  }
0x61: {  	_ =	shalt  }
0x62: {  	_ =	shalt  }
0x63: {  	_ =	shalt  }
0x64: {  	_ =	shalt  }
0x65: {  	_ =	shalt  }
0x66: {  	_ =	shalt  }
0x67: {  	_ =	shalt  }
0x68: {  	_ =	shalt  }
0x69: {  	_ =	shalt  }
0x6a: {  	_ =	shalt  }
0x6b: {  	_ =	shalt  }
0x6c: {  	_ =	shalt  }
0x6d: {  	_ =	shalt  }
0x6e: {  	_ =	shalt  }
0x6f: {  	_ =	shalt  }
0x70: {  	_ =	shalt  }
0x71: {  	_ =	shalt  }
0x72: {  	_ =	shalt  }
0x73: {  	_ =	shalt  }
0x74: {  	_ =	shalt  }
0x75: {  	_ =	shalt  }
0x76: {  	_ =	shalt  }
0x77: {  	_ =	shalt  }
0x78: {  	_ =	shalt  }
0x79: {  	_ =	shalt  }
0x7a: {  	_ =	shalt  }
0x7b: {  	_ =	shalt  }
0x7c: {  	_ =	shalt  }
0x7d: {  	_ =	shalt  }
0x7e: {  	_ =	shalt  }
0x7f: {  	_ =	shalt  }
0x80: {  	_ =	shalt  }
0x81: {  	_ =	shalt  }
0x82: {  	_ =	shalt  }
0x83: {  	_ =	shalt  }
0x84: {  	_ =	shalt  }
0x85: {  	_ =	shalt  }
0x86: {  	_ =	shalt  }
0x87: {  	_ =	shalt  }
.Lfunc_end0:
.L_simem_size_0:
called_computation_lowered:
.L_overlay_start_0:
0x88: {  	s0 =	sld [smem:$0x3FD9]  }
0x89: {  	s1 =	sld [smem:$0x3FFE];
	_ =	sdelay $0x3  }
0x8a: {  	s0 =	sadd.s32 s1, s0  }
0x8b: {  	[smem:$0x3FC5] =	sst s0  }
0x8c: {  	_ = 	snop  }
0x8d: {  	s0 =	sld [smem:$0x3FC8]  }
0x8e: {  	s16 =	sld [smem:$0x3FC7]  }
0x8f: {  	s2 =	sld [smem:$0x3FD0];
	(tm) =	ssettm $0x1  }
0x90: {  	s3 =	sld [smem:$0x3FFB];
	_ =	sdelay $0x3  }
0x91: {  	_ =	strace s3  }
0x92: {  	s3 =	sld [smem:$0x3FFC];
	_ =	sdelay $0x3  }
0x93: {  	_ =	strace s3  }
0x94: {  	s3 =	sld [smem:$0x3FFD];
	_ =	sdelay $0x3  }
0x95: {  	_ =	strace s3  }
0x96: {  	_ =	strace $0x8FFFFFFF  }
0x97: {  	s17 =	sld [smem:$0x3FDB];
	_ =	sdelay $0x1  }
0x98: {  	s4 =	simm.s32 $_scs_section_size  }
0x99: {  	s5 =	simm.s32 $_size__tile_overlayer_lowered;
	s6 =	simm.s32 $_tile_overlayer_lowered  }
0x9a: {  	s20 =	simm.s32 $0x1BFF;
	s19 =	sshll.u32 s6, $0x1;
	s3 =	sadd.s32 s4, s17  }
0x9b: {  	s7 =	simm.s32 $0x0;
	s18 =	sshll.u32 s5, $0x1;
	s5 =	sadd.s32 s19, s3  }
0x9c: {  	[timem:s7], [sflag:s20] =	dma.local [hbm:s5], s18  }
0x9d: {  	_ =	swait.ge [sflag:s20], s18  }
0x9e: {  	s4 =	ssub.s32 $0x0, s18;
	[sflag:s20] =	ssyncset.done $0x0  }
0x9f: {  	[sflag:s20] =	ssyncadd.s32 s4;
	_ =	sdelay $0x1  }
0xa0: {  	s21 =	simm.s32 $0x1B8B  }
0xa1: {  	_ =	swait.ge [sflag:s21], $0x1  }
0xa2: {  	[sflag:s21] =	ssyncset.done $0x0  }
0xa3: {  	s23 =	simm.s32 $0x1B8E;
	s22 =	sld [smem:$0x3FFE];
	[sflag:s21] =	ssyncadd.s32 $0xFFFFFFFF  }
0xa4: {  	s24 =	simm.s32 $execute0_lowered;
	[smem:$0x3FD2] =	sst s23  }
0xa5: {  	s5 =	sshll.u32 s24, $0x1;
	_ =	strace $0x80000046;
	[dreg:$0x1] =	wrdreg $0xFFFFFFFF  }
0xa6: {  	s25 =	simm.s32 $_size_execute0_lowered;
	s3 =	sadd.s32 s3, s5;
	[dreg:$0x0] =	wrdreg $0x0  }
0xa7: {  	s5 =	sshll.u32 s25, $0x1;
	[dreg:$0x2] =	wrdreg s3  }
0xa8: {  	[dreg:$0x3] =	wrdreg s5  }
0xa9: {  	[dreg:$0x4] =	wrdreg $0xC0  }
0xaa: {  	_ =	task [dreg:s7], $0x5FFFF  }
0xab: {  	[dreg:$0x1] =	wrdreg $0xFFFFFFFF  }
0xac: {  	[dreg:$0x0] =	wrdreg $0x60  }
0xad: {  	[dreg:$0x2] =	wrdreg s22  }
0xae: {  	[dreg:$0x3] =	wrdreg s0  }
0xaf: {  	[dreg:$0x4] =	wrdreg s16  }
0xb0: {  	[dreg:$0x5] =	wrdreg s2  }
0xb1: {  	[dreg:$0x6] =	wrdreg $0x9  }
0xb2: {  	_ =	task.clear_ibuf [dreg:s7], $0x7FFFF;
	_ =	strace $0x90000046  }
0xb3: {  	s26 =	simm.s32 $0x9;
	_ =	strace $0x80000048  }
0xb4: {  	_ =	swait.ge [sflag:s26], $0x1  }
0xb5: {  	[sflag:s26] =	ssyncadd.s32 $0xFFFFFFFF  }
0xb6: {  	_ =	strace $0x90000048  }
0xb7: {  	_ =	sfence  }
0xb8: {  	s28 =	sld [smem:$0x0];
	_ =	sdelay $0x1  }
0xb9: {  	s29 =	srdreg.scid  }
0xba: {  	s30 =	sshll.u32 s29, $0xD;
	s31 =	sshrl.u32 s29, $0x2  }
0xbb: {  	s1 =	sand.u32 $0x1, s29;
	s2 =	sand.u32 $0x4000, s30;
	s0 =	sadd.s32 s31, s28  }
0xbc: {  	s1 =	sor.u32 s2, s1;
	s0 =	sshll.u32 s0, $0x11  }
0xbd: {  	s0 =	sor.u32 s0, s1  }
0xbe: {  	s0 =	sadd.s32 $0x8F2B, s0  }
0xbf: {  	[sflag:s0] =	ssyncadd.remote.s32 $0x1  }
0xc0: {  	_ =	sfence.sel $0xFFFF  }
0xc1: {  	[dreg:$0x0] =	wrdreg $0xFFFFFFFF;
	(pc) =	sbr.abs _section_cstart, $3  }
0xc2: {  	[dreg:$0x1] =	wrdreg $0xFFFFFFFF  }
0xc3: {  	_ =	task.clear_ibuf [dreg:s7], $0x2FFFF;
	_ =	strace $0x9FFFFFFF  }
0xc4: {  	(tm) =	ssettm $0x7FFFFFFF  }
0xc5: {  	_ =	shalt  }
tec
execute0_lowered:
.L_overlay_start_1:
0x0: {  	(tag) =	ssettag $0x1  }
0x1: {  	s3 =	rddreg [dreg:$0x0]  }
0x2: {  	s6 =	rddreg [dreg:$0x1]  }
0x3: {  	s4 =	rddreg [dreg:$0x2]  }
0x4: {  	s2 =	rddreg [dreg:$0x3];
	s1 =	simm.s32 $0x0  }
0x5: {  	[smem:$0x7FF] =	sst s1  }
0x6: {  	s0 =	rddreg [dreg:$0x4];
	s5 =	sadd.s32 $0x800, s3;
	_ =	strace $0x80000047  }
0x7: {  	[tilespmem:s1], [sflag:$0x3] =	stream.linear.gather [hbm4b:s5+s1], $0xBE, $0x38;
	[tilespmem:$0x8400] =	vst v63  }
0x8: {  	s29 =	simm.s32 $0x100;
	s3 =	sadd.s32 $0x600, s3  }
0x9: {  	[tilespmem:s29], [sflag:$0x3] =	stream.linear.gather [hbm4b:s3+s1], $0xBE, $0x38;
	[tilespmem:$0x8400] =	vst v63  }
0xa: {  	s30 =	simm.s32 $0x200;
	s31 =	simm.s32 $0x3  }
0xb: {  	[tilespmem:s30], [sflag:$0x3] =	stream.linear.gather [hbm4b:s4+s1], $0x1, $0x38;
	[tilespmem:$0x8400] =	vst v63  }
0xc: {  	_ =	swait.ge [sflag:s31], $0xBE  }
0xd: {  	[sflag:s31] =	ssyncset.done $0x0  }
0xe: {  	s3 =	stileid.u32;
	[sflag:s31] =	ssyncadd.s32 $0xFFFFFF42  }
0xf: {  	p0 =	sgt.u32 s3, $0x8;
	_ =	swait.ge [sflag:s31], $0xBE  }
.Ltmp0:
0x10: {  	[sflag:s31] =	ssyncset.done $0x0;
	(pc) =	sbr.rel @p0 .LBB2_2-.Ltmp0, $4  }
0x11: {  	[sflag:s31] =	ssyncadd.s32 $0xFFFFFF42  }
0x12: {  	_ =	swait.ge [sflag:s31], $0x1  }
0x13: {  	[sflag:s31] =	ssyncset.done $0x0  }
0x14: {  	[sflag:s31] =	ssyncadd.s32 $0xFFFFFFFF  }
0x15: {  	s5 =	sshll.u32 s3, $0x3  }
0x16: {  	v0 =	vld [tilespmem:s5+$0x0];
	_ =	sdelay $0x4  }
0x17: {  	v0 =	vtrunc.f32 v0  }
0x18: {  	v4 =	vcvt.f32.s32 v0  }
0x19: {  	vm6 =	vmmov $0x1  }
0x1a: {  	v0 =	vnsel vm6, $0x0, v4  }
0x1b: {  	vm8 =	vcmask $0x308;
	(xrf0) =	vadd.scan.msk.s32 $0xffff, v0  }
0x1c: {  	v19 =	vsel vm8, $0x0, v4  }
0x1d: {  	(xrf0) =	vadd.scan.msk.s32 $0xffff, v19;
	_ =	sdelay $0x2  }
0x1e: {  	vm7 =	vcmask $0x70C  }
0x1f: {  	v21 =	vsel vm7, $0x0, v4;
	v20, _, _ =	vpop (xrf0)  }
0x20: {  	vm4 =	vcmask $0xB10;
	(xrf0) =	vadd.scan.msk.s32 $0xffff, v21;
	(v2sf) =	vpush v20, $0xF  }
0x21: {  	v23 =	vsel vm4, $0x0, v4;
	v22, _, _ =	vpop (xrf0)  }
0x22: {  	(xrf0) =	vadd.scan.msk.s32 $0xffff, v23;
	(v2sf) =	vpush v22, $0xF;
	_ =	sdelay $0x3  }
0x23: {  	vm2 =	vcmask $0xF14;
	v24, _, _ =	vpop (xrf0)  }
0x24: {  	v25 =	vsel vm2, $0x0, v4;
	(v2sf) =	vpush v24, $0xF  }
0x25: {  	vm1 =	vcmask $0x1318;
	(xrf0) =	vadd.scan.msk.s32 $0xffff, v25;
	v26, _, _ =	vpop (xrf0)  }
0x26: {  	v27 =	vsel vm1, $0x0, v4;
	(v2sf) =	vpush v26, $0xF  }
0x27: {  	(xrf0) =	vadd.scan.msk.s32 $0xffff, v27  }
0x28: {  	s4 =	sor.u32 $0x10, s3  }
0x29: {  	s9 =	sshll.u32 s4, $0x3  }
0x2a: {  	vm3 =	vcmask $0x171C;
	v2 =	vld [tilespmem:s9+$0x0]  }
0x2b: {  	v5 =	vsel vm3, $0x0, v4;
	v28, _, _ =	vpop (xrf0)  }
0x2c: {  	vm5 =	vcmask $0x1B20;
	(xrf0) =	vadd.scan.msk.s32 $0xffff, v5;
	s7 =	spop (v2sf);
	(v2sf) =	vpush v28, $0xF  }
0x2d: {  	v29 =	vlaneseq.u32;
	v30 =	vsel vm5, $0x0, v4;
	v7, _, _ =	vpop (xrf0)  }
0x2e: {  	v6 =	vmul.u32 $0xFFFFFFFF, v29;
	(xrf0) =	vadd.scan.msk.s32 $0xffff, v30;
	s14 =	spop (v2sf);
	(v2sf) =	vpush v7, $0xF  }
0x2f: {  	v2 =	vtrunc.f32 v2  }
0x30: {  	v8 =	vmov s9;
	v6 =	vadd.s32 $0xBE, v6;
	v2 =	vcvt.f32.s32 v2  }
0x31: {  	s8 =	simm.s32 $0x7A1400;
	vm0 =	vlt.u32 v8, v6  }
0x32: {  	v1 =	vld [tilespmem:s5+$0x100];
	s5 =	simm.s32 $0x280;
	v2 =	vnsel vm0, $0xF4240, v2;
	s7 =	sand.u32 $0xFFFFF80, s7;
	v31, _, _ =	vpop (xrf0)  }
0x33: {  	v3 =	vld [tilespmem:$0x200];
	v32 =	vnsel vm6, $0x0, v2;
	s10 =	sadd.s32 s6, s7;
	s7 =	simm.s32 $0x400;
	s17 =	spop (v2sf);
	(v2sf) =	vpush v31, $0xF  }
0x34: {  	(xrf0) =	vadd.scan.msk.s32 $0xffff, v32;
	v0 =	vld [tilespmem:s9+$0x100];
	[tilespmem:s5], [sflag:$0x1] =	stream.strided.gather [hbm4b:s10+s7], $0x800, s8, s7, $0x38;
	v33, _, _ =	vpop (xrf0)  }
0x35: {  	v34 =	vsel vm8, $0x0, v2;
	s10 =	sand.u32 $0xFFFFF80, s14;
	s19 =	spop (v2sf);
	(v2sf) =	vpush v33, $0xF  }
0x36: {  	s16 =	simm.s32 $0xA80;
	(xrf0) =	vadd.scan.msk.s32 $0xffff, v34;
	s15 =	sadd.s32 s6, s10  }
0x37: {  	[tilespmem:s16], [sflag:$0x1] =	stream.strided.gather [hbm4b:s15+s7], $0x800, s8, s7, $0x38;
	[tilespmem:$0x8400] =	vst v63  }
0x38: {  	s9 =	sand.u32 $0xFFFFF80, s17  }
0x39: {  	s18 =	simm.s32 $0x1280;
	s9 =	sadd.s32 s6, s9  }
0x3a: {  	v36 =	vsel vm7, $0x0, v2;
	v35, _, _ =	vpop (xrf0);
	[tilespmem:s18], [sflag:$0x1] =	stream.strided.gather [hbm4b:s9+s7], $0x800, s8, s7, $0x38;
	[tilespmem:$0x8400] =	vst v63  }
0x3b: {  	(xrf0) =	vadd.scan.msk.s32 $0xffff, v36;
	s21 =	spop (v2sf);
	(v2sf) =	vpush v35, $0xF  }
0x3c: {  	v38 =	vsel vm4, $0x0, v2;
	s9 =	sand.u32 $0xFFFFF80, s19;
	v37, _, _ =	vpop (xrf0)  }
0x3d: {  	s20 =	simm.s32 $0x1A80;
	(xrf0) =	vadd.scan.msk.s32 $0xffff, v38;
	s9 =	sadd.s32 s6, s9;
	s23 =	spop (v2sf);
	(v2sf) =	vpush v37, $0xF  }
0x3e: {  	[tilespmem:s20], [sflag:$0x1] =	stream.strided.gather [hbm4b:s9+s7], $0x800, s8, s7, $0x38;
	[tilespmem:$0x8400] =	vst v63  }
0x3f: {  	s9 =	sand.u32 $0xFFFFF80, s21  }
0x40: {  	s22 =	simm.s32 $0x2280;
	s9 =	sadd.s32 s6, s9  }
0x41: {  	v39, _, _ =	vpop (xrf0);
	[tilespmem:s22], [sflag:$0x1] =	stream.strided.gather [hbm4b:s9+s7], $0x800, s8, s7, $0x38;
	[tilespmem:$0x8400] =	vst v63  }
0x42: {  	v40 =	vsel vm2, $0x0, v2;
	s25 =	spop (v2sf);
	(v2sf) =	vpush v39, $0xF  }
0x43: {  	v42 =	vsel vm1, $0x0, v2;
	(xrf0) =	vadd.scan.msk.s32 $0xffff, v40;
	v41, _, _ =	vpop (xrf0);
	s9 =	sand.u32 $0xFFFFF80, s23  }
0x44: {  	s24 =	simm.s32 $0x2A80;
	(xrf0) =	vadd.scan.msk.s32 $0xffff, v42;
	s9 =	sadd.s32 s6, s9;
	s28 =	spop (v2sf);
	(v2sf) =	vpush v41, $0xF  }
0x45: {  	[tilespmem:s24], [sflag:$0x1] =	stream.strided.gather [hbm4b:s9+s7], $0x800, s8, s7, $0x38;
	[tilespmem:$0x8400] =	vst v63  }
0x46: {  	s9 =	sand.u32 $0xFFFFF80, s25  }
0x47: {  	s26 =	simm.s32 $0x3280;
	s9 =	sadd.s32 s6, s9  }
0x48: {  	[tilespmem:s26], [sflag:$0x1] =	stream.strided.gather [hbm4b:s9+s7], $0x800, s8, s7, $0x38;
	[tilespmem:$0x8400] =	vst v63  }
0x49: {  	v44 =	vsel vm3, $0x0, v2;
	v43, _, _ =	vpop (xrf0);
	s9 =	sand.u32 $0xFFFFF80, s28  }
0x4a: {  	s29 =	simm.s32 $0x3A80;
	(xrf0) =	vadd.scan.msk.s32 $0xffff, v44;
	s9 =	sadd.s32 s6, s9;
	s30 =	spop (v2sf);
	(v2sf) =	vpush v43, $0xF  }
0x4b: {  	v46 =	vsel vm5, $0x0, v2;
	v45, _, _ =	vpop (xrf0);
	[tilespmem:s29], [sflag:$0x1] =	stream.strided.gather [hbm4b:s9+s7], $0x800, s8, s7, $0x38;
	[tilespmem:$0x8400] =	vst v63  }
0x4c: {  	(xrf0) =	vadd.scan.msk.s32 $0xffff, v46;
	s11 =	spop (v2sf);
	(v2sf) =	vpush v45, $0xF  }
0x4d: {  	s9 =	sand.u32 $0xFFFFF80, s30  }
0x4e: {  	s31 =	simm.s32 $0x4280;
	s9 =	sadd.s32 s6, s9  }
0x4f: {  	[tilespmem:s31], [sflag:$0x2] =	stream.strided.gather [hbm4b:s9+s7], $0x800, s8, s7, $0x38;
	[tilespmem:$0x8400] =	vst v63  }
0x50: {  	v47, _, _ =	vpop (xrf0);
	s9 =	sand.u32 $0xFFFFF80, s11  }
0x51: {  	s12 =	simm.s32 $0x4A80;
	s9 =	sadd.s32 s6, s9;
	s13 =	spop (v2sf);
	(v2sf) =	vpush v47, $0xF  }
0x52: {  	v48, _, _ =	vpop (xrf0);
	[tilespmem:s12], [sflag:$0x2] =	stream.strided.gather [hbm4b:s9+s7], $0x800, s8, s7, $0x38;
	[tilespmem:$0x8400] =	vst v63  }
0x53: {  	s9 =	sand.u32 $0xFFFFF80, s13;
	s15 =	spop (v2sf);
	(v2sf) =	vpush v48, $0xF  }
0x54: {  	s14 =	simm.s32 $0x5280;
	s9 =	sadd.s32 s6, s9  }
0x55: {  	[tilespmem:s14], [sflag:$0x2] =	stream.strided.gather [hbm4b:s9+s7], $0x800, s8, s7, $0x38;
	[tilespmem:$0x8400] =	vst v63  }
0x56: {  	s9 =	sand.u32 $0xFFFFF80, s15  }
0x57: {  	s16 =	simm.s32 $0x5A80;
	s9 =	sadd.s32 s6, s9  }
0x58: {  	[tilespmem:s16], [sflag:$0x2] =	stream.strided.gather [hbm4b:s9+s7], $0x800, s8, s7, $0x38;
	[tilespmem:$0x8400] =	vst v63  }
0x59: {  	s17 =	spop (v2sf)  }
0x5a: {  	v3 =	vnsel vm6, $0x0, v3;
	s9 =	sand.u32 $0xFFFFF80, s17  }
0x5b: {  	(xrf2) =	vadd.scan.msk.f32 $0xffff, v3;
	s18 =	simm.s32 $0x6280;
	s19 =	spop (v2sf);
	s9 =	sadd.s32 s6, s9  }
0x5c: {  	[tilespmem:s18], [sflag:$0x2] =	stream.strided.gather [hbm4b:s9+s7], $0x800, s8, s7, $0x38;
	[tilespmem:$0x8400] =	vst v63  }
0x5d: {  	s9 =	sand.u32 $0xFFFFF80, s19  }
0x5e: {  	s20 =	simm.s32 $0x6A80;
	s9 =	sadd.s32 s6, s9  }
0x5f: {  	[tilespmem:s20], [sflag:$0x2] =	stream.strided.gather [hbm4b:s9+s7], $0x800, s8, s7, $0x38;
	[tilespmem:$0x8400] =	vst v63  }
0x60: {  	s21 =	spop (v2sf)  }
0x61: {  	s9 =	sand.u32 $0xFFFFF80, s21  }
0x62: {  	s22 =	simm.s32 $0x7280;
	s23 =	spop (v2sf);
	s9 =	sadd.s32 s6, s9  }
0x63: {  	[tilespmem:s22], [sflag:$0x2] =	stream.strided.gather [hbm4b:s9+s7], $0x800, s8, s7, $0x38;
	[tilespmem:$0x8400] =	vst v63  }
0x64: {  	s9 =	sand.u32 $0xFFFFF80, s23  }
0x65: {  	s25 =	simm.s32 $0x7A80;
	s26 =	simm.s32 $0x1;
	s24 =	sadd.s32 s6, s9  }
0x66: {  	v3, _, _ =	vpop (xrf2);
	[tilespmem:s25], [sflag:$0x2] =	stream.strided.gather [hbm4b:s24+s7], $0x800, s8, s7, $0x38;
	[tilespmem:$0x8400] =	vst v63  }
0x67: {  	_ =	swait.ge [sflag:s26], $0x800  }
0x68: {  	[sflag:s26] =	ssyncset.done $0x0  }
0x69: {  	[sflag:s26] =	ssyncadd.s32 $0xFFFFF800  }
0x6a: {  	_ =	swait.ge [sflag:s26], $0x800  }
0x6b: {  	[sflag:s26] =	ssyncset.done $0x0  }
0x6c: {  	[sflag:s26] =	ssyncadd.s32 $0xFFFFF800  }
0x6d: {  	_ =	swait.ge [sflag:s26], $0x800  }
0x6e: {  	[sflag:s26] =	ssyncset.done $0x0  }
0x6f: {  	[sflag:s26] =	ssyncadd.s32 $0xFFFFF800  }
0x70: {  	_ =	swait.ge [sflag:s26], $0x800  }
0x71: {  	[sflag:s26] =	ssyncset.done $0x0  }
0x72: {  	[sflag:s26] =	ssyncadd.s32 $0xFFFFF800  }
0x73: {  	_ =	swait.ge [sflag:s26], $0x800  }
0x74: {  	[sflag:s26] =	ssyncset.done $0x0  }
0x75: {  	[sflag:s26] =	ssyncadd.s32 $0xFFFFF800  }
0x76: {  	_ =	swait.ge [sflag:s26], $0x800  }
0x77: {  	[sflag:s26] =	ssyncset.done $0x0  }
0x78: {  	[sflag:s26] =	ssyncadd.s32 $0xFFFFF800  }
0x79: {  	_ =	swait.ge [sflag:s26], $0x800  }
0x7a: {  	[sflag:s26] =	ssyncset.done $0x0  }
0x7b: {  	v49 =	vand.u32 $0x7F, v4;
	[sflag:s26] =	ssyncadd.s32 $0xFFFFF800  }
0x7c: {  	v4 =	vnsel vm6, $0x0, v49;
	_ =	swait.ge [sflag:s26], $0x800  }
0x7d: {  	(xrf0) =	vadd.scan.msk.s32 $0xffff, v4;
	_ =	sdelay $0x4  }
0x7e: {  	v50 =	vsel vm8, $0x0, v49  }
0x7f: {  	v51, _, _ =	vpop (xrf0);
	(xrf0) =	vadd.scan.msk.s32 $0xffff, v50  }
0x80: {  	v4 =	vmul.u32 $0x80, v29;
	v7 =	vbroadcast v51, $0xF;
	_ =	sdelay $0x1  }
0x81: {  	v5 =	vadd.s32 v4, v7;
	_ =	sdelay $0x1  }
0x82: {  	v52 =	vsel vm7, $0x0, v49  }
0x83: {  	[sflag:s26] =	ssyncset.done $0x0;
	v53, _, _ =	vpop (xrf0);
	(xrf0) =	vadd.scan.msk.s32 $0xffff, v52  }
0x84: {  	[sflag:s26] =	ssyncadd.s32 $0xFFFFF800;
	v54 =	vbroadcast v53, $0xF  }
0x85: {  	v55 =	vor.u32 $0x800, v4;
	v5 =	vld.idx.msk [tilespmem:v5+s5+$0x0], $0xffff  }
0x86: {  	v7 =	vadd.s32 v55, v54;
	_ =	sdelay $0x1  }
0x87: {  	v56 =	vsel vm4, $0x0, v49  }
0x88: {  	v9, _, _ =	vpop (xrf0);
	(xrf0) =	vadd.scan.msk.s32 $0xffff, v56  }
0x89: {  	[tilespmem:$0x8280] =	vst v5;
	v57 =	vbroadcast v9, $0xF  }
0x8a: {  	v58 =	vor.u32 $0x1000, v4;
	v7 =	vld.idx.msk [tilespmem:v7+s5+$0x0], $0xffff  }
0x8b: {  	v5 =	vadd.s32 v58, v57;
	_ =	sdelay $0x1  }
0x8c: {  	v59 =	vsel vm2, $0x0, v49  }
0x8d: {  	v60, _, _ =	vpop (xrf0);
	(xrf0) =	vadd.scan.msk.s32 $0xffff, v59  }
0x8e: {  	[tilespmem:$0x8291] =	vst v7;
	v61 =	vbroadcast v60, $0xF  }
0x8f: {  	v62 =	vor.u32 $0x1800, v4;
	v5 =	vld.idx.msk [tilespmem:v5+s5+$0x0], $0xffff  }
0x90: {  	v7 =	vadd.s32 v62, v61;
	_ =	sdelay $0x1  }
0x91: {  	v63 =	vsel vm1, $0x0, v49  }
0x92: {  	v12, _, _ =	vpop (xrf0);
	(xrf0) =	vadd.scan.msk.s32 $0xffff, v63  }
0x93: {  	[tilespmem:$0x82A2] =	vst v5;
	v13 =	vbroadcast v12, $0xF  }
0x94: {  	v14 =	vor.u32 $0x2000, v4;
	v7 =	vld.idx.msk [tilespmem:v7+s5+$0x0], $0xffff  }
0x95: {  	v5 =	vadd.s32 v14, v13;
	_ =	sdelay $0x1  }
0x96: {  	v15 =	vsel vm3, $0x0, v49  }
0x97: {  	v16, _, _ =	vpop (xrf0);
	(xrf0) =	vadd.scan.msk.s32 $0xffff, v15  }
0x98: {  	[tilespmem:$0x82B3] =	vst v7;
	v17 =	vbroadcast v16, $0xF  }
0x99: {  	v18 =	vor.u32 $0x2800, v4;
	v5 =	vld.idx.msk [tilespmem:v5+s5+$0x0], $0xffff  }
0x9a: {  	v7 =	vadd.s32 v18, v17;
	_ =	sdelay $0x1  }
0x9b: {  	v6 =	vsel vm5, $0x0, v49  }
0x9c: {  	v19, _, _ =	vpop (xrf0);
	(xrf0) =	vadd.scan.msk.s32 $0xffff, v6  }
0x9d: {  	[tilespmem:$0x82C4] =	vst v5;
	v20 =	vbroadcast v19, $0xF  }
0x9e: {  	v22 =	vor.u32 $0x3000, v4;
	v21 =	vld.idx.msk [tilespmem:v7+s5+$0x0], $0xffff  }
0x9f: {  	v5 =	vadd.s32 v22, v20;
	_ =	sdelay $0x2  }
0xa0: {  	v23, _, _ =	vpop (xrf0)  }
0xa1: {  	[tilespmem:$0x82D5] =	vst v21;
	v24 =	vbroadcast v23, $0xF  }
0xa2: {  	v25 =	vor.u32 $0x3800, v4;
	v5 =	vld.idx.msk [tilespmem:v5+s5+$0x0], $0xffff  }
0xa3: {  	v6 =	vadd.s32 v25, v24;
	_ =	sdelay $0x1  }
0xa4: {  	v27 =	vimm.s32 $0x87766554;
	v26 =	vimm.s32 $0x43322110  }
0xa5: {  	v8 =	vunpack.c.0.s8.s32 v27;
	v7 =	vunpack.c.0.s8.s32 v26  }
0xa6: {  	vm9 =	vcmask $0xF00;
	[tilespmem:$0x82E6] =	vst v5  }
0xa7: {  	vm10 =	vcmask $0x1F10;
	v29 =	vand.u32 $0xFF, v8;
	v28 =	vnsel vm9, $0x87, v7;
	v5 =	vld.idx.msk [tilespmem:v6+s5+$0x0], $0xffff  }
0xa8: {  	v6 =	vsel vm10, v29, v28;
	_ =	sdelay $0x2  }
0xa9: {  	s28 =	smul.u32 $0x11, s3  }
0xaa: {  	s29 =	simm.s32 $0x8280;
	[tilespmem:$0x82F7] =	vst v5  }
0xab: {  	s6 =	sadd.s32 s2, s28;
	[tilespmem:v6+s29+$0x0] =	vst.idx.msk $0xff, v1  }
0xac: {  	[hbm4b:s6+s1] =	stream.linear.scatter [tilespmem:s29], [sflag:$0x1], $0x88, $0x38;
	[tilespmem:$0x8400] =	vst v63  }
0xad: {  	s6 =	simm.s32 $0x2  }
0xae: {  	_ =	swait.ge [sflag:s6], $0x800  }
0xaf: {  	[sflag:s6] =	ssyncset.done $0x0  }
0xb0: {  	[sflag:s6] =	ssyncadd.s32 $0xFFFFF800  }
0xb1: {  	_ =	swait.ge [sflag:s6], $0x800  }
0xb2: {  	[sflag:s6] =	ssyncset.done $0x0  }
0xb3: {  	[sflag:s6] =	ssyncadd.s32 $0xFFFFF800  }
0xb4: {  	_ =	swait.ge [sflag:s6], $0x800  }
0xb5: {  	[sflag:s6] =	ssyncset.done $0x0  }
0xb6: {  	[sflag:s6] =	ssyncadd.s32 $0xFFFFF800  }
0xb7: {  	_ =	swait.ge [sflag:s6], $0x800  }
0xb8: {  	[sflag:s6] =	ssyncset.done $0x0  }
0xb9: {  	[sflag:s6] =	ssyncadd.s32 $0xFFFFF800  }
0xba: {  	_ =	swait.ge [sflag:s6], $0x800  }
0xbb: {  	[sflag:s6] =	ssyncset.done $0x0  }
0xbc: {  	[sflag:s6] =	ssyncadd.s32 $0xFFFFF800  }
0xbd: {  	_ =	swait.ge [sflag:s6], $0x800  }
0xbe: {  	[sflag:s6] =	ssyncset.done $0x0  }
0xbf: {  	[sflag:s6] =	ssyncadd.s32 $0xFFFFF800  }
0xc0: {  	_ =	swait.ge [sflag:s6], $0x800  }
0xc1: {  	[sflag:s6] =	ssyncset.done $0x0  }
0xc2: {  	v30 =	vand.u32 $0x7F, v2;
	[sflag:s6] =	ssyncadd.s32 $0xFFFFF800  }
0xc3: {  	v2 =	vnsel vm6, $0x0, v30;
	_ =	swait.ge [sflag:s6], $0x800  }
0xc4: {  	(xrf0) =	vadd.scan.msk.s32 $0xffff, v2;
	_ =	sdelay $0x4  }
0xc5: {  	v31 =	vsel vm8, $0x0, v30  }
0xc6: {  	v32, _, _ =	vpop (xrf0);
	(xrf0) =	vadd.scan.msk.s32 $0xffff, v31  }
0xc7: {  	v33 =	vbroadcast v32, $0xF  }
0xc8: {  	v34 =	vor.u32 $0x4000, v4  }
0xc9: {  	v2 =	vadd.s32 v34, v33;
	_ =	sdelay $0x1  }
0xca: {  	v35 =	vsel vm7, $0x0, v30  }
0xcb: {  	[sflag:s6] =	ssyncset.done $0x0;
	v36, _, _ =	vpop (xrf0);
	(xrf0) =	vadd.scan.msk.s32 $0xffff, v35  }
0xcc: {  	[sflag:s6] =	ssyncadd.s32 $0xFFFFF800;
	v37 =	vbroadcast v36, $0xF  }
0xcd: {  	v38 =	vor.u32 $0x4800, v4;
	v2 =	vld.idx.msk [tilespmem:v2+s5+$0x0], $0xffff  }
0xce: {  	v5 =	vadd.s32 v38, v37;
	_ =	sdelay $0x1  }
0xcf: {  	v39 =	vsel vm4, $0x0, v30  }
0xd0: {  	v40, _, _ =	vpop (xrf0);
	(xrf0) =	vadd.scan.msk.s32 $0xffff, v39  }
0xd1: {  	[tilespmem:$0x8308] =	vst v2;
	v41 =	vbroadcast v40, $0xF  }
0xd2: {  	v42 =	vor.u32 $0x5000, v4;
	v5 =	vld.idx.msk [tilespmem:v5+s5+$0x0], $0xffff  }
0xd3: {  	v2 =	vadd.s32 v42, v41;
	_ =	sdelay $0x1  }
0xd4: {  	v43 =	vsel vm2, $0x0, v30  }
0xd5: {  	v44, _, _ =	vpop (xrf0);
	(xrf0) =	vadd.scan.msk.s32 $0xffff, v43  }
0xd6: {  	[tilespmem:$0x8319] =	vst v5;
	v45 =	vbroadcast v44, $0xF  }
0xd7: {  	v46 =	vor.u32 $0x5800, v4;
	v2 =	vld.idx.msk [tilespmem:v2+s5+$0x0], $0xffff  }
0xd8: {  	v5 =	vadd.s32 v46, v45;
	_ =	sdelay $0x1  }
0xd9: {  	v47 =	vsel vm1, $0x0, v30  }
0xda: {  	v48, _, _ =	vpop (xrf0);
	(xrf0) =	vadd.scan.msk.s32 $0xffff, v47  }
0xdb: {  	[tilespmem:$0x832A] =	vst v2;
	v49 =	vbroadcast v48, $0xF  }
0xdc: {  	v50 =	vor.u32 $0x6000, v4;
	v5 =	vld.idx.msk [tilespmem:v5+s5+$0x0], $0xffff  }
0xdd: {  	v2 =	vadd.s32 v50, v49;
	_ =	sdelay $0x1  }
0xde: {  	v51 =	vsel vm3, $0x0, v30  }
0xdf: {  	v52, _, _ =	vpop (xrf0);
	(xrf0) =	vadd.scan.msk.s32 $0xffff, v51  }
0xe0: {  	[tilespmem:$0x833B] =	vst v5;
	v53 =	vbroadcast v52, $0xF  }
0xe1: {  	v54 =	vor.u32 $0x6800, v4;
	v2 =	vld.idx.msk [tilespmem:v2+s5+$0x0], $0xffff  }
0xe2: {  	v5 =	vadd.s32 v54, v53;
	_ =	sdelay $0x1  }
0xe3: {  	v1 =	vsel vm5, $0x0, v30  }
0xe4: {  	v55, _, _ =	vpop (xrf0);
	(xrf0) =	vadd.scan.msk.s32 $0xffff, v1  }
0xe5: {  	[tilespmem:$0x834C] =	vst v2;
	v56 =	vbroadcast v55, $0xF  }
0xe6: {  	v57 =	vor.u32 $0x7000, v4;
	v2 =	vld.idx.msk [tilespmem:v5+s5+$0x0], $0xffff  }
0xe7: {  	v1 =	vadd.s32 v57, v56;
	_ =	sdelay $0x2  }
0xe8: {  	v58, _, _ =	vpop (xrf0)  }
0xe9: {  	[tilespmem:$0x835D] =	vst v2;
	v59 =	vbroadcast v58, $0xF  }
0xea: {  	v4 =	vor.u32 $0x7800, v4;
	v1 =	vld.idx.msk [tilespmem:v1+s5+$0x0], $0xffff  }
0xeb: {  	v2 =	vadd.s32 v4, v59  }
0xec: {  	v60 =	vimm.s32 $0xCBBAA998  }
0xed: {  	v61 =	vimm.s32 $0xFEEDDC;
	v4 =	vunpack.c.0.s8.s32 v60  }
0xee: {  	v5 =	vunpack.c.0.s8.s32 v61  }
0xef: {  	v62 =	vand.u32 $0xFF, v4;
	[tilespmem:$0x836E] =	vst v1  }
0xf0: {  	vm15 =	vcmask $0x1B10;
	v63 =	vand.u32 $0xFF, v5;
	v1 =	vnsel vm9, $0x10F, v62;
	v2 =	vld.idx.msk [tilespmem:v2+s5+$0x0], $0xffff  }
0xf1: {  	v3 =	vadd.f32 $0.0e+00, v3;
	v1 =	vsel vm15, v63, v1;
	_ =	sdelay $0x1  }
0xf2: {  	v3 =	vbroadcast v3, $0xF  }
0xf3: {  	s4 =	smul.u32 $0x11, s4  }
0xf4: {  	v0 =	vsel vm0, v0, v3;
	[tilespmem:$0x837F] =	vst v2  }
.Ltmp1:
0xf5: {  	s30 =	sadd.s32 s2, s4;
	s31 =	simm.s32 $0x8308;
	[tilespmem:v1+s29+$0x0] =	vst.idx.msk $0xff, v0;
	(pc) =	sbr.rel .LBB2_3-.Ltmp1, $4  }
0xf6: {  	[hbm4b:s30+s1] =	stream.linear.scatter [tilespmem:s31], [sflag:$0x2], $0x88, $0x38;
	[tilespmem:$0x8400] =	vst v63  }
0xf7: {  	_ =	swait.ge [sflag:s26], $0x88  }
0xf8: {  	[sflag:s26] =	ssyncset.done $0x0  }
0xf9: {  	[sflag:s26] =	ssyncadd.s32 $0xFFFFFF78  }
.LBB2_2:
0xfa: {  	s4 =	sshll.u32 s3, $0x3  }
0xfb: {  	v0 =	vld [tilespmem:s4+$0x0];
	_ =	sdelay $0x4  }
0xfc: {  	v0 =	vtrunc.f32 v0  }
0xfd: {  	v1 =	vcvt.f32.s32 v0  }
0xfe: {  	vm6 =	vmmov $0x1  }
0xff: {  	v0 =	vnsel vm6, $0x0, v1  }
0x100: {  	vm7 =	vcmask $0x308;
	(xrf0) =	vadd.scan.msk.s32 $0xffff, v0  }
0x101: {  	v18 =	vsel vm7, $0x0, v1  }
0x102: {  	(xrf0) =	vadd.scan.msk.s32 $0xffff, v18;
	_ =	sdelay $0x2  }
0x103: {  	vm5 =	vcmask $0x70C  }
0x104: {  	v20 =	vsel vm5, $0x0, v1;
	v19, _, _ =	vpop (xrf0)  }
0x105: {  	vm4 =	vcmask $0xB10;
	(xrf0) =	vadd.scan.msk.s32 $0xffff, v20;
	(v2sf) =	vpush v19, $0xF  }
0x106: {  	v22 =	vsel vm4, $0x0, v1;
	v21, _, _ =	vpop (xrf0)  }
0x107: {  	(xrf0) =	vadd.scan.msk.s32 $0xffff, v22;
	(v2sf) =	vpush v21, $0xF;
	_ =	sdelay $0x3  }
0x108: {  	vm2 =	vcmask $0xF14;
	v23, _, _ =	vpop (xrf0)  }
0x109: {  	v24 =	vsel vm2, $0x0, v1;
	(v2sf) =	vpush v23, $0xF  }
0x10a: {  	vm1 =	vcmask $0x1318;
	(xrf0) =	vadd.scan.msk.s32 $0xffff, v24;
	v25, _, _ =	vpop (xrf0)  }
0x10b: {  	v26 =	vsel vm1, $0x0, v1;
	(v2sf) =	vpush v25, $0xF  }
0x10c: {  	(xrf0) =	vadd.scan.msk.s32 $0xffff, v26;
	_ =	sdelay $0x2  }
0x10d: {  	vm0 =	vcmask $0x171C  }
0x10e: {  	v2 =	vsel vm0, $0x0, v1;
	v27, _, _ =	vpop (xrf0)  }
0x10f: {  	vm3 =	vcmask $0x1B20;
	(xrf0) =	vadd.scan.msk.s32 $0xffff, v2;
	s5 =	spop (v2sf);
	(v2sf) =	vpush v27, $0xF  }
0x110: {  	v30 =	vsel vm3, $0x0, v1;
	v29, _, _ =	vpop (xrf0)  }
0x111: {  	(xrf0) =	vadd.scan.msk.s32 $0xffff, v30;
	s16 =	spop (v2sf);
	(v2sf) =	vpush v29, $0xF  }
0x112: {  	s7 =	simm.s32 $0x400;
	s5 =	sand.u32 $0xFFFFF80, s5  }
0x113: {  	s8 =	simm.s32 $0x7A1400;
	s15 =	simm.s32 $0x280;
	s5 =	sadd.s32 s6, s5  }
0x114: {  	v28 =	vld [tilespmem:s4+$0x100];
	[tilespmem:s15], [sflag:$0x1] =	stream.strided.gather [hbm4b:s5+s7], $0x800, s8, s7, $0x38  }
0x115: {  	v31, _, _ =	vpop (xrf0);
	s5 =	sand.u32 $0xFFFFF80, s16  }
0x116: {  	s9 =	simm.s32 $0xA80;
	s5 =	sadd.s32 s6, s5;
	s17 =	spop (v2sf);
	(v2sf) =	vpush v31, $0xF  }
0x117: {  	v32, _, _ =	vpop (xrf0);
	[tilespmem:s9], [sflag:$0x1] =	stream.strided.gather [hbm4b:s5+s7], $0x800, s8, s7, $0x38;
	[tilespmem:$0x8400] =	vst v63  }
0x118: {  	s5 =	sand.u32 $0xFFFFF80, s17;
	s19 =	spop (v2sf);
	(v2sf) =	vpush v32, $0xF  }
0x119: {  	s18 =	simm.s32 $0x1280;
	s5 =	sadd.s32 s6, s5  }
0x11a: {  	[tilespmem:s18], [sflag:$0x1] =	stream.strided.gather [hbm4b:s5+s7], $0x800, s8, s7, $0x38;
	[tilespmem:$0x8400] =	vst v63  }
0x11b: {  	s5 =	sand.u32 $0xFFFFF80, s19  }
0x11c: {  	s20 =	simm.s32 $0x1A80;
	s5 =	sadd.s32 s6, s5  }
0x11d: {  	[tilespmem:s20], [sflag:$0x1] =	stream.strided.gather [hbm4b:s5+s7], $0x800, s8, s7, $0x38;
	[tilespmem:$0x8400] =	vst v63  }
0x11e: {  	s21 =	spop (v2sf)  }
0x11f: {  	s5 =	sand.u32 $0xFFFFF80, s21  }
0x120: {  	s22 =	simm.s32 $0x2280;
	s23 =	spop (v2sf);
	s5 =	sadd.s32 s6, s5  }
0x121: {  	[tilespmem:s22], [sflag:$0x1] =	stream.strided.gather [hbm4b:s5+s7], $0x800, s8, s7, $0x38;
	[tilespmem:$0x8400] =	vst v63  }
0x122: {  	s5 =	sand.u32 $0xFFFFF80, s23  }
0x123: {  	s24 =	simm.s32 $0x2A80;
	s5 =	sadd.s32 s6, s5  }
0x124: {  	[tilespmem:s24], [sflag:$0x1] =	stream.strided.gather [hbm4b:s5+s7], $0x800, s8, s7, $0x38;
	[tilespmem:$0x8400] =	vst v63  }
0x125: {  	s25 =	spop (v2sf)  }
0x126: {  	s5 =	sand.u32 $0xFFFFF80, s25  }
0x127: {  	s26 =	simm.s32 $0x3280;
	s28 =	spop (v2sf);
	s5 =	sadd.s32 s6, s5  }
0x128: {  	[tilespmem:s26], [sflag:$0x1] =	stream.strided.gather [hbm4b:s5+s7], $0x800, s8, s7, $0x38;
	[tilespmem:$0x8400] =	vst v63  }
0x129: {  	s5 =	sand.u32 $0xFFFFF80, s28  }
0x12a: {  	s29 =	simm.s32 $0x3A80;
	s5 =	sadd.s32 s6, s5;
	s6 =	simm.s32 $0x1  }
0x12b: {  	[tilespmem:s29], [sflag:$0x1] =	stream.strided.gather [hbm4b:s5+s7], $0x800, s8, s7, $0x38;
	[tilespmem:$0x8400] =	vst v63  }
0x12c: {  	_ =	swait.ge [sflag:s6], $0x800  }
0x12d: {  	[sflag:s6] =	ssyncset.done $0x0  }
0x12e: {  	[sflag:s6] =	ssyncadd.s32 $0xFFFFF800  }
0x12f: {  	_ =	swait.ge [sflag:s6], $0x800  }
0x130: {  	[sflag:s6] =	ssyncset.done $0x0  }
0x131: {  	[sflag:s6] =	ssyncadd.s32 $0xFFFFF800  }
0x132: {  	_ =	swait.ge [sflag:s6], $0x800  }
0x133: {  	[sflag:s6] =	ssyncset.done $0x0  }
0x134: {  	[sflag:s6] =	ssyncadd.s32 $0xFFFFF800  }
0x135: {  	_ =	swait.ge [sflag:s6], $0x800  }
0x136: {  	[sflag:s6] =	ssyncset.done $0x0  }
0x137: {  	[sflag:s6] =	ssyncadd.s32 $0xFFFFF800  }
0x138: {  	_ =	swait.ge [sflag:s6], $0x800  }
0x139: {  	[sflag:s6] =	ssyncset.done $0x0  }
0x13a: {  	[sflag:s6] =	ssyncadd.s32 $0xFFFFF800  }
0x13b: {  	_ =	swait.ge [sflag:s6], $0x800  }
0x13c: {  	[sflag:s6] =	ssyncset.done $0x0  }
0x13d: {  	[sflag:s6] =	ssyncadd.s32 $0xFFFFF800  }
0x13e: {  	_ =	swait.ge [sflag:s6], $0x800  }
0x13f: {  	[sflag:s6] =	ssyncset.done $0x0  }
0x140: {  	v1 =	vand.u32 $0x7F, v1;
	[sflag:s6] =	ssyncadd.s32 $0xFFFFF800  }
0x141: {  	v33 =	vnsel vm6, $0x0, v1;
	_ =	swait.ge [sflag:s6], $0x800  }
0x142: {  	(xrf0) =	vadd.scan.msk.s32 $0xffff, v33;
	_ =	sdelay $0x4  }
0x143: {  	v34 =	vsel vm7, $0x0, v1  }
0x144: {  	v4 =	vlaneseq.u32;
	v3, _, _ =	vpop (xrf0);
	(xrf0) =	vadd.scan.msk.s32 $0xffff, v34  }
0x145: {  	v36 =	vmul.u32 $0x80, v4;
	v35 =	vbroadcast v3, $0xF;
	_ =	sdelay $0x1  }
0x146: {  	v2 =	vadd.s32 v36, v35;
	_ =	sdelay $0x1  }
0x147: {  	v37 =	vsel vm5, $0x0, v1  }
0x148: {  	[sflag:s6] =	ssyncset.done $0x0;
	v5, _, _ =	vpop (xrf0);
	(xrf0) =	vadd.scan.msk.s32 $0xffff, v37  }
0x149: {  	[sflag:s6] =	ssyncadd.s32 $0xFFFFF800;
	v38 =	vbroadcast v5, $0xF  }
0x14a: {  	v39 =	vor.u32 $0x800, v36;
	v2 =	vld.idx.msk [tilespmem:v2+s15+$0x0], $0xffff  }
0x14b: {  	v4 =	vadd.s32 v39, v38;
	_ =	sdelay $0x1  }
0x14c: {  	v40 =	vsel vm4, $0x0, v1  }
0x14d: {  	v6, _, _ =	vpop (xrf0);
	(xrf0) =	vadd.scan.msk.s32 $0xffff, v40  }
0x14e: {  	[tilespmem:$0x8280] =	vst v2;
	v41 =	vbroadcast v6, $0xF  }
0x14f: {  	v42 =	vor.u32 $0x1000, v36;
	v4 =	vld.idx.msk [tilespmem:v4+s15+$0x0], $0xffff  }
0x150: {  	v2 =	vadd.s32 v42, v41;
	_ =	sdelay $0x1  }
0x151: {  	v43 =	vsel vm2, $0x0, v1  }
0x152: {  	v44, _, _ =	vpop (xrf0);
	(xrf0) =	vadd.scan.msk.s32 $0xffff, v43  }
0x153: {  	[tilespmem:$0x8291] =	vst v4;
	v45 =	vbroadcast v44, $0xF  }
0x154: {  	v46 =	vor.u32 $0x1800, v36;
	v2 =	vld.idx.msk [tilespmem:v2+s15+$0x0], $0xffff  }
0x155: {  	v4 =	vadd.s32 v46, v45;
	_ =	sdelay $0x1  }
0x156: {  	v47 =	vsel vm1, $0x0, v1  }
0x157: {  	v48, _, _ =	vpop (xrf0);
	(xrf0) =	vadd.scan.msk.s32 $0xffff, v47  }
0x158: {  	[tilespmem:$0x82A2] =	vst v2;
	v49 =	vbroadcast v48, $0xF  }
0x159: {  	v50 =	vor.u32 $0x2000, v36;
	v4 =	vld.idx.msk [tilespmem:v4+s15+$0x0], $0xffff  }
0x15a: {  	v2 =	vadd.s32 v50, v49;
	_ =	sdelay $0x1  }
0x15b: {  	v51 =	vsel vm0, $0x0, v1  }
0x15c: {  	v52, _, _ =	vpop (xrf0);
	(xrf0) =	vadd.scan.msk.s32 $0xffff, v51  }
0x15d: {  	[tilespmem:$0x82B3] =	vst v4;
	v53 =	vbroadcast v52, $0xF  }
0x15e: {  	v54 =	vor.u32 $0x2800, v36;
	v2 =	vld.idx.msk [tilespmem:v2+s15+$0x0], $0xffff  }
0x15f: {  	v4 =	vadd.s32 v54, v53;
	_ =	sdelay $0x1  }
0x160: {  	v1 =	vsel vm3, $0x0, v1  }
0x161: {  	v55, _, _ =	vpop (xrf0);
	(xrf0) =	vadd.scan.msk.s32 $0xffff, v1  }
0x162: {  	[tilespmem:$0x82C4] =	vst v2;
	v56 =	vbroadcast v55, $0xF  }
0x163: {  	v57 =	vor.u32 $0x3000, v36;
	v2 =	vld.idx.msk [tilespmem:v4+s15+$0x0], $0xffff  }
0x164: {  	v1 =	vadd.s32 v57, v56;
	_ =	sdelay $0x2  }
0x165: {  	v58, _, _ =	vpop (xrf0)  }
0x166: {  	[tilespmem:$0x82D5] =	vst v2;
	v59 =	vbroadcast v58, $0xF  }
0x167: {  	v3 =	vor.u32 $0x3800, v36;
	v1 =	vld.idx.msk [tilespmem:v1+s15+$0x0], $0xffff  }
0x168: {  	v2 =	vadd.s32 v3, v59;
	_ =	sdelay $0x1  }
0x169: {  	v60 =	vimm.s32 $0x43322110;
	v61 =	vimm.s32 $0x87766554  }
0x16a: {  	v4 =	vunpack.c.0.s8.s32 v61;
	v3 =	vunpack.c.0.s8.s32 v60  }
0x16b: {  	vm14 =	vcmask $0xF00;
	[tilespmem:$0x82E6] =	vst v1  }
0x16c: {  	vm15 =	vcmask $0x1F10;
	v63 =	vand.u32 $0xFF, v4;
	v62 =	vnsel vm14, $0x87, v3;
	v1 =	vld.idx.msk [tilespmem:v2+s15+$0x0], $0xffff  }
0x16d: {  	v2 =	vsel vm15, v63, v62;
	_ =	sdelay $0x2  }
0x16e: {  	s30 =	smul.u32 $0x11, s3  }
0x16f: {  	s31 =	simm.s32 $0x8280;
	[tilespmem:$0x82F7] =	vst v1  }
0x170: {  	s2 =	sadd.s32 s2, s30;
	[tilespmem:v2+s31+$0x0] =	vst.idx.msk $0xff, v28  }
0x171: {  	[hbm4b:s2+s1] =	stream.linear.scatter [tilespmem:s31], [sflag:$0x1], $0x88, $0x38;
	[tilespmem:$0x8400] =	vst v63  }
.LBB2_3:
0x172: {  	_ =	swait.ge [sflag:s6], $0x88  }
0x173: {  	[sflag:s6] =	ssyncset.done $0x0  }
0x174: {  	[sflag:s6] =	ssyncadd.s32 $0xFFFFFF78  }
0x175: {  	_ =	sfence.sel $0x180000  }
0x176: {  	[bflag:$0x0] =	sbarrier.arrive $0xFFFF  }
0x177: {  	p0 =	sne.s32 s3, $0x0;
	_ =	strace $0x90000047  }
0x178: {  	s0 =	sadd.s32 @!p0 $0x100000, s0;
	[bflag:$0x2] =	sbarrier.arrive $0xFFFF  }
0x179: {  	[sflag:s0] =	ssyncadd.tile.s32 @!p0 $0x1;
	_ =	shalt  }
.Lfunc_end2:
_tile_overlayer_lowered:
.L_overlay_start_2:
0x17a: {  	(tag) =	ssettag $0x2  }
0x17b: {  	s0 =	rddreg [dreg:$0x0];
	s2 =	stileid.u32  }
0x17c: {  	s1 =	rddreg [dreg:$0x1];
	p0 =	sne.s32 s2, $0x0  }
0x17d: {  	s3 =	rddreg [dreg:$0x2];
	[bflag:$0x3] =	sbarrier.arrive $0xFFFF;
	s2 =	simm.s32 @!p0 $0x1C04  }
0x17e: {  	[timem:s3], [sflag:s2] =	dma.local @!p0 [hbm:s0], s1  }
0x17f: {  	s0 =	simm.s32 @!p0 $0x4  }
0x180: {  	_ =	swait.ge @!p0 [sflag:s0], s1  }
0x181: {  	s1 =	ssub.s32 @!p0 $0x0, s1;
	[sflag:s0] =	ssyncset.done @!p0 $0x0  }
0x182: {  	[sflag:s0] =	ssyncadd.s32 @!p0 s1  }
0x183: {  	[bflag:$0x3] =	sbarrier.arrive $0xFFFF  }
0x184: {  	_ =	shalt  }

</sc_bundles>
